<compile_context>
chip_gen: v7x
topology: tpu7x:2x2x1
jax: 0.10.2.dev20260603
libtpu: 0.0.44.dev20260713+nightly
codegen_flags: <defaults>
</compile_context>

<pallas_src>
import functools

import jax
import jax.numpy as jnp
import numpy as np
from jax import lax
from jax.experimental import pallas as pl
from jax.experimental.pallas import tpu as pltpu
from jax.experimental.pallas import tpu_sc as plsc

B = 16384
F = 26
FP = 32
D = 16
NS_GRP = 4
N_FLAT = B * FP
OUT_ROWS = NS_GRP * B
HID1, HID2 = 256, 128
IN_DIM = F * D
PAD_DIM = FP * D
TOTAL_ROWS = F * 100000

NC, NS = 2, 16
NW = NC * NS
PER_W = N_FLAT // NW
CHUNK = 2048
NCHUNK = PER_W // CHUNK
G = CHUNK // 128

_eff = np.arange(FP, dtype=np.int64)
_eff = np.where(_eff < F, _eff, _eff - F)
_OFF_PLANES = np.stack([
    (_eff[8 * s + (np.arange(CHUNK) % 8)] * 100000).astype(np.int32)
    for s in range(NS_GRP)
]).reshape(-1)


def _gather_body(idx_hbm, offp_hbm, table_hbm, out_hbm,
                 idx_v, offp_v, rows_v, wide_v, sem):
    wid = lax.axis_index("s") * NC + lax.axis_index("c")
    plane = wid // (NW // NS_GRP)
    pltpu.sync_copy(offp_hbm.at[pl.ds(plane * CHUNK, CHUNK)], offp_v)

    def chunk_body(c, _):
        base = wid * PER_W + c * CHUNK
        pltpu.sync_copy(idx_hbm.at[pl.ds(base, CHUNK)], idx_v)
        for j in range(CHUNK // 16):
            s = pl.ds(j * 16, 16)
            idx_v[s] = idx_v[s] + offp_v[s]
        copies = []
        for g in range(G):
            copies.append(pltpu.async_copy(
                table_hbm.at[idx_v.at[pl.ds(g * 128, 128)]],
                rows_v.at[pl.ds(g * 128, 128)],
                sem))
        for cp in copies:
            cp.wait()

        def bounce_body(r, _):
            for v in range(8):
                wide_v[r, pl.ds(v * D, D)] = rows_v[8 * r + v, :]
            return 0

        lax.fori_loop(0, CHUNK // 8, bounce_body, 0)
        pltpu.sync_copy(wide_v, out_hbm.at[pl.ds(base // 8, CHUNK // 8)])
        return 0

    lax.fori_loop(0, NCHUNK, chunk_body, 0)


def _sc_gather(idx_flat, table):
    mesh = plsc.VectorSubcoreMesh(core_axis_name="c", subcore_axis_name="s")
    k = functools.partial(
        pl.kernel,
        mesh=mesh,
        compiler_params=pltpu.CompilerParams(use_tc_tiling_on_sc=False),
        out_type=jax.ShapeDtypeStruct((OUT_ROWS, 128), jnp.float32),
        scratch_types=[
            pltpu.VMEM((CHUNK,), jnp.int32),
            pltpu.VMEM((CHUNK,), jnp.int32),
            pltpu.VMEM((CHUNK, D), jnp.float32),
            pltpu.VMEM((CHUNK // 8, 128), jnp.float32),
            pltpu.SemaphoreType.DMA,
        ],
    )(_gather_body)
    return k(idx_flat, jnp.asarray(_OFF_PLANES), table)


def _mlp_body(h0_ref, h1_ref, h2_ref, h3_ref,
              w1_ref, b1_ref, w2_ref, b2_ref, wo_ref, bo_ref, o_ref):
    planes = (h0_ref, h1_ref, h2_ref, h3_ref)
    blk = h0_ref.shape[0]
    acc = jnp.zeros((blk, HID1), jnp.float32)
    for s in range(NS_GRP):
        acc += jnp.dot(planes[s][...], w1_ref[pl.ds(s * 128, 128), :],
                       preferred_element_type=jnp.float32)
    h1 = jnp.maximum(acc + b1_ref[...], 0.0)
    h2 = jnp.maximum(
        jnp.dot(h1, w2_ref[...], preferred_element_type=jnp.float32)
        + b2_ref[...], 0.0)
    logit = jnp.dot(h2, wo_ref[...],
                    preferred_element_type=jnp.float32)[:, 0] + bo_ref[...]
    o_ref[...] = jax.nn.sigmoid(logit)


def _tc_mlp(planes, W1p, b1, W2, b2, Wo, bo):
    BLK = 2048
    nblk = B // BLK
    in_specs = [
        pl.BlockSpec((BLK, 128), lambda i, s=s: (s * nblk + i, 0))
        for s in range(NS_GRP)
    ] + [
        pl.BlockSpec((PAD_DIM, HID1), lambda i: (0, 0)),
        pl.BlockSpec((HID1,), lambda i: (0,)),
        pl.BlockSpec((HID1, HID2), lambda i: (0, 0)),
        pl.BlockSpec((HID2,), lambda i: (0,)),
        pl.BlockSpec((HID2, 1), lambda i: (0, 0)),
        pl.BlockSpec((1,), lambda i: (0,)),
    ]
    return pl.pallas_call(
        _mlp_body,
        grid=(nblk,),
        in_specs=in_specs,
        out_specs=pl.BlockSpec((BLK,), lambda i: (i,)),
        out_shape=jax.ShapeDtypeStruct((B,), jnp.float32),
    )(planes, planes, planes, planes, W1p, b1, W2, b2, Wo, bo)


def kernel(x, table, W1, b1, W2, b2, Wo, bo):
    xi = x.astype(jnp.int32)
    xp = jnp.concatenate([xi, xi[:, :FP - F]], axis=1)
    idx_flat = xp.reshape(B, NS_GRP, 8).transpose(1, 0, 2).reshape(N_FLAT)
    planes = _sc_gather(idx_flat, table)
    W1p = jnp.concatenate(
        [W1, jnp.zeros((PAD_DIM - IN_DIM, HID1), jnp.float32)], axis=0)
    return _tc_mlp(planes, W1p, b1, W2, b2, Wo, bo)

# --- scband reference (transcript-rebuilt; emitter-appended) ---
"""Pipeline reference for scband-dnnmodel-12421045420601 (READ-ONLY COPY).

The authoritative reference and input builder live on the scoring server;
editing this copy changes nothing except your own understanding.
"""

import jax, jax.numpy as jnp
import numpy as np

FIELD_DIMS = [100000] * 26
EMBED_DIM = 16
MLP_DIMS = [256, 128]
NUM_FIELDS = len(FIELD_DIMS)
TOTAL_ROWS = sum(FIELD_DIMS)
OFFSETS = jnp.asarray(np.concatenate([[0], np.cumsum(FIELD_DIMS)[:-1]]).astype(np.int64))


def setup_inputs(seed: int = 0) -> dict:
    key = jax.random.key(seed)
    ks = jax.random.split(key, 16)
    x = jax.random.randint(ks[0], (16384, NUM_FIELDS), 0, 100000, dtype=jnp.int64)
    table = jax.random.normal(ks[1], (TOTAL_ROWS, EMBED_DIM), dtype=jnp.float32) * 0.01
    in_dim = EMBED_DIM * NUM_FIELDS
    W1 = jax.random.normal(ks[2], (in_dim, MLP_DIMS[0]), dtype=jnp.float32) * (1.0 / np.sqrt(in_dim))
    b1 = jnp.zeros((MLP_DIMS[0],), dtype=jnp.float32)
    W2 = jax.random.normal(ks[3], (MLP_DIMS[0], MLP_DIMS[1]), dtype=jnp.float32) * (1.0 / np.sqrt(MLP_DIMS[0]))
    b2 = jnp.zeros((MLP_DIMS[1],), dtype=jnp.float32)
    Wo = jax.random.normal(ks[4], (MLP_DIMS[1], 1), dtype=jnp.float32) * (1.0 / np.sqrt(MLP_DIMS[1]))
    bo = jnp.zeros((1,), dtype=jnp.float32)
    return {"x": x, "table": table, "W1": W1, "b1": b1, "W2": W2, "b2": b2, "Wo": Wo, "bo": bo}


def reference(x, table, W1, b1, W2, b2, Wo, bo):
    # FeaturesEmbeddingByFields: each field has its own table; implemented as one
    # stacked table with per-field row offsets (identical math).
    idx = x + OFFSETS[None, :]
    embed_x = jnp.take(table, idx, axis=0)  # [B, F, D]
    B = embed_x.shape[0]
    h = embed_x.reshape(B, NUM_FIELDS * EMBED_DIM)
    # MultiLayerPerceptron (dropout is identity in eval)
    h = jax.nn.relu(h @ W1 + b1)
    h = jax.nn.relu(h @ W2 + b2)
    out = h @ Wo + bo  # [B, 1]
    return jax.nn.sigmoid(out.squeeze(1))

if __name__ == "__main__":
    import jax
    _d = setup_inputs()
    print(jax.jit(kernel)(*tuple(_d.values())))

</pallas_src>

<mosaic_0001>
#map = affine_map<(d0, d1) -> (0)>
#map1 = affine_map<(d0, d1) -> (0, 0)>
module attributes {stable_mosaic.version = 14 : i64} {
  func.func @_gather_body(%arg0: i32, %arg1: i32, %arg2: memref<524288xi32, #tpu.memory_space<hbm>>, %arg3: memref<8192xi32, #tpu.memory_space<hbm>>, %arg4: memref<2600000x16xf32, #tpu.memory_space<hbm>>, %arg5: memref<65536x128xf32, #tpu.memory_space<hbm>>, %arg6: memref<2048xi32, #tpu.memory_space<vmem>>, %arg7: memref<2048xi32, #tpu.memory_space<vmem>>, %arg8: memref<2048x16xf32, #tpu.memory_space<vmem>>, %arg9: memref<256x128xf32, #tpu.memory_space<vmem>>, %arg10: memref<!tpu.dma_semaphore, #tpu.memory_space<semaphore_mem>>) attributes {dimension_semantics = [#tpu.dimension_semantics<core_parallel>, #tpu.dimension_semantics<subcore_parallel>], iteration_bounds = array<i64: 2, 16>, scalar_prefetch = 0 : i64, scratch_operands = 5 : i64, tpu.core_type = #tpu.core_type<sc_vector_subcore>, window_params = [{transform_indices = #map}, {transform_indices = #map}, {transform_indices = #map1}, {transform_indices = #map1}]} {
    %mul3A = arith.constant 2 : i32
    %mul3A_0 = arith.muli %arg1, %mul3A : i32
    %add3A = arith.addi %mul3A_0, %arg0 : i32
    %jit3A = arith.constant 8 : i32
    %div3A = arith.divsi %add3A, %jit3A : i32
    %sign3A = arith.constant 0 : i32
    %sign3A_1 = arith.cmpi sgt, %add3A, %sign3A : i32
    %sign3A_2 = arith.extui %sign3A_1 : i1 to i32
    %sign3A_3 = arith.constant 0 : i32
    %sign3A_4 = arith.cmpi slt, %add3A, %sign3A_3 : i32
    %sign3A_5 = arith.extui %sign3A_4 : i1 to i32
    %sign3A_6 = arith.subi %sign3A_2, %sign3A_5 : i32
    %sign3A_7 = arith.constant 0 : i32
    %sign3A_8 = arith.cmpi sgt, %jit3A, %sign3A_7 : i32
    %sign3A_9 = arith.extui %sign3A_8 : i1 to i32
    %sign3A_10 = arith.constant 0 : i32
    %sign3A_11 = arith.cmpi slt, %jit3A, %sign3A_10 : i32
    %sign3A_12 = arith.extui %sign3A_11 : i1 to i32
    %sign3A_13 = arith.subi %sign3A_9, %sign3A_12 : i32
    %ne3A = arith.cmpi ne, %sign3A_6, %sign3A_13 : i32
    %rem3A = arith.remsi %add3A, %jit3A : i32
    %ne3A_14 = arith.constant 0 : i32
    %ne3A_15 = arith.cmpi ne, %rem3A, %ne3A_14 : i32
    %and3A = arith.andi %ne3A, %ne3A_15 : i1
    %sub3A = arith.constant 1 : i32
    %sub3A_16 = arith.subi %div3A, %sub3A : i32
    %select_n3A = arith.select %and3A, %sub3A_16, %div3A : i32
    %mul3A_17 = arith.constant 2048 : i32
    %mul3A_18 = arith.muli %select_n3A, %mul3A_17 : i32
    "tpu.region"() ({
      %run_scoped3A = tpu.sem_alloc : memref<!tpu.dma_semaphore, #tpu.memory_space<semaphore_mem>>
      %dma_start3A = tpu.memref_slice %arg3[%mul3A_18] : memref<8192xi32, #tpu.memory_space<hbm>> -> memref<2048xi32, #tpu.memory_space<hbm>>
      %dma_start3A_25 = tpu.memref_slice %arg3[%mul3A_18] : memref<8192xi32, #tpu.memory_space<hbm>> -> memref<2048xi32, #tpu.memory_space<hbm>>
      tpu.enqueue_dma source(%dma_start3A_25 : memref<2048xi32, #tpu.memory_space<hbm>>) target(%arg7 : memref<2048xi32, #tpu.memory_space<vmem>>) target_semaphore(%run_scoped3A : memref<!tpu.dma_semaphore, #tpu.memory_space<semaphore_mem>>)
      %dma_wait3A = tpu.memref_slice %arg3[%mul3A_18] : memref<8192xi32, #tpu.memory_space<hbm>> -> memref<2048xi32, #tpu.memory_space<hbm>>
      %dma_wait3A_26 = tpu.memref_slice %arg3[%mul3A_18] : memref<8192xi32, #tpu.memory_space<hbm>> -> memref<2048xi32, #tpu.memory_space<hbm>>
      tpu.wait_dma2 semaphore(%run_scoped3A : memref<!tpu.dma_semaphore, #tpu.memory_space<semaphore_mem>>) src(%dma_wait3A_26 : memref<2048xi32, #tpu.memory_space<hbm>>) dst(%arg7 : memref<2048xi32, #tpu.memory_space<vmem>>)
      tpu.yield
    }) : () -> ()
    %scan3A = arith.constant 0 : i32
    %scan3A_19 = arith.constant 0 : i32
    %scan3A_20 = arith.constant 8 : i32
    %scan3A_21 = arith.addi %scan3A_19, %scan3A_20 : i32
    %scan3A_22 = arith.constant 1 : i32
    %scan3A_23 = scf.for %scan3A_25 = %scan3A_19 to %scan3A_21 step %scan3A_22 iter_args(%scan3A_26 = %scan3A) -> (i32)  : i32 {
      %mul3A_27 = arith.constant 16384 : i32
      %mul3A_28 = arith.muli %add3A, %mul3A_27 : i32
      %mul3A_29 = arith.constant 2048 : i32
      %mul3A_30 = arith.muli %scan3A_25, %mul3A_29 : i32
      %add3A_31 = arith.addi %mul3A_28, %mul3A_30 : i32
      "tpu.region"() ({
        %run_scoped3A = tpu.sem_alloc : memref<!tpu.dma_semaphore, #tpu.memory_space<semaphore_mem>>
        %dma_start3A_1724 = tpu.memref_slice %arg2[%add3A_31] : memref<524288xi32, #tpu.memory_space<hbm>> -> memref<2048xi32, #tpu.memory_space<hbm>>
        %dma_start3A_1725 = tpu.memref_slice %arg2[%add3A_31] : memref<524288xi32, #tpu.memory_space<hbm>> -> memref<2048xi32, #tpu.memory_space<hbm>>
        tpu.enqueue_dma source(%dma_start3A_1725 : memref<2048xi32, #tpu.memory_space<hbm>>) target(%arg6 : memref<2048xi32, #tpu.memory_space<vmem>>) target_semaphore(%run_scoped3A : memref<!tpu.dma_semaphore, #tpu.memory_space<semaphore_mem>>)
        %dma_wait3A_1726 = tpu.memref_slice %arg2[%add3A_31] : memref<524288xi32, #tpu.memory_space<hbm>> -> memref<2048xi32, #tpu.memory_space<hbm>>
        %dma_wait3A_1727 = tpu.memref_slice %arg2[%add3A_31] : memref<524288xi32, #tpu.memory_space<hbm>> -> memref<2048xi32, #tpu.memory_space<hbm>>
        tpu.wait_dma2 semaphore(%run_scoped3A : memref<!tpu.dma_semaphore, #tpu.memory_space<semaphore_mem>>) src(%dma_wait3A_1727 : memref<2048xi32, #tpu.memory_space<hbm>>) dst(%arg6 : memref<2048xi32, #tpu.memory_space<vmem>>)
        tpu.yield
      }) : () -> ()
      %get3A = arith.constant 0 : index
      %get3A_32 = tpu.vector_load %arg6[%get3A] {strides = array<i32>} : memref<2048xi32, #tpu.memory_space<vmem>>, vector<16xi32>,
      %get3A_33 = vector.shape_cast %get3A_32 : vector<16xi32> to vector<16xi32>
      %get3A_34 = arith.constant 0 : index
      %get3A_35 = tpu.vector_load %arg7[%get3A_34] {strides = array<i32>} : memref<2048xi32, #tpu.memory_space<vmem>>, vector<16xi32>,
      %get3A_36 = vector.shape_cast %get3A_35 : vector<16xi32> to vector<16xi32>
      %add3A_37 = arith.addi %get3A_33, %get3A_36 : vector<16xi32>
      %swap3A = arith.constant 0 : index
      %swap3A_38 = tpu.vector_load %arg6[%swap3A] {strides = array<i32>} : memref<2048xi32, #tpu.memory_space<vmem>>, vector<16xi32>,
      %swap3A_39 = vector.shape_cast %swap3A_38 : vector<16xi32> to vector<16xi32>
      %swap3A_40 = vector.shape_cast %add3A_37 : vector<16xi32> to vector<16xi32>
      tpu.vector_store %arg6[%swap3A], %swap3A_40 {strides = array<i32>} : memref<2048xi32, #tpu.memory_space<vmem>>, vector<16xi32>,
      %get3A_41 = arith.constant 16 : index
      %get3A_42 = tpu.vector_load %arg6[%get3A_41] {strides = array<i32>} : memref<2048xi32, #tpu.memory_space<vmem>>, vector<16xi32>,
      %get3A_43 = vector.shape_cast %get3A_42 : vector<16xi32> to vector<16xi32>
      %get3A_44 = arith.constant 16 : index
      %get3A_45 = tpu.vector_load %arg7[%get3A_44] {strides = array<i32>} : memref<2048xi32, #tpu.memory_space<vmem>>, vector<16xi32>,
      %get3A_46 = vector.shape_cast %get3A_45 : vector<16xi32> to vector<16xi32>
      %add3A_47 = arith.addi %get3A_43, %get3A_46 : vector<16xi32>
      %swap3A_48 = arith.constant 16 : index
      %swap3A_49 = tpu.vector_load %arg6[%swap3A_48] {strides = array<i32>} : memref<2048xi32, #tpu.memory_space<vmem>>, vector<16xi32>,
      %swap3A_50 = vector.shape_cast %swap3A_49 : vector<16xi32> to vector<16xi32>
      %swap3A_51 = vector.shape_cast %add3A_47 : vector<16xi32> to vector<16xi32>
      tpu.vector_store %arg6[%swap3A_48], %swap3A_51 {strides = array<i32>} : memref<2048xi32, #tpu.memory_space<vmem>>, vector<16xi32>,
      %get3A_52 = arith.constant 32 : index
      %get3A_53 = tpu.vector_load %arg6[%get3A_52] {strides = array<i32>} : memref<2048xi32, #tpu.memory_space<vmem>>, vector<16xi32>,
      %get3A_54 = vector.shape_cast %get3A_53 : vector<16xi32> to vector<16xi32>
      %get3A_55 = arith.constant 32 : index
      %get3A_56 = tpu.vector_load %arg7[%get3A_55] {strides = array<i32>} : memref<2048xi32, #tpu.memory_space<vmem>>, vector<16xi32>,
      %get3A_57 = vector.shape_cast %get3A_56 : vector<16xi32> to vector<16xi32>
      %add3A_58 = arith.addi %get3A_54, %get3A_57 : vector<16xi32>
      %swap3A_59 = arith.constant 32 : index
      %swap3A_60 = tpu.vector_load %arg6[%swap3A_59] {strides = array<i32>} : memref<2048xi32, #tpu.memory_space<vmem>>, vector<16xi32>,
      %swap3A_61 = vector.shape_cast %swap3A_60 : vector<16xi32> to vector<16xi32>
      %swap3A_62 = vector.shape_cast %add3A_58 : vector<16xi32> to vector<16xi32>
      tpu.vector_store %arg6[%swap3A_59], %swap3A_62 {strides = array<i32>} : memref<2048xi32, #tpu.memory_space<vmem>>, vector<16xi32>,
      %get3A_63 = arith.constant 48 : index
      %get3A_64 = tpu.vector_load %arg6[%get3A_63] {strides = array<i32>} : memref<2048xi32, #tpu.memory_space<vmem>>, vector<16xi32>,
      %get3A_65 = vector.shape_cast %get3A_64 : vector<16xi32> to vector<16xi32>
      %get3A_66 = arith.constant 48 : index
      %get3A_67 = tpu.vector_load %arg7[%get3A_66] {strides = array<i32>} : memref<2048xi32, #tpu.memory_space<vmem>>, vector<16xi32>,
      %get3A_68 = vector.shape_cast %get3A_67 : vector<16xi32> to vector<16xi32>
      %add3A_69 = arith.addi %get3A_65, %get3A_68 : vector<16xi32>
      %swap3A_70 = arith.constant 48 : index
      %swap3A_71 = tpu.vector_load %arg6[%swap3A_70] {strides = array<i32>} : memref<2048xi32, #tpu.memory_space<vmem>>, vector<16xi32>,
      %swap3A_72 = vector.shape_cast %swap3A_71 : vector<16xi32> to vector<16xi32>
      %swap3A_73 = vector.shape_cast %add3A_69 : vector<16xi32> to vector<16xi32>
      tpu.vector_store %arg6[%swap3A_70], %swap3A_73 {strides = array<i32>} : memref<2048xi32, #tpu.memory_space<vmem>>, vector<16xi32>,
      %get3A_74 = arith.constant 64 : index
      %get3A_75 = tpu.vector_load %arg6[%get3A_74] {strides = array<i32>} : memref<2048xi32, #tpu.memory_space<vmem>>, vector<16xi32>,
      %get3A_76 = vector.shape_cast %get3A_75 : vector<16xi32> to vector<16xi32>
      %get3A_77 = arith.constant 64 : index
      %get3A_78 = tpu.vector_load %arg7[%get3A_77] {strides = array<i32>} : memref<2048xi32, #tpu.memory_space<vmem>>, vector<16xi32>,
      %get3A_79 = vector.shape_cast %get3A_78 : vector<16xi32> to vector<16xi32>
      %add3A_80 = arith.addi %get3A_76, %get3A_79 : vector<16xi32>
      %swap3A_81 = arith.constant 64 : index
      %swap3A_82 = tpu.vector_load %arg6[%swap3A_81] {strides = array<i32>} : memref<2048xi32, #tpu.memory_space<vmem>>, vector<16xi32>,
      %swap3A_83 = vector.shape_cast %swap3A_82 : vector<16xi32> to vector<16xi32>
      %swap3A_84 = vector.shape_cast %add3A_80 : vector<16xi32> to vector<16xi32>
      tpu.vector_store %arg6[%swap3A_81], %swap3A_84 {strides = array<i32>} : memref<2048xi32, #tpu.memory_space<vmem>>, vector<16xi32>,
      %get3A_85 = arith.constant 80 : index
      %get3A_86 = tpu.vector_load %arg6[%get3A_85] {strides = array<i32>} : memref<2048xi32, #tpu.memory_space<vmem>>, vector<16xi32>,
      %get3A_87 = vector.shape_cast %get3A_86 : vector<16xi32> to vector<16xi32>
      %get3A_88 = arith.constant 80 : index
      %get3A_89 = tpu.vector_load %arg7[%get3A_88] {strides = array<i32>} : memref<2048xi32, #tpu.memory_space<vmem>>, vector<16xi32>,
      %get3A_90 = vector.shape_cast %get3A_89 : vector<16xi32> to vector<16xi32>
      %add3A_91 = arith.addi %get3A_87, %get3A_90 : vector<16xi32>
      %swap3A_92 = arith.constant 80 : index
      %swap3A_93 = tpu.vector_load %arg6[%swap3A_92] {strides = array<i32>} : memref<2048xi32, #tpu.memory_space<vmem>>, vector<16xi32>,
      %swap3A_94 = vector.shape_cast %swap3A_93 : vector<16xi32> to vector<16xi32>
      %swap3A_95 = vector.shape_cast %add3A_91 : vector<16xi32> to vector<16xi32>
      tpu.vector_store %arg6[%swap3A_92], %swap3A_95 {strides = array<i32>} : memref<2048xi32, #tpu.memory_space<vmem>>, vector<16xi32>,
      %get3A_96 = arith.constant 96 : index
      %get3A_97 = tpu.vector_load %arg6[%get3A_96] {strides = array<i32>} : memref<2048xi32, #tpu.memory_space<vmem>>, vector<16xi32>,
      %get3A_98 = vector.shape_cast %get3A_97 : vector<16xi32> to vector<16xi32>
      %get3A_99 = arith.constant 96 : index
      %get3A_100 = tpu.vector_load %arg7[%get3A_99] {strides = array<i32>} : memref<2048xi32, #tpu.memory_space<vmem>>, vector<16xi32>,
      %get3A_101 = vector.shape_cast %get3A_100 : vector<16xi32> to vector<16xi32>
      %add3A_102 = arith.addi %get3A_98, %get3A_101 : vector<16xi32>
      %swap3A_103 = arith.constant 96 : index
      %swap3A_104 = tpu.vector_load %arg6[%swap3A_103] {strides = array<i32>} : memref<2048xi32, #tpu.memory_space<vmem>>, vector<16xi32>,
      %swap3A_105 = vector.shape_cast %swap3A_104 : vector<16xi32> to vector<16xi32>
      %swap3A_106 = vector.shape_cast %add3A_102 : vector<16xi32> to vector<16xi32>
      tpu.vector_store %arg6[%swap3A_103], %swap3A_106 {strides = array<i32>} : memref<2048xi32, #tpu.memory_space<vmem>>, vector<16xi32>,
      %get3A_107 = arith.constant 112 : index
      %get3A_108 = tpu.vector_load %arg6[%get3A_107] {strides = array<i32>} : memref<2048xi32, #tpu.memory_space<vmem>>, vector<16xi32>,
      %get3A_109 = vector.shape_cast %get3A_108 : vector<16xi32> to vector<16xi32>
      %get3A_110 = arith.constant 112 : index
      %get3A_111 = tpu.vector_load %arg7[%get3A_110] {strides = array<i32>} : memref<2048xi32, #tpu.memory_space<vmem>>, vector<16xi32>,
      %get3A_112 = vector.shape_cast %get3A_111 : vector<16xi32> to vector<16xi32>
      %add3A_113 = arith.addi %get3A_109, %get3A_112 : vector<16xi32>
      %swap3A_114 = arith.constant 112 : index
      %swap3A_115 = tpu.vector_load %arg6[%swap3A_114] {strides = array<i32>} : memref<2048xi32, #tpu.memory_space<vmem>>, vector<16xi32>,
      %swap3A_116 = vector.shape_cast %swap3A_115 : vector<16xi32> to vector<16xi32>
      %swap3A_117 = vector.shape_cast %add3A_113 : vector<16xi32> to vector<16xi32>
      tpu.vector_store %arg6[%swap3A_114], %swap3A_117 {strides = array<i32>} : memref<2048xi32, #tpu.memory_space<vmem>>, vector<16xi32>,
      %get3A_118 = arith.constant 128 : index
      %get3A_119 = tpu.vector_load %arg6[%get3A_118] {strides = array<i32>} : memref<2048xi32, #tpu.memory_space<vmem>>, vector<16xi32>,
      %get3A_120 = vector.shape_cast %get3A_119 : vector<16xi32> to vector<16xi32>
      %get3A_121 = arith.constant 128 : index
      %get3A_122 = tpu.vector_load %arg7[%get3A_121] {strides = array<i32>} : memref<2048xi32, #tpu.memory_space<vmem>>, vector<16xi32>,
      %get3A_123 = vector.shape_cast %get3A_122 : vector<16xi32> to vector<16xi32>
      %add3A_124 = arith.addi %get3A_120, %get3A_123 : vector<16xi32>
      %swap3A_125 = arith.constant 128 : index
      %swap3A_126 = tpu.vector_load %arg6[%swap3A_125] {strides = array<i32>} : memref<2048xi32, #tpu.memory_space<vmem>>, vector<16xi32>,
      %swap3A_127 = vector.shape_cast %swap3A_126 : vector<16xi32> to vector<16xi32>
      %swap3A_128 = vector.shape_cast %add3A_124 : vector<16xi32> to vector<16xi32>
      tpu.vector_store %arg6[%swap3A_125], %swap3A_128 {strides = array<i32>} : memref<2048xi32, #tpu.memory_space<vmem>>, vector<16xi32>,
      %get3A_129 = arith.constant 144 : index
      %get3A_130 = tpu.vector_load %arg6[%get3A_129] {strides = array<i32>} : memref<2048xi32, #tpu.memory_space<vmem>>, vector<16xi32>,
      %get3A_131 = vector.shape_cast %get3A_130 : vector<16xi32> to vector<16xi32>
      %get3A_132 = arith.constant 144 : index
      %get3A_133 = tpu.vector_load %arg7[%get3A_132] {strides = array<i32>} : memref<2048xi32, #tpu.memory_space<vmem>>, vector<16xi32>,
      %get3A_134 = vector.shape_cast %get3A_133 : vector<16xi32> to vector<16xi32>
      %add3A_135 = arith.addi %get3A_131, %get3A_134 : vector<16xi32>
      %swap3A_136 = arith.constant 144 : index
      %swap3A_137 = tpu.vector_load %arg6[%swap3A_136] {strides = array<i32>} : memref<2048xi32, #tpu.memory_space<vmem>>, vector<16xi32>,
      %swap3A_138 = vector.shape_cast %swap3A_137 : vector<16xi32> to vector<16xi32>
      %swap3A_139 = vector.shape_cast %add3A_135 : vector<16xi32> to vector<16xi32>
      tpu.vector_store %arg6[%swap3A_136], %swap3A_139 {strides = array<i32>} : memref<2048xi32, #tpu.memory_space<vmem>>, vector<16xi32>,
      %get3A_140 = arith.constant 160 : index
      %get3A_141 = tpu.vector_load %arg6[%get3A_140] {strides = array<i32>} : memref<2048xi32, #tpu.memory_space<vmem>>, vector<16xi32>,
      %get3A_142 = vector.shape_cast %get3A_141 : vector<16xi32> to vector<16xi32>
      %get3A_143 = arith.constant 160 : index
      %get3A_144 = tpu.vector_load %arg7[%get3A_143] {strides = array<i32>} : memref<2048xi32, #tpu.memory_space<vmem>>, vector<16xi32>,
      %get3A_145 = vector.shape_cast %get3A_144 : vector<16xi32> to vector<16xi32>
      %add3A_146 = arith.addi %get3A_142, %get3A_145 : vector<16xi32>
      %swap3A_147 = arith.constant 160 : index
      %swap3A_148 = tpu.vector_load %arg6[%swap3A_147] {strides = array<i32>} : memref<2048xi32, #tpu.memory_space<vmem>>, vector<16xi32>,
      %swap3A_149 = vector.shape_cast %swap3A_148 : vector<16xi32> to vector<16xi32>
      %swap3A_150 = vector.shape_cast %add3A_146 : vector<16xi32> to vector<16xi32>
      tpu.vector_store %arg6[%swap3A_147], %swap3A_150 {strides = array<i32>} : memref<2048xi32, #tpu.memory_space<vmem>>, vector<16xi32>,
      %get3A_151 = arith.constant 176 : index
      %get3A_152 = tpu.vector_load %arg6[%get3A_151] {strides = array<i32>} : memref<2048xi32, #tpu.memory_space<vmem>>, vector<16xi32>,
      %get3A_153 = vector.shape_cast %get3A_152 : vector<16xi32> to vector<16xi32>
      %get3A_154 = arith.constant 176 : index
      %get3A_155 = tpu.vector_load %arg7[%get3A_154] {strides = array<i32>} : memref<2048xi32, #tpu.memory_space<vmem>>, vector<16xi32>,
      %get3A_156 = vector.shape_cast %get3A_155 : vector<16xi32> to vector<16xi32>
      %add3A_157 = arith.addi %get3A_153, %get3A_156 : vector<16xi32>
      %swap3A_158 = arith.constant 176 : index
      %swap3A_159 = tpu.vector_load %arg6[%swap3A_158] {strides = array<i32>} : memref<2048xi32, #tpu.memory_space<vmem>>, vector<16xi32>,
      %swap3A_160 = vector.shape_cast %swap3A_159 : vector<16xi32> to vector<16xi32>
      %swap3A_161 = vector.shape_cast %add3A_157 : vector<16xi32> to vector<16xi32>
      tpu.vector_store %arg6[%swap3A_158], %swap3A_161 {strides = array<i32>} : memref<2048xi32, #tpu.memory_space<vmem>>, vector<16xi32>,
      %get3A_162 = arith.constant 192 : index
      %get3A_163 = tpu.vector_load %arg6[%get3A_162] {strides = array<i32>} : memref<2048xi32, #tpu.memory_space<vmem>>, vector<16xi32>,
      %get3A_164 = vector.shape_cast %get3A_163 : vector<16xi32> to vector<16xi32>
      %get3A_165 = arith.constant 192 : index
      %get3A_166 = tpu.vector_load %arg7[%get3A_165] {strides = array<i32>} : memref<2048xi32, #tpu.memory_space<vmem>>, vector<16xi32>,
      %get3A_167 = vector.shape_cast %get3A_166 : vector<16xi32> to vector<16xi32>
      %add3A_168 = arith.addi %get3A_164, %get3A_167 : vector<16xi32>
      %swap3A_169 = arith.constant 192 : index
      %swap3A_170 = tpu.vector_load %arg6[%swap3A_169] {strides = array<i32>} : memref<2048xi32, #tpu.memory_space<vmem>>, vector<16xi32>,
      %swap3A_171 = vector.shape_cast %swap3A_170 : vector<16xi32> to vector<16xi32>
      %swap3A_172 = vector.shape_cast %add3A_168 : vector<16xi32> to vector<16xi32>
      tpu.vector_store %arg6[%swap3A_169], %swap3A_172 {strides = array<i32>} : memref<2048xi32, #tpu.memory_space<vmem>>, vector<16xi32>,
      %get3A_173 = arith.constant 208 : index
      %get3A_174 = tpu.vector_load %arg6[%get3A_173] {strides = array<i32>} : memref<2048xi32, #tpu.memory_space<vmem>>, vector<16xi32>,
      %get3A_175 = vector.shape_cast %get3A_174 : vector<16xi32> to vector<16xi32>
      %get3A_176 = arith.constant 208 : index
      %get3A_177 = tpu.vector_load %arg7[%get3A_176] {strides = array<i32>} : memref<2048xi32, #tpu.memory_space<vmem>>, vector<16xi32>,
      %get3A_178 = vector.shape_cast %get3A_177 : vector<16xi32> to vector<16xi32>
      %add3A_179 = arith.addi %get3A_175, %get3A_178 : vector<16xi32>
      %swap3A_180 = arith.constant 208 : index
      %swap3A_181 = tpu.vector_load %arg6[%swap3A_180] {strides = array<i32>} : memref<2048xi32, #tpu.memory_space<vmem>>, vector<16xi32>,
      %swap3A_182 = vector.shape_cast %swap3A_181 : vector<16xi32> to vector<16xi32>
      %swap3A_183 = vector.shape_cast %add3A_179 : vector<16xi32> to vector<16xi32>
      tpu.vector_store %arg6[%swap3A_180], %swap3A_183 {strides = array<i32>} : memref<2048xi32, #tpu.memory_space<vmem>>, vector<16xi32>,
      %get3A_184 = arith.constant 224 : index
      %get3A_185 = tpu.vector_load %arg6[%get3A_184] {strides = array<i32>} : memref<2048xi32, #tpu.memory_space<vmem>>, vector<16xi32>,
      %get3A_186 = vector.shape_cast %get3A_185 : vector<16xi32> to vector<16xi32>
      %get3A_187 = arith.constant 224 : index
      %get3A_188 = tpu.vector_load %arg7[%get3A_187] {strides = array<i32>} : memref<2048xi32, #tpu.memory_space<vmem>>, vector<16xi32>,
      %get3A_189 = vector.shape_cast %get3A_188 : vector<16xi32> to vector<16xi32>
      %add3A_190 = arith.addi %get3A_186, %get3A_189 : vector<16xi32>
      %swap3A_191 = arith.constant 224 : index
      %swap3A_192 = tpu.vector_load %arg6[%swap3A_191] {strides = array<i32>} : memref<2048xi32, #tpu.memory_space<vmem>>, vector<16xi32>,
      %swap3A_193 = vector.shape_cast %swap3A_192 : vector<16xi32> to vector<16xi32>
      %swap3A_194 = vector.shape_cast %add3A_190 : vector<16xi32> to vector<16xi32>
      tpu.vector_store %arg6[%swap3A_191], %swap3A_194 {strides = array<i32>} : memref<2048xi32, #tpu.memory_space<vmem>>, vector<16xi32>,
      %get3A_195 = arith.constant 240 : index
      %get3A_196 = tpu.vector_load %arg6[%get3A_195] {strides = array<i32>} : memref<2048xi32, #tpu.memory_space<vmem>>, vector<16xi32>,
      %get3A_197 = vector.shape_cast %get3A_196 : vector<16xi32> to vector<16xi32>
      %get3A_198 = arith.constant 240 : index
      %get3A_199 = tpu.vector_load %arg7[%get3A_198] {strides = array<i32>} : memref<2048xi32, #tpu.memory_space<vmem>>, vector<16xi32>,
      %get3A_200 = vector.shape_cast %get3A_199 : vector<16xi32> to vector<16xi32>
      %add3A_201 = arith.addi %get3A_197, %get3A_200 : vector<16xi32>
      %swap3A_202 = arith.constant 240 : index
      %swap3A_203 = tpu.vector_load %arg6[%swap3A_202] {strides = array<i32>} : memref<2048xi32, #tpu.memory_space<vmem>>, vector<16xi32>,
      %swap3A_204 = vector.shape_cast %swap3A_203 : vector<16xi32> to vector<16xi32>
      %swap3A_205 = vector.shape_cast %add3A_201 : vector<16xi32> to vector<16xi32>
      tpu.vector_store %arg6[%swap3A_202], %swap3A_205 {strides = array<i32>} : memref<2048xi32, #tpu.memory_space<vmem>>, vector<16xi32>,
      %get3A_206 = arith.constant 256 : index
      %get3A_207 = tpu.vector_load %arg6[%get3A_206] {strides = array<i32>} : memref<2048xi32, #tpu.memory_space<vmem>>, vector<16xi32>,
      %get3A_208 = vector.shape_cast %get3A_207 : vector<16xi32> to vector<16xi32>
      %get3A_209 = arith.constant 256 : index
      %get3A_210 = tpu.vector_load %arg7[%get3A_209] {strides = array<i32>} : memref<2048xi32, #tpu.memory_space<vmem>>, vector<16xi32>,
      %get3A_211 = vector.shape_cast %get3A_210 : vector<16xi32> to vector<16xi32>
      %add3A_212 = arith.addi %get3A_208, %get3A_211 : vector<16xi32>
      %swap3A_213 = arith.constant 256 : index
      %swap3A_214 = tpu.vector_load %arg6[%swap3A_213] {strides = array<i32>} : memref<2048xi32, #tpu.memory_space<vmem>>, vector<16xi32>,
      %swap3A_215 = vector.shape_cast %swap3A_214 : vector<16xi32> to vector<16xi32>
      %swap3A_216 = vector.shape_cast %add3A_212 : vector<16xi32> to vector<16xi32>
      tpu.vector_store %arg6[%swap3A_213], %swap3A_216 {strides = array<i32>} : memref<2048xi32, #tpu.memory_space<vmem>>, vector<16xi32>,
      %get3A_217 = arith.constant 272 : index
      %get3A_218 = tpu.vector_load %arg6[%get3A_217] {strides = array<i32>} : memref<2048xi32, #tpu.memory_space<vmem>>, vector<16xi32>,
      %get3A_219 = vector.shape_cast %get3A_218 : vector<16xi32> to vector<16xi32>
      %get3A_220 = arith.constant 272 : index
      %get3A_221 = tpu.vector_load %arg7[%get3A_220] {strides = array<i32>} : memref<2048xi32, #tpu.memory_space<vmem>>, vector<16xi32>,
      %get3A_222 = vector.shape_cast %get3A_221 : vector<16xi32> to vector<16xi32>
      %add3A_223 = arith.addi %get3A_219, %get3A_222 : vector<16xi32>
      %swap3A_224 = arith.constant 272 : index
      %swap3A_225 = tpu.vector_load %arg6[%swap3A_224] {strides = array<i32>} : memref<2048xi32, #tpu.memory_space<vmem>>, vector<16xi32>,
      %swap3A_226 = vector.shape_cast %swap3A_225 : vector<16xi32> to vector<16xi32>
      %swap3A_227 = vector.shape_cast %add3A_223 : vector<16xi32> to vector<16xi32>
      tpu.vector_store %arg6[%swap3A_224], %swap3A_227 {strides = array<i32>} : memref<2048xi32, #tpu.memory_space<vmem>>, vector<16xi32>,
      %get3A_228 = arith.constant 288 : index
      %get3A_229 = tpu.vector_load %arg6[%get3A_228] {strides = array<i32>} : memref<2048xi32, #tpu.memory_space<vmem>>, vector<16xi32>,
      %get3A_230 = vector.shape_cast %get3A_229 : vector<16xi32> to vector<16xi32>
      %get3A_231 = arith.constant 288 : index
      %get3A_232 = tpu.vector_load %arg7[%get3A_231] {strides = array<i32>} : memref<2048xi32, #tpu.memory_space<vmem>>, vector<16xi32>,
      %get3A_233 = vector.shape_cast %get3A_232 : vector<16xi32> to vector<16xi32>
      %add3A_234 = arith.addi %get3A_230, %get3A_233 : vector<16xi32>
      %swap3A_235 = arith.constant 288 : index
      %swap3A_236 = tpu.vector_load %arg6[%swap3A_235] {strides = array<i32>} : memref<2048xi32, #tpu.memory_space<vmem>>, vector<16xi32>,
      %swap3A_237 = vector.shape_cast %swap3A_236 : vector<16xi32> to vector<16xi32>
      %swap3A_238 = vector.shape_cast %add3A_234 : vector<16xi32> to vector<16xi32>
      tpu.vector_store %arg6[%swap3A_235], %swap3A_238 {strides = array<i32>} : memref<2048xi32, #tpu.memory_space<vmem>>, vector<16xi32>,
      %get3A_239 = arith.constant 304 : index
      %get3A_240 = tpu.vector_load %arg6[%get3A_239] {strides = array<i32>} : memref<2048xi32, #tpu.memory_space<vmem>>, vector<16xi32>,
      %get3A_241 = vector.shape_cast %get3A_240 : vector<16xi32> to vector<16xi32>
      %get3A_242 = arith.constant 304 : index
      %get3A_243 = tpu.vector_load %arg7[%get3A_242] {strides = array<i32>} : memref<2048xi32, #tpu.memory_space<vmem>>, vector<16xi32>,
      %get3A_244 = vector.shape_cast %get3A_243 : vector<16xi32> to vector<16xi32>
      %add3A_245 = arith.addi %get3A_241, %get3A_244 : vector<16xi32>
      %swap3A_246 = arith.constant 304 : index
      %swap3A_247 = tpu.vector_load %arg6[%swap3A_246] {strides = array<i32>} : memref<2048xi32, #tpu.memory_space<vmem>>, vector<16xi32>,
      %swap3A_248 = vector.shape_cast %swap3A_247 : vector<16xi32> to vector<16xi32>
      %swap3A_249 = vector.shape_cast %add3A_245 : vector<16xi32> to vector<16xi32>
      tpu.vector_store %arg6[%swap3A_246], %swap3A_249 {strides = array<i32>} : memref<2048xi32, #tpu.memory_space<vmem>>, vector<16xi32>,
      %get3A_250 = arith.constant 320 : index
      %get3A_251 = tpu.vector_load %arg6[%get3A_250] {strides = array<i32>} : memref<2048xi32, #tpu.memory_space<vmem>>, vector<16xi32>,
      %get3A_252 = vector.shape_cast %get3A_251 : vector<16xi32> to vector<16xi32>
      %get3A_253 = arith.constant 320 : index
      %get3A_254 = tpu.vector_load %arg7[%get3A_253] {strides = array<i32>} : memref<2048xi32, #tpu.memory_space<vmem>>, vector<16xi32>,
      %get3A_255 = vector.shape_cast %get3A_254 : vector<16xi32> to vector<16xi32>
      %add3A_256 = arith.addi %get3A_252, %get3A_255 : vector<16xi32>
      %swap3A_257 = arith.constant 320 : index
      %swap3A_258 = tpu.vector_load %arg6[%swap3A_257] {strides = array<i32>} : memref<2048xi32, #tpu.memory_space<vmem>>, vector<16xi32>,
      %swap3A_259 = vector.shape_cast %swap3A_258 : vector<16xi32> to vector<16xi32>
      %swap3A_260 = vector.shape_cast %add3A_256 : vector<16xi32> to vector<16xi32>
      tpu.vector_store %arg6[%swap3A_257], %swap3A_260 {strides = array<i32>} : memref<2048xi32, #tpu.memory_space<vmem>>, vector<16xi32>,
      %get3A_261 = arith.constant 336 : index
      %get3A_262 = tpu.vector_load %arg6[%get3A_261] {strides = array<i32>} : memref<2048xi32, #tpu.memory_space<vmem>>, vector<16xi32>,
      %get3A_263 = vector.shape_cast %get3A_262 : vector<16xi32> to vector<16xi32>
      %get3A_264 = arith.constant 336 : index
      %get3A_265 = tpu.vector_load %arg7[%get3A_264] {strides = array<i32>} : memref<2048xi32, #tpu.memory_space<vmem>>, vector<16xi32>,
      %get3A_266 = vector.shape_cast %get3A_265 : vector<16xi32> to vector<16xi32>
      %add3A_267 = arith.addi %get3A_263, %get3A_266 : vector<16xi32>
      %swap3A_268 = arith.constant 336 : index
      %swap3A_269 = tpu.vector_load %arg6[%swap3A_268] {strides = array<i32>} : memref<2048xi32, #tpu.memory_space<vmem>>, vector<16xi32>,
      %swap3A_270 = vector.shape_cast %swap3A_269 : vector<16xi32> to vector<16xi32>
      %swap3A_271 = vector.shape_cast %add3A_267 : vector<16xi32> to vector<16xi32>
      tpu.vector_store %arg6[%swap3A_268], %swap3A_271 {strides = array<i32>} : memref<2048xi32, #tpu.memory_space<vmem>>, vector<16xi32>,
      %get3A_272 = arith.constant 352 : index
      %get3A_273 = tpu.vector_load %arg6[%get3A_272] {strides = array<i32>} : memref<2048xi32, #tpu.memory_space<vmem>>, vector<16xi32>,
      %get3A_274 = vector.shape_cast %get3A_273 : vector<16xi32> to vector<16xi32>
      %get3A_275 = arith.constant 352 : index
      %get3A_276 = tpu.vector_load %arg7[%get3A_275] {strides = array<i32>} : memref<2048xi32, #tpu.memory_space<vmem>>, vector<16xi32>,
      %get3A_277 = vector.shape_cast %get3A_276 : vector<16xi32> to vector<16xi32>
      %add3A_278 = arith.addi %get3A_274, %get3A_277 : vector<16xi32>
      %swap3A_279 = arith.constant 352 : index
      %swap3A_280 = tpu.vector_load %arg6[%swap3A_279] {strides = array<i32>} : memref<2048xi32, #tpu.memory_space<vmem>>, vector<16xi32>,
      %swap3A_281 = vector.shape_cast %swap3A_280 : vector<16xi32> to vector<16xi32>
      %swap3A_282 = vector.shape_cast %add3A_278 : vector<16xi32> to vector<16xi32>
      tpu.vector_store %arg6[%swap3A_279], %swap3A_282 {strides = array<i32>} : memref<2048xi32, #tpu.memory_space<vmem>>, vector<16xi32>,
      %get3A_283 = arith.constant 368 : index
      %get3A_284 = tpu.vector_load %arg6[%get3A_283] {strides = array<i32>} : memref<2048xi32, #tpu.memory_space<vmem>>, vector<16xi32>,
      %get3A_285 = vector.shape_cast %get3A_284 : vector<16xi32> to vector<16xi32>
      %get3A_286 = arith.constant 368 : index
      %get3A_287 = tpu.vector_load %arg7[%get3A_286] {strides = array<i32>} : memref<2048xi32, #tpu.memory_space<vmem>>, vector<16xi32>,
      %get3A_288 = vector.shape_cast %get3A_287 : vector<16xi32> to vector<16xi32>
      %add3A_289 = arith.addi %get3A_285, %get3A_288 : vector<16xi32>
      %swap3A_290 = arith.constant 368 : index
      %swap3A_291 = tpu.vector_load %arg6[%swap3A_290] {strides = array<i32>} : memref<2048xi32, #tpu.memory_space<vmem>>, vector<16xi32>,
      %swap3A_292 = vector.shape_cast %swap3A_291 : vector<16xi32> to vector<16xi32>
      %swap3A_293 = vector.shape_cast %add3A_289 : vector<16xi32> to vector<16xi32>
      tpu.vector_store %arg6[%swap3A_290], %swap3A_293 {strides = array<i32>} : memref<2048xi32, #tpu.memory_space<vmem>>, vector<16xi32>,
      %get3A_294 = arith.constant 384 : index
      %get3A_295 = tpu.vector_load %arg6[%get3A_294] {strides = array<i32>} : memref<2048xi32, #tpu.memory_space<vmem>>, vector<16xi32>,
      %get3A_296 = vector.shape_cast %get3A_295 : vector<16xi32> to vector<16xi32>
      %get3A_297 = arith.constant 384 : index
      %get3A_298 = tpu.vector_load %arg7[%get3A_297] {strides = array<i32>} : memref<2048xi32, #tpu.memory_space<vmem>>, vector<16xi32>,
      %get3A_299 = vector.shape_cast %get3A_298 : vector<16xi32> to vector<16xi32>
      %add3A_300 = arith.addi %get3A_296, %get3A_299 : vector<16xi32>
      %swap3A_301 = arith.constant 384 : index
      %swap3A_302 = tpu.vector_load %arg6[%swap3A_301] {strides = array<i32>} : memref<2048xi32, #tpu.memory_space<vmem>>, vector<16xi32>,
      %swap3A_303 = vector.shape_cast %swap3A_302 : vector<16xi32> to vector<16xi32>
      %swap3A_304 = vector.shape_cast %add3A_300 : vector<16xi32> to vector<16xi32>
      tpu.vector_store %arg6[%swap3A_301], %swap3A_304 {strides = array<i32>} : memref<2048xi32, #tpu.memory_space<vmem>>, vector<16xi32>,
      %get3A_305 = arith.constant 400 : index
      %get3A_306 = tpu.vector_load %arg6[%get3A_305] {strides = array<i32>} : memref<2048xi32, #tpu.memory_space<vmem>>, vector<16xi32>,
      %get3A_307 = vector.shape_cast %get3A_306 : vector<16xi32> to vector<16xi32>
      %get3A_308 = arith.constant 400 : index
      %get3A_309 = tpu.vector_load %arg7[%get3A_308] {strides = array<i32>} : memref<2048xi32, #tpu.memory_space<vmem>>, vector<16xi32>,
      %get3A_310 = vector.shape_cast %get3A_309 : vector<16xi32> to vector<16xi32>
      %add3A_311 = arith.addi %get3A_307, %get3A_310 : vector<16xi32>
      %swap3A_312 = arith.constant 400 : index
      %swap3A_313 = tpu.vector_load %arg6[%swap3A_312] {strides = array<i32>} : memref<2048xi32, #tpu.memory_space<vmem>>, vector<16xi32>,
      %swap3A_314 = vector.shape_cast %swap3A_313 : vector<16xi32> to vector<16xi32>
      %swap3A_315 = vector.shape_cast %add3A_311 : vector<16xi32> to vector<16xi32>
      tpu.vector_store %arg6[%swap3A_312], %swap3A_315 {strides = array<i32>} : memref<2048xi32, #tpu.memory_space<vmem>>, vector<16xi32>,
      %get3A_316 = arith.constant 416 : index
      %get3A_317 = tpu.vector_load %arg6[%get3A_316] {strides = array<i32>} : memref<2048xi32, #tpu.memory_space<vmem>>, vector<16xi32>,
      %get3A_318 = vector.shape_cast %get3A_317 : vector<16xi32> to vector<16xi32>
      %get3A_319 = arith.constant 416 : index
      %get3A_320 = tpu.vector_load %arg7[%get3A_319] {strides = array<i32>} : memref<2048xi32, #tpu.memory_space<vmem>>, vector<16xi32>,
      %get3A_321 = vector.shape_cast %get3A_320 : vector<16xi32> to vector<16xi32>
      %add3A_322 = arith.addi %get3A_318, %get3A_321 : vector<16xi32>
      %swap3A_323 = arith.constant 416 : index
      %swap3A_324 = tpu.vector_load %arg6[%swap3A_323] {strides = array<i32>} : memref<2048xi32, #tpu.memory_space<vmem>>, vector<16xi32>,
      %swap3A_325 = vector.shape_cast %swap3A_324 : vector<16xi32> to vector<16xi32>
      %swap3A_326 = vector.shape_cast %add3A_322 : vector<16xi32> to vector<16xi32>
      tpu.vector_store %arg6[%swap3A_323], %swap3A_326 {strides = array<i32>} : memref<2048xi32, #tpu.memory_space<vmem>>, vector<16xi32>,
      %get3A_327 = arith.constant 432 : index
      %get3A_328 = tpu.vector_load %arg6[%get3A_327] {strides = array<i32>} : memref<2048xi32, #tpu.memory_space<vmem>>, vector<16xi32>,
      %get3A_329 = vector.shape_cast %get3A_328 : vector<16xi32> to vector<16xi32>
      %get3A_330 = arith.constant 432 : index
      %get3A_331 = tpu.vector_load %arg7[%get3A_330] {strides = array<i32>} : memref<2048xi32, #tpu.memory_space<vmem>>, vector<16xi32>,
      %get3A_332 = vector.shape_cast %get3A_331 : vector<16xi32> to vector<16xi32>
      %add3A_333 = arith.addi %get3A_329, %get3A_332 : vector<16xi32>
      %swap3A_334 = arith.constant 432 : index
      %swap3A_335 = tpu.vector_load %arg6[%swap3A_334] {strides = array<i32>} : memref<2048xi32, #tpu.memory_space<vmem>>, vector<16xi32>,
      %swap3A_336 = vector.shape_cast %swap3A_335 : vector<16xi32> to vector<16xi32>
      %swap3A_337 = vector.shape_cast %add3A_333 : vector<16xi32> to vector<16xi32>
      tpu.vector_store %arg6[%swap3A_334], %swap3A_337 {strides = array<i32>} : memref<2048xi32, #tpu.memory_space<vmem>>, vector<16xi32>,
      %get3A_338 = arith.constant 448 : index
      %get3A_339 = tpu.vector_load %arg6[%get3A_338] {strides = array<i32>} : memref<2048xi32, #tpu.memory_space<vmem>>, vector<16xi32>,
      %get3A_340 = vector.shape_cast %get3A_339 : vector<16xi32> to vector<16xi32>
      %get3A_341 = arith.constant 448 : index
      %get3A_342 = tpu.vector_load %arg7[%get3A_341] {strides = array<i32>} : memref<2048xi32, #tpu.memory_space<vmem>>, vector<16xi32>,
      %get3A_343 = vector.shape_cast %get3A_342 : vector<16xi32> to vector<16xi32>
      %add3A_344 = arith.addi %get3A_340, %get3A_343 : vector<16xi32>
      %swap3A_345 = arith.constant 448 : index
      %swap3A_346 = tpu.vector_load %arg6[%swap3A_345] {strides = array<i32>} : memref<2048xi32, #tpu.memory_space<vmem>>, vector<16xi32>,
      %swap3A_347 = vector.shape_cast %swap3A_346 : vector<16xi32> to vector<16xi32>
      %swap3A_348 = vector.shape_cast %add3A_344 : vector<16xi32> to vector<16xi32>
      tpu.vector_store %arg6[%swap3A_345], %swap3A_348 {strides = array<i32>} : memref<2048xi32, #tpu.memory_space<vmem>>, vector<16xi32>,
      %get3A_349 = arith.constant 464 : index
      %get3A_350 = tpu.vector_load %arg6[%get3A_349] {strides = array<i32>} : memref<2048xi32, #tpu.memory_space<vmem>>, vector<16xi32>,
      %get3A_351 = vector.shape_cast %get3A_350 : vector<16xi32> to vector<16xi32>
      %get3A_352 = arith.constant 464 : index
      %get3A_353 = tpu.vector_load %arg7[%get3A_352] {strides = array<i32>} : memref<2048xi32, #tpu.memory_space<vmem>>, vector<16xi32>,
      %get3A_354 = vector.shape_cast %get3A_353 : vector<16xi32> to vector<16xi32>
      %add3A_355 = arith.addi %get3A_351, %get3A_354 : vector<16xi32>
      %swap3A_356 = arith.constant 464 : index
      %swap3A_357 = tpu.vector_load %arg6[%swap3A_356] {strides = array<i32>} : memref<2048xi32, #tpu.memory_space<vmem>>, vector<16xi32>,
      %swap3A_358 = vector.shape_cast %swap3A_357 : vector<16xi32> to vector<16xi32>
      %swap3A_359 = vector.shape_cast %add3A_355 : vector<16xi32> to vector<16xi32>
      tpu.vector_store %arg6[%swap3A_356], %swap3A_359 {strides = array<i32>} : memref<2048xi32, #tpu.memory_space<vmem>>, vector<16xi32>,
      %get3A_360 = arith.constant 480 : index
      %get3A_361 = tpu.vector_load %arg6[%get3A_360] {strides = array<i32>} : memref<2048xi32, #tpu.memory_space<vmem>>, vector<16xi32>,
      %get3A_362 = vector.shape_cast %get3A_361 : vector<16xi32> to vector<16xi32>
      %get3A_363 = arith.constant 480 : index
      %get3A_364 = tpu.vector_load %arg7[%get3A_363] {strides = array<i32>} : memref<2048xi32, #tpu.memory_space<vmem>>, vector<16xi32>,
      %get3A_365 = vector.shape_cast %get3A_364 : vector<16xi32> to vector<16xi32>
      %add3A_366 = arith.addi %get3A_362, %get3A_365 : vector<16xi32>
      %swap3A_367 = arith.constant 480 : index
      %swap3A_368 = tpu.vector_load %arg6[%swap3A_367] {strides = array<i32>} : memref<2048xi32, #tpu.memory_space<vmem>>, vector<16xi32>,
      %swap3A_369 = vector.shape_cast %swap3A_368 : vector<16xi32> to vector<16xi32>
      %swap3A_370 = vector.shape_cast %add3A_366 : vector<16xi32> to vector<16xi32>
      tpu.vector_store %arg6[%swap3A_367], %swap3A_370 {strides = array<i32>} : memref<2048xi32, #tpu.memory_space<vmem>>, vector<16xi32>,
      %get3A_371 = arith.constant 496 : index
      %get3A_372 = tpu.vector_load %arg6[%get3A_371] {strides = array<i32>} : memref<2048xi32, #tpu.memory_space<vmem>>, vector<16xi32>,
      %get3A_373 = vector.shape_cast %get3A_372 : vector<16xi32> to vector<16xi32>
      %get3A_374 = arith.constant 496 : index
      %get3A_375 = tpu.vector_load %arg7[%get3A_374] {strides = array<i32>} : memref<2048xi32, #tpu.memory_space<vmem>>, vector<16xi32>,
      %get3A_376 = vector.shape_cast %get3A_375 : vector<16xi32> to vector<16xi32>
      %add3A_377 = arith.addi %get3A_373, %get3A_376 : vector<16xi32>
      %swap3A_378 = arith.constant 496 : index
      %swap3A_379 = tpu.vector_load %arg6[%swap3A_378] {strides = array<i32>} : memref<2048xi32, #tpu.memory_space<vmem>>, vector<16xi32>,
      %swap3A_380 = vector.shape_cast %swap3A_379 : vector<16xi32> to vector<16xi32>
      %swap3A_381 = vector.shape_cast %add3A_377 : vector<16xi32> to vector<16xi32>
      tpu.vector_store %arg6[%swap3A_378], %swap3A_381 {strides = array<i32>} : memref<2048xi32, #tpu.memory_space<vmem>>, vector<16xi32>,
      %get3A_382 = arith.constant 512 : index
      %get3A_383 = tpu.vector_load %arg6[%get3A_382] {strides = array<i32>} : memref<2048xi32, #tpu.memory_space<vmem>>, vector<16xi32>,
      %get3A_384 = vector.shape_cast %get3A_383 : vector<16xi32> to vector<16xi32>
      %get3A_385 = arith.constant 512 : index
      %get3A_386 = tpu.vector_load %arg7[%get3A_385] {strides = array<i32>} : memref<2048xi32, #tpu.memory_space<vmem>>, vector<16xi32>,
      %get3A_387 = vector.shape_cast %get3A_386 : vector<16xi32> to vector<16xi32>
      %add3A_388 = arith.addi %get3A_384, %get3A_387 : vector<16xi32>
      %swap3A_389 = arith.constant 512 : index
      %swap3A_390 = tpu.vector_load %arg6[%swap3A_389] {strides = array<i32>} : memref<2048xi32, #tpu.memory_space<vmem>>, vector<16xi32>,
      %swap3A_391 = vector.shape_cast %swap3A_390 : vector<16xi32> to vector<16xi32>
      %swap3A_392 = vector.shape_cast %add3A_388 : vector<16xi32> to vector<16xi32>
      tpu.vector_store %arg6[%swap3A_389], %swap3A_392 {strides = array<i32>} : memref<2048xi32, #tpu.memory_space<vmem>>, vector<16xi32>,
      %get3A_393 = arith.constant 528 : index
      %get3A_394 = tpu.vector_load %arg6[%get3A_393] {strides = array<i32>} : memref<2048xi32, #tpu.memory_space<vmem>>, vector<16xi32>,
      %get3A_395 = vector.shape_cast %get3A_394 : vector<16xi32> to vector<16xi32>
      %get3A_396 = arith.constant 528 : index
      %get3A_397 = tpu.vector_load %arg7[%get3A_396] {strides = array<i32>} : memref<2048xi32, #tpu.memory_space<vmem>>, vector<16xi32>,
      %get3A_398 = vector.shape_cast %get3A_397 : vector<16xi32> to vector<16xi32>
      %add3A_399 = arith.addi %get3A_395, %get3A_398 : vector<16xi32>
      %swap3A_400 = arith.constant 528 : index
      %swap3A_401 = tpu.vector_load %arg6[%swap3A_400] {strides = array<i32>} : memref<2048xi32, #tpu.memory_space<vmem>>, vector<16xi32>,
      %swap3A_402 = vector.shape_cast %swap3A_401 : vector<16xi32> to vector<16xi32>
      %swap3A_403 = vector.shape_cast %add3A_399 : vector<16xi32> to vector<16xi32>
      tpu.vector_store %arg6[%swap3A_400], %swap3A_403 {strides = array<i32>} : memref<2048xi32, #tpu.memory_space<vmem>>, vector<16xi32>,
      %get3A_404 = arith.constant 544 : index
      %get3A_405 = tpu.vector_load %arg6[%get3A_404] {strides = array<i32>} : memref<2048xi32, #tpu.memory_space<vmem>>, vector<16xi32>,
      %get3A_406 = vector.shape_cast %get3A_405 : vector<16xi32> to vector<16xi32>
      %get3A_407 = arith.constant 544 : index
      %get3A_408 = tpu.vector_load %arg7[%get3A_407] {strides = array<i32>} : memref<2048xi32, #tpu.memory_space<vmem>>, vector<16xi32>,
      %get3A_409 = vector.shape_cast %get3A_408 : vector<16xi32> to vector<16xi32>
      %add3A_410 = arith.addi %get3A_406, %get3A_409 : vector<16xi32>
      %swap3A_411 = arith.constant 544 : index
      %swap3A_412 = tpu.vector_load %arg6[%swap3A_411] {strides = array<i32>} : memref<2048xi32, #tpu.memory_space<vmem>>, vector<16xi32>,
      %swap3A_413 = vector.shape_cast %swap3A_412 : vector<16xi32> to vector<16xi32>
      %swap3A_414 = vector.shape_cast %add3A_410 : vector<16xi32> to vector<16xi32>
      tpu.vector_store %arg6[%swap3A_411], %swap3A_414 {strides = array<i32>} : memref<2048xi32, #tpu.memory_space<vmem>>, vector<16xi32>,
      %get3A_415 = arith.constant 560 : index
      %get3A_416 = tpu.vector_load %arg6[%get3A_415] {strides = array<i32>} : memref<2048xi32, #tpu.memory_space<vmem>>, vector<16xi32>,
      %get3A_417 = vector.shape_cast %get3A_416 : vector<16xi32> to vector<16xi32>
      %get3A_418 = arith.constant 560 : index
      %get3A_419 = tpu.vector_load %arg7[%get3A_418] {strides = array<i32>} : memref<2048xi32, #tpu.memory_space<vmem>>, vector<16xi32>,
      %get3A_420 = vector.shape_cast %get3A_419 : vector<16xi32> to vector<16xi32>
      %add3A_421 = arith.addi %get3A_417, %get3A_420 : vector<16xi32>
      %swap3A_422 = arith.constant 560 : index
      %swap3A_423 = tpu.vector_load %arg6[%swap3A_422] {strides = array<i32>} : memref<2048xi32, #tpu.memory_space<vmem>>, vector<16xi32>,
      %swap3A_424 = vector.shape_cast %swap3A_423 : vector<16xi32> to vector<16xi32>
      %swap3A_425 = vector.shape_cast %add3A_421 : vector<16xi32> to vector<16xi32>
      tpu.vector_store %arg6[%swap3A_422], %swap3A_425 {strides = array<i32>} : memref<2048xi32, #tpu.memory_space<vmem>>, vector<16xi32>,
      %get3A_426 = arith.constant 576 : index
      %get3A_427 = tpu.vector_load %arg6[%get3A_426] {strides = array<i32>} : memref<2048xi32, #tpu.memory_space<vmem>>, vector<16xi32>,
      %get3A_428 = vector.shape_cast %get3A_427 : vector<16xi32> to vector<16xi32>
      %get3A_429 = arith.constant 576 : index
      %get3A_430 = tpu.vector_load %arg7[%get3A_429] {strides = array<i32>} : memref<2048xi32, #tpu.memory_space<vmem>>, vector<16xi32>,
      %get3A_431 = vector.shape_cast %get3A_430 : vector<16xi32> to vector<16xi32>
      %add3A_432 = arith.addi %get3A_428, %get3A_431 : vector<16xi32>
      %swap3A_433 = arith.constant 576 : index
      %swap3A_434 = tpu.vector_load %arg6[%swap3A_433] {strides = array<i32>} : memref<2048xi32, #tpu.memory_space<vmem>>, vector<16xi32>,
      %swap3A_435 = vector.shape_cast %swap3A_434 : vector<16xi32> to vector<16xi32>
      %swap3A_436 = vector.shape_cast %add3A_432 : vector<16xi32> to vector<16xi32>
      tpu.vector_store %arg6[%swap3A_433], %swap3A_436 {strides = array<i32>} : memref<2048xi32, #tpu.memory_space<vmem>>, vector<16xi32>,
      %get3A_437 = arith.constant 592 : index
      %get3A_438 = tpu.vector_load %arg6[%get3A_437] {strides = array<i32>} : memref<2048xi32, #tpu.memory_space<vmem>>, vector<16xi32>,
      %get3A_439 = vector.shape_cast %get3A_438 : vector<16xi32> to vector<16xi32>
      %get3A_440 = arith.constant 592 : index
      %get3A_441 = tpu.vector_load %arg7[%get3A_440] {strides = array<i32>} : memref<2048xi32, #tpu.memory_space<vmem>>, vector<16xi32>,
      %get3A_442 = vector.shape_cast %get3A_441 : vector<16xi32> to vector<16xi32>
      %add3A_443 = arith.addi %get3A_439, %get3A_442 : vector<16xi32>
      %swap3A_444 = arith.constant 592 : index
      %swap3A_445 = tpu.vector_load %arg6[%swap3A_444] {strides = array<i32>} : memref<2048xi32, #tpu.memory_space<vmem>>, vector<16xi32>,
      %swap3A_446 = vector.shape_cast %swap3A_445 : vector<16xi32> to vector<16xi32>
      %swap3A_447 = vector.shape_cast %add3A_443 : vector<16xi32> to vector<16xi32>
      tpu.vector_store %arg6[%swap3A_444], %swap3A_447 {strides = array<i32>} : memref<2048xi32, #tpu.memory_space<vmem>>, vector<16xi32>,
      %get3A_448 = arith.constant 608 : index
      %get3A_449 = tpu.vector_load %arg6[%get3A_448] {strides = array<i32>} : memref<2048xi32, #tpu.memory_space<vmem>>, vector<16xi32>,
      %get3A_450 = vector.shape_cast %get3A_449 : vector<16xi32> to vector<16xi32>
      %get3A_451 = arith.constant 608 : index
      %get3A_452 = tpu.vector_load %arg7[%get3A_451] {strides = array<i32>} : memref<2048xi32, #tpu.memory_space<vmem>>, vector<16xi32>,
      %get3A_453 = vector.shape_cast %get3A_452 : vector<16xi32> to vector<16xi32>
      %add3A_454 = arith.addi %get3A_450, %get3A_453 : vector<16xi32>
      %swap3A_455 = arith.constant 608 : index
      %swap3A_456 = tpu.vector_load %arg6[%swap3A_455] {strides = array<i32>} : memref<2048xi32, #tpu.memory_space<vmem>>, vector<16xi32>,
      %swap3A_457 = vector.shape_cast %swap3A_456 : vector<16xi32> to vector<16xi32>
      %swap3A_458 = vector.shape_cast %add3A_454 : vector<16xi32> to vector<16xi32>
      tpu.vector_store %arg6[%swap3A_455], %swap3A_458 {strides = array<i32>} : memref<2048xi32, #tpu.memory_space<vmem>>, vector<16xi32>,
      %get3A_459 = arith.constant 624 : index
      %get3A_460 = tpu.vector_load %arg6[%get3A_459] {strides = array<i32>} : memref<2048xi32, #tpu.memory_space<vmem>>, vector<16xi32>,
      %get3A_461 = vector.shape_cast %get3A_460 : vector<16xi32> to vector<16xi32>
      %get3A_462 = arith.constant 624 : index
      %get3A_463 = tpu.vector_load %arg7[%get3A_462] {strides = array<i32>} : memref<2048xi32, #tpu.memory_space<vmem>>, vector<16xi32>,
      %get3A_464 = vector.shape_cast %get3A_463 : vector<16xi32> to vector<16xi32>
      %add3A_465 = arith.addi %get3A_461, %get3A_464 : vector<16xi32>
      %swap3A_466 = arith.constant 624 : index
      %swap3A_467 = tpu.vector_load %arg6[%swap3A_466] {strides = array<i32>} : memref<2048xi32, #tpu.memory_space<vmem>>, vector<16xi32>,
      %swap3A_468 = vector.shape_cast %swap3A_467 : vector<16xi32> to vector<16xi32>
      %swap3A_469 = vector.shape_cast %add3A_465 : vector<16xi32> to vector<16xi32>
      tpu.vector_store %arg6[%swap3A_466], %swap3A_469 {strides = array<i32>} : memref<2048xi32, #tpu.memory_space<vmem>>, vector<16xi32>,
      %get3A_470 = arith.constant 640 : index
      %get3A_471 = tpu.vector_load %arg6[%get3A_470] {strides = array<i32>} : memref<2048xi32, #tpu.memory_space<vmem>>, vector<16xi32>,
      %get3A_472 = vector.shape_cast %get3A_471 : vector<16xi32> to vector<16xi32>
      %get3A_473 = arith.constant 640 : index
      %get3A_474 = tpu.vector_load %arg7[%get3A_473] {strides = array<i32>} : memref<2048xi32, #tpu.memory_space<vmem>>, vector<16xi32>,
      %get3A_475 = vector.shape_cast %get3A_474 : vector<16xi32> to vector<16xi32>
      %add3A_476 = arith.addi %get3A_472, %get3A_475 : vector<16xi32>
      %swap3A_477 = arith.constant 640 : index
      %swap3A_478 = tpu.vector_load %arg6[%swap3A_477] {strides = array<i32>} : memref<2048xi32, #tpu.memory_space<vmem>>, vector<16xi32>,
      %swap3A_479 = vector.shape_cast %swap3A_478 : vector<16xi32> to vector<16xi32>
      %swap3A_480 = vector.shape_cast %add3A_476 : vector<16xi32> to vector<16xi32>
      tpu.vector_store %arg6[%swap3A_477], %swap3A_480 {strides = array<i32>} : memref<2048xi32, #tpu.memory_space<vmem>>, vector<16xi32>,
      %get3A_481 = arith.constant 656 : index
      %get3A_482 = tpu.vector_load %arg6[%get3A_481] {strides = array<i32>} : memref<2048xi32, #tpu.memory_space<vmem>>, vector<16xi32>,
      %get3A_483 = vector.shape_cast %get3A_482 : vector<16xi32> to vector<16xi32>
      %get3A_484 = arith.constant 656 : index
      %get3A_485 = tpu.vector_load %arg7[%get3A_484] {strides = array<i32>} : memref<2048xi32, #tpu.memory_space<vmem>>, vector<16xi32>,
      %get3A_486 = vector.shape_cast %get3A_485 : vector<16xi32> to vector<16xi32>
      %add3A_487 = arith.addi %get3A_483, %get3A_486 : vector<16xi32>
      %swap3A_488 = arith.constant 656 : index
      %swap3A_489 = tpu.vector_load %arg6[%swap3A_488] {strides = array<i32>} : memref<2048xi32, #tpu.memory_space<vmem>>, vector<16xi32>,
      %swap3A_490 = vector.shape_cast %swap3A_489 : vector<16xi32> to vector<16xi32>
      %swap3A_491 = vector.shape_cast %add3A_487 : vector<16xi32> to vector<16xi32>
      tpu.vector_store %arg6[%swap3A_488], %swap3A_491 {strides = array<i32>} : memref<2048xi32, #tpu.memory_space<vmem>>, vector<16xi32>,
      %get3A_492 = arith.constant 672 : index
      %get3A_493 = tpu.vector_load %arg6[%get3A_492] {strides = array<i32>} : memref<2048xi32, #tpu.memory_space<vmem>>, vector<16xi32>,
      %get3A_494 = vector.shape_cast %get3A_493 : vector<16xi32> to vector<16xi32>
      %get3A_495 = arith.constant 672 : index
      %get3A_496 = tpu.vector_load %arg7[%get3A_495] {strides = array<i32>} : memref<2048xi32, #tpu.memory_space<vmem>>, vector<16xi32>,
      %get3A_497 = vector.shape_cast %get3A_496 : vector<16xi32> to vector<16xi32>
      %add3A_498 = arith.addi %get3A_494, %get3A_497 : vector<16xi32>
      %swap3A_499 = arith.constant 672 : index
      %swap3A_500 = tpu.vector_load %arg6[%swap3A_499] {strides = array<i32>} : memref<2048xi32, #tpu.memory_space<vmem>>, vector<16xi32>,
      %swap3A_501 = vector.shape_cast %swap3A_500 : vector<16xi32> to vector<16xi32>
      %swap3A_502 = vector.shape_cast %add3A_498 : vector<16xi32> to vector<16xi32>
      tpu.vector_store %arg6[%swap3A_499], %swap3A_502 {strides = array<i32>} : memref<2048xi32, #tpu.memory_space<vmem>>, vector<16xi32>,
      %get3A_503 = arith.constant 688 : index
      %get3A_504 = tpu.vector_load %arg6[%get3A_503] {strides = array<i32>} : memref<2048xi32, #tpu.memory_space<vmem>>, vector<16xi32>,
      %get3A_505 = vector.shape_cast %get3A_504 : vector<16xi32> to vector<16xi32>
      %get3A_506 = arith.constant 688 : index
      %get3A_507 = tpu.vector_load %arg7[%get3A_506] {strides = array<i32>} : memref<2048xi32, #tpu.memory_space<vmem>>, vector<16xi32>,
      %get3A_508 = vector.shape_cast %get3A_507 : vector<16xi32> to vector<16xi32>
      %add3A_509 = arith.addi %get3A_505, %get3A_508 : vector<16xi32>
      %swap3A_510 = arith.constant 688 : index
      %swap3A_511 = tpu.vector_load %arg6[%swap3A_510] {strides = array<i32>} : memref<2048xi32, #tpu.memory_space<vmem>>, vector<16xi32>,
      %swap3A_512 = vector.shape_cast %swap3A_511 : vector<16xi32> to vector<16xi32>
      %swap3A_513 = vector.shape_cast %add3A_509 : vector<16xi32> to vector<16xi32>
      tpu.vector_store %arg6[%swap3A_510], %swap3A_513 {strides = array<i32>} : memref<2048xi32, #tpu.memory_space<vmem>>, vector<16xi32>,
      %get3A_514 = arith.constant 704 : index
      %get3A_515 = tpu.vector_load %arg6[%get3A_514] {strides = array<i32>} : memref<2048xi32, #tpu.memory_space<vmem>>, vector<16xi32>,
      %get3A_516 = vector.shape_cast %get3A_515 : vector<16xi32> to vector<16xi32>
      %get3A_517 = arith.constant 704 : index
      %get3A_518 = tpu.vector_load %arg7[%get3A_517] {strides = array<i32>} : memref<2048xi32, #tpu.memory_space<vmem>>, vector<16xi32>,
      %get3A_519 = vector.shape_cast %get3A_518 : vector<16xi32> to vector<16xi32>
      %add3A_520 = arith.addi %get3A_516, %get3A_519 : vector<16xi32>
      %swap3A_521 = arith.constant 704 : index
      %swap3A_522 = tpu.vector_load %arg6[%swap3A_521] {strides = array<i32>} : memref<2048xi32, #tpu.memory_space<vmem>>, vector<16xi32>,
      %swap3A_523 = vector.shape_cast %swap3A_522 : vector<16xi32> to vector<16xi32>
      %swap3A_524 = vector.shape_cast %add3A_520 : vector<16xi32> to vector<16xi32>
      tpu.vector_store %arg6[%swap3A_521], %swap3A_524 {strides = array<i32>} : memref<2048xi32, #tpu.memory_space<vmem>>, vector<16xi32>,
      %get3A_525 = arith.constant 720 : index
      %get3A_526 = tpu.vector_load %arg6[%get3A_525] {strides = array<i32>} : memref<2048xi32, #tpu.memory_space<vmem>>, vector<16xi32>,
      %get3A_527 = vector.shape_cast %get3A_526 : vector<16xi32> to vector<16xi32>
      %get3A_528 = arith.constant 720 : index
      %get3A_529 = tpu.vector_load %arg7[%get3A_528] {strides = array<i32>} : memref<2048xi32, #tpu.memory_space<vmem>>, vector<16xi32>,
      %get3A_530 = vector.shape_cast %get3A_529 : vector<16xi32> to vector<16xi32>
      %add3A_531 = arith.addi %get3A_527, %get3A_530 : vector<16xi32>
      %swap3A_532 = arith.constant 720 : index
      %swap3A_533 = tpu.vector_load %arg6[%swap3A_532] {strides = array<i32>} : memref<2048xi32, #tpu.memory_space<vmem>>, vector<16xi32>,
      %swap3A_534 = vector.shape_cast %swap3A_533 : vector<16xi32> to vector<16xi32>
      %swap3A_535 = vector.shape_cast %add3A_531 : vector<16xi32> to vector<16xi32>
      tpu.vector_store %arg6[%swap3A_532], %swap3A_535 {strides = array<i32>} : memref<2048xi32, #tpu.memory_space<vmem>>, vector<16xi32>,
      %get3A_536 = arith.constant 736 : index
      %get3A_537 = tpu.vector_load %arg6[%get3A_536] {strides = array<i32>} : memref<2048xi32, #tpu.memory_space<vmem>>, vector<16xi32>,
      %get3A_538 = vector.shape_cast %get3A_537 : vector<16xi32> to vector<16xi32>
      %get3A_539 = arith.constant 736 : index
      %get3A_540 = tpu.vector_load %arg7[%get3A_539] {strides = array<i32>} : memref<2048xi32, #tpu.memory_space<vmem>>, vector<16xi32>,
      %get3A_541 = vector.shape_cast %get3A_540 : vector<16xi32> to vector<16xi32>
      %add3A_542 = arith.addi %get3A_538, %get3A_541 : vector<16xi32>
      %swap3A_543 = arith.constant 736 : index
      %swap3A_544 = tpu.vector_load %arg6[%swap3A_543] {strides = array<i32>} : memref<2048xi32, #tpu.memory_space<vmem>>, vector<16xi32>,
      %swap3A_545 = vector.shape_cast %swap3A_544 : vector<16xi32> to vector<16xi32>
      %swap3A_546 = vector.shape_cast %add3A_542 : vector<16xi32> to vector<16xi32>
      tpu.vector_store %arg6[%swap3A_543], %swap3A_546 {strides = array<i32>} : memref<2048xi32, #tpu.memory_space<vmem>>, vector<16xi32>,
      %get3A_547 = arith.constant 752 : index
      %get3A_548 = tpu.vector_load %arg6[%get3A_547] {strides = array<i32>} : memref<2048xi32, #tpu.memory_space<vmem>>, vector<16xi32>,
      %get3A_549 = vector.shape_cast %get3A_548 : vector<16xi32> to vector<16xi32>
      %get3A_550 = arith.constant 752 : index
      %get3A_551 = tpu.vector_load %arg7[%get3A_550] {strides = array<i32>} : memref<2048xi32, #tpu.memory_space<vmem>>, vector<16xi32>,
      %get3A_552 = vector.shape_cast %get3A_551 : vector<16xi32> to vector<16xi32>
      %add3A_553 = arith.addi %get3A_549, %get3A_552 : vector<16xi32>
      %swap3A_554 = arith.constant 752 : index
      %swap3A_555 = tpu.vector_load %arg6[%swap3A_554] {strides = array<i32>} : memref<2048xi32, #tpu.memory_space<vmem>>, vector<16xi32>,
      %swap3A_556 = vector.shape_cast %swap3A_555 : vector<16xi32> to vector<16xi32>
      %swap3A_557 = vector.shape_cast %add3A_553 : vector<16xi32> to vector<16xi32>
      tpu.vector_store %arg6[%swap3A_554], %swap3A_557 {strides = array<i32>} : memref<2048xi32, #tpu.memory_space<vmem>>, vector<16xi32>,
      %get3A_558 = arith.constant 768 : index
      %get3A_559 = tpu.vector_load %arg6[%get3A_558] {strides = array<i32>} : memref<2048xi32, #tpu.memory_space<vmem>>, vector<16xi32>,
      %get3A_560 = vector.shape_cast %get3A_559 : vector<16xi32> to vector<16xi32>
      %get3A_561 = arith.constant 768 : index
      %get3A_562 = tpu.vector_load %arg7[%get3A_561] {strides = array<i32>} : memref<2048xi32, #tpu.memory_space<vmem>>, vector<16xi32>,
      %get3A_563 = vector.shape_cast %get3A_562 : vector<16xi32> to vector<16xi32>
      %add3A_564 = arith.addi %get3A_560, %get3A_563 : vector<16xi32>
      %swap3A_565 = arith.constant 768 : index
      %swap3A_566 = tpu.vector_load %arg6[%swap3A_565] {strides = array<i32>} : memref<2048xi32, #tpu.memory_space<vmem>>, vector<16xi32>,
      %swap3A_567 = vector.shape_cast %swap3A_566 : vector<16xi32> to vector<16xi32>
      %swap3A_568 = vector.shape_cast %add3A_564 : vector<16xi32> to vector<16xi32>
      tpu.vector_store %arg6[%swap3A_565], %swap3A_568 {strides = array<i32>} : memref<2048xi32, #tpu.memory_space<vmem>>, vector<16xi32>,
      %get3A_569 = arith.constant 784 : index
      %get3A_570 = tpu.vector_load %arg6[%get3A_569] {strides = array<i32>} : memref<2048xi32, #tpu.memory_space<vmem>>, vector<16xi32>,
      %get3A_571 = vector.shape_cast %get3A_570 : vector<16xi32> to vector<16xi32>
      %get3A_572 = arith.constant 784 : index
      %get3A_573 = tpu.vector_load %arg7[%get3A_572] {strides = array<i32>} : memref<2048xi32, #tpu.memory_space<vmem>>, vector<16xi32>,
      %get3A_574 = vector.shape_cast %get3A_573 : vector<16xi32> to vector<16xi32>
      %add3A_575 = arith.addi %get3A_571, %get3A_574 : vector<16xi32>
      %swap3A_576 = arith.constant 784 : index
      %swap3A_577 = tpu.vector_load %arg6[%swap3A_576] {strides = array<i32>} : memref<2048xi32, #tpu.memory_space<vmem>>, vector<16xi32>,
      %swap3A_578 = vector.shape_cast %swap3A_577 : vector<16xi32> to vector<16xi32>
      %swap3A_579 = vector.shape_cast %add3A_575 : vector<16xi32> to vector<16xi32>
      tpu.vector_store %arg6[%swap3A_576], %swap3A_579 {strides = array<i32>} : memref<2048xi32, #tpu.memory_space<vmem>>, vector<16xi32>,
      %get3A_580 = arith.constant 800 : index
      %get3A_581 = tpu.vector_load %arg6[%get3A_580] {strides = array<i32>} : memref<2048xi32, #tpu.memory_space<vmem>>, vector<16xi32>,
      %get3A_582 = vector.shape_cast %get3A_581 : vector<16xi32> to vector<16xi32>
      %get3A_583 = arith.constant 800 : index
      %get3A_584 = tpu.vector_load %arg7[%get3A_583] {strides = array<i32>} : memref<2048xi32, #tpu.memory_space<vmem>>, vector<16xi32>,
      %get3A_585 = vector.shape_cast %get3A_584 : vector<16xi32> to vector<16xi32>
      %add3A_586 = arith.addi %get3A_582, %get3A_585 : vector<16xi32>
      %swap3A_587 = arith.constant 800 : index
      %swap3A_588 = tpu.vector_load %arg6[%swap3A_587] {strides = array<i32>} : memref<2048xi32, #tpu.memory_space<vmem>>, vector<16xi32>,
      %swap3A_589 = vector.shape_cast %swap3A_588 : vector<16xi32> to vector<16xi32>
      %swap3A_590 = vector.shape_cast %add3A_586 : vector<16xi32> to vector<16xi32>
      tpu.vector_store %arg6[%swap3A_587], %swap3A_590 {strides = array<i32>} : memref<2048xi32, #tpu.memory_space<vmem>>, vector<16xi32>,
      %get3A_591 = arith.constant 816 : index
      %get3A_592 = tpu.vector_load %arg6[%get3A_591] {strides = array<i32>} : memref<2048xi32, #tpu.memory_space<vmem>>, vector<16xi32>,
      %get3A_593 = vector.shape_cast %get3A_592 : vector<16xi32> to vector<16xi32>
      %get3A_594 = arith.constant 816 : index
      %get3A_595 = tpu.vector_load %arg7[%get3A_594] {strides = array<i32>} : memref<2048xi32, #tpu.memory_space<vmem>>, vector<16xi32>,
      %get3A_596 = vector.shape_cast %get3A_595 : vector<16xi32> to vector<16xi32>
      %add3A_597 = arith.addi %get3A_593, %get3A_596 : vector<16xi32>
      %swap3A_598 = arith.constant 816 : index
      %swap3A_599 = tpu.vector_load %arg6[%swap3A_598] {strides = array<i32>} : memref<2048xi32, #tpu.memory_space<vmem>>, vector<16xi32>,
      %swap3A_600 = vector.shape_cast %swap3A_599 : vector<16xi32> to vector<16xi32>
      %swap3A_601 = vector.shape_cast %add3A_597 : vector<16xi32> to vector<16xi32>
      tpu.vector_store %arg6[%swap3A_598], %swap3A_601 {strides = array<i32>} : memref<2048xi32, #tpu.memory_space<vmem>>, vector<16xi32>,
      %get3A_602 = arith.constant 832 : index
      %get3A_603 = tpu.vector_load %arg6[%get3A_602] {strides = array<i32>} : memref<2048xi32, #tpu.memory_space<vmem>>, vector<16xi32>,
      %get3A_604 = vector.shape_cast %get3A_603 : vector<16xi32> to vector<16xi32>
      %get3A_605 = arith.constant 832 : index
      %get3A_606 = tpu.vector_load %arg7[%get3A_605] {strides = array<i32>} : memref<2048xi32, #tpu.memory_space<vmem>>, vector<16xi32>,
      %get3A_607 = vector.shape_cast %get3A_606 : vector<16xi32> to vector<16xi32>
      %add3A_608 = arith.addi %get3A_604, %get3A_607 : vector<16xi32>
      %swap3A_609 = arith.constant 832 : index
      %swap3A_610 = tpu.vector_load %arg6[%swap3A_609] {strides = array<i32>} : memref<2048xi32, #tpu.memory_space<vmem>>, vector<16xi32>,
      %swap3A_611 = vector.shape_cast %swap3A_610 : vector<16xi32> to vector<16xi32>
      %swap3A_612 = vector.shape_cast %add3A_608 : vector<16xi32> to vector<16xi32>
      tpu.vector_store %arg6[%swap3A_609], %swap3A_612 {strides = array<i32>} : memref<2048xi32, #tpu.memory_space<vmem>>, vector<16xi32>,
      %get3A_613 = arith.constant 848 : index
      %get3A_614 = tpu.vector_load %arg6[%get3A_613] {strides = array<i32>} : memref<2048xi32, #tpu.memory_space<vmem>>, vector<16xi32>,
      %get3A_615 = vector.shape_cast %get3A_614 : vector<16xi32> to vector<16xi32>
      %get3A_616 = arith.constant 848 : index
      %get3A_617 = tpu.vector_load %arg7[%get3A_616] {strides = array<i32>} : memref<2048xi32, #tpu.memory_space<vmem>>, vector<16xi32>,
      %get3A_618 = vector.shape_cast %get3A_617 : vector<16xi32> to vector<16xi32>
      %add3A_619 = arith.addi %get3A_615, %get3A_618 : vector<16xi32>
      %swap3A_620 = arith.constant 848 : index
      %swap3A_621 = tpu.vector_load %arg6[%swap3A_620] {strides = array<i32>} : memref<2048xi32, #tpu.memory_space<vmem>>, vector<16xi32>,
      %swap3A_622 = vector.shape_cast %swap3A_621 : vector<16xi32> to vector<16xi32>
      %swap3A_623 = vector.shape_cast %add3A_619 : vector<16xi32> to vector<16xi32>
      tpu.vector_store %arg6[%swap3A_620], %swap3A_623 {strides = array<i32>} : memref<2048xi32, #tpu.memory_space<vmem>>, vector<16xi32>,
      %get3A_624 = arith.constant 864 : index
      %get3A_625 = tpu.vector_load %arg6[%get3A_624] {strides = array<i32>} : memref<2048xi32, #tpu.memory_space<vmem>>, vector<16xi32>,
      %get3A_626 = vector.shape_cast %get3A_625 : vector<16xi32> to vector<16xi32>
      %get3A_627 = arith.constant 864 : index
      %get3A_628 = tpu.vector_load %arg7[%get3A_627] {strides = array<i32>} : memref<2048xi32, #tpu.memory_space<vmem>>, vector<16xi32>,
      %get3A_629 = vector.shape_cast %get3A_628 : vector<16xi32> to vector<16xi32>
      %add3A_630 = arith.addi %get3A_626, %get3A_629 : vector<16xi32>
      %swap3A_631 = arith.constant 864 : index
      %swap3A_632 = tpu.vector_load %arg6[%swap3A_631] {strides = array<i32>} : memref<2048xi32, #tpu.memory_space<vmem>>, vector<16xi32>,
      %swap3A_633 = vector.shape_cast %swap3A_632 : vector<16xi32> to vector<16xi32>
      %swap3A_634 = vector.shape_cast %add3A_630 : vector<16xi32> to vector<16xi32>
      tpu.vector_store %arg6[%swap3A_631], %swap3A_634 {strides = array<i32>} : memref<2048xi32, #tpu.memory_space<vmem>>, vector<16xi32>,
      %get3A_635 = arith.constant 880 : index
      %get3A_636 = tpu.vector_load %arg6[%get3A_635] {strides = array<i32>} : memref<2048xi32, #tpu.memory_space<vmem>>, vector<16xi32>,
      %get3A_637 = vector.shape_cast %get3A_636 : vector<16xi32> to vector<16xi32>
      %get3A_638 = arith.constant 880 : index
      %get3A_639 = tpu.vector_load %arg7[%get3A_638] {strides = array<i32>} : memref<2048xi32, #tpu.memory_space<vmem>>, vector<16xi32>,
      %get3A_640 = vector.shape_cast %get3A_639 : vector<16xi32> to vector<16xi32>
      %add3A_641 = arith.addi %get3A_637, %get3A_640 : vector<16xi32>
      %swap3A_642 = arith.constant 880 : index
      %swap3A_643 = tpu.vector_load %arg6[%swap3A_642] {strides = array<i32>} : memref<2048xi32, #tpu.memory_space<vmem>>, vector<16xi32>,
      %swap3A_644 = vector.shape_cast %swap3A_643 : vector<16xi32> to vector<16xi32>
      %swap3A_645 = vector.shape_cast %add3A_641 : vector<16xi32> to vector<16xi32>
      tpu.vector_store %arg6[%swap3A_642], %swap3A_645 {strides = array<i32>} : memref<2048xi32, #tpu.memory_space<vmem>>, vector<16xi32>,
      %get3A_646 = arith.constant 896 : index
      %get3A_647 = tpu.vector_load %arg6[%get3A_646] {strides = array<i32>} : memref<2048xi32, #tpu.memory_space<vmem>>, vector<16xi32>,
      %get3A_648 = vector.shape_cast %get3A_647 : vector<16xi32> to vector<16xi32>
      %get3A_649 = arith.constant 896 : index
      %get3A_650 = tpu.vector_load %arg7[%get3A_649] {strides = array<i32>} : memref<2048xi32, #tpu.memory_space<vmem>>, vector<16xi32>,
      %get3A_651 = vector.shape_cast %get3A_650 : vector<16xi32> to vector<16xi32>
      %add3A_652 = arith.addi %get3A_648, %get3A_651 : vector<16xi32>
      %swap3A_653 = arith.constant 896 : index
      %swap3A_654 = tpu.vector_load %arg6[%swap3A_653] {strides = array<i32>} : memref<2048xi32, #tpu.memory_space<vmem>>, vector<16xi32>,
      %swap3A_655 = vector.shape_cast %swap3A_654 : vector<16xi32> to vector<16xi32>
      %swap3A_656 = vector.shape_cast %add3A_652 : vector<16xi32> to vector<16xi32>
      tpu.vector_store %arg6[%swap3A_653], %swap3A_656 {strides = array<i32>} : memref<2048xi32, #tpu.memory_space<vmem>>, vector<16xi32>,
      %get3A_657 = arith.constant 912 : index
      %get3A_658 = tpu.vector_load %arg6[%get3A_657] {strides = array<i32>} : memref<2048xi32, #tpu.memory_space<vmem>>, vector<16xi32>,
      %get3A_659 = vector.shape_cast %get3A_658 : vector<16xi32> to vector<16xi32>
      %get3A_660 = arith.constant 912 : index
      %get3A_661 = tpu.vector_load %arg7[%get3A_660] {strides = array<i32>} : memref<2048xi32, #tpu.memory_space<vmem>>, vector<16xi32>,
      %get3A_662 = vector.shape_cast %get3A_661 : vector<16xi32> to vector<16xi32>
      %add3A_663 = arith.addi %get3A_659, %get3A_662 : vector<16xi32>
      %swap3A_664 = arith.constant 912 : index
      %swap3A_665 = tpu.vector_load %arg6[%swap3A_664] {strides = array<i32>} : memref<2048xi32, #tpu.memory_space<vmem>>, vector<16xi32>,
      %swap3A_666 = vector.shape_cast %swap3A_665 : vector<16xi32> to vector<16xi32>
      %swap3A_667 = vector.shape_cast %add3A_663 : vector<16xi32> to vector<16xi32>
      tpu.vector_store %arg6[%swap3A_664], %swap3A_667 {strides = array<i32>} : memref<2048xi32, #tpu.memory_space<vmem>>, vector<16xi32>,
      %get3A_668 = arith.constant 928 : index
      %get3A_669 = tpu.vector_load %arg6[%get3A_668] {strides = array<i32>} : memref<2048xi32, #tpu.memory_space<vmem>>, vector<16xi32>,
      %get3A_670 = vector.shape_cast %get3A_669 : vector<16xi32> to vector<16xi32>
      %get3A_671 = arith.constant 928 : index
      %get3A_672 = tpu.vector_load %arg7[%get3A_671] {strides = array<i32>} : memref<2048xi32, #tpu.memory_space<vmem>>, vector<16xi32>,
      %get3A_673 = vector.shape_cast %get3A_672 : vector<16xi32> to vector<16xi32>
      %add3A_674 = arith.addi %get3A_670, %get3A_673 : vector<16xi32>
      %swap3A_675 = arith.constant 928 : index
      %swap3A_676 = tpu.vector_load %arg6[%swap3A_675] {strides = array<i32>} : memref<2048xi32, #tpu.memory_space<vmem>>, vector<16xi32>,
      %swap3A_677 = vector.shape_cast %swap3A_676 : vector<16xi32> to vector<16xi32>
      %swap3A_678 = vector.shape_cast %add3A_674 : vector<16xi32> to vector<16xi32>
      tpu.vector_store %arg6[%swap3A_675], %swap3A_678 {strides = array<i32>} : memref<2048xi32, #tpu.memory_space<vmem>>, vector<16xi32>,
      %get3A_679 = arith.constant 944 : index
      %get3A_680 = tpu.vector_load %arg6[%get3A_679] {strides = array<i32>} : memref<2048xi32, #tpu.memory_space<vmem>>, vector<16xi32>,
      %get3A_681 = vector.shape_cast %get3A_680 : vector<16xi32> to vector<16xi32>
      %get3A_682 = arith.constant 944 : index
      %get3A_683 = tpu.vector_load %arg7[%get3A_682] {strides = array<i32>} : memref<2048xi32, #tpu.memory_space<vmem>>, vector<16xi32>,
      %get3A_684 = vector.shape_cast %get3A_683 : vector<16xi32> to vector<16xi32>
      %add3A_685 = arith.addi %get3A_681, %get3A_684 : vector<16xi32>
      %swap3A_686 = arith.constant 944 : index
      %swap3A_687 = tpu.vector_load %arg6[%swap3A_686] {strides = array<i32>} : memref<2048xi32, #tpu.memory_space<vmem>>, vector<16xi32>,
      %swap3A_688 = vector.shape_cast %swap3A_687 : vector<16xi32> to vector<16xi32>
      %swap3A_689 = vector.shape_cast %add3A_685 : vector<16xi32> to vector<16xi32>
      tpu.vector_store %arg6[%swap3A_686], %swap3A_689 {strides = array<i32>} : memref<2048xi32, #tpu.memory_space<vmem>>, vector<16xi32>,
      %get3A_690 = arith.constant 960 : index
      %get3A_691 = tpu.vector_load %arg6[%get3A_690] {strides = array<i32>} : memref<2048xi32, #tpu.memory_space<vmem>>, vector<16xi32>,
      %get3A_692 = vector.shape_cast %get3A_691 : vector<16xi32> to vector<16xi32>
      %get3A_693 = arith.constant 960 : index
      %get3A_694 = tpu.vector_load %arg7[%get3A_693] {strides = array<i32>} : memref<2048xi32, #tpu.memory_space<vmem>>, vector<16xi32>,
      %get3A_695 = vector.shape_cast %get3A_694 : vector<16xi32> to vector<16xi32>
      %add3A_696 = arith.addi %get3A_692, %get3A_695 : vector<16xi32>
      %swap3A_697 = arith.constant 960 : index
      %swap3A_698 = tpu.vector_load %arg6[%swap3A_697] {strides = array<i32>} : memref<2048xi32, #tpu.memory_space<vmem>>, vector<16xi32>,
      %swap3A_699 = vector.shape_cast %swap3A_698 : vector<16xi32> to vector<16xi32>
      %swap3A_700 = vector.shape_cast %add3A_696 : vector<16xi32> to vector<16xi32>
      tpu.vector_store %arg6[%swap3A_697], %swap3A_700 {strides = array<i32>} : memref<2048xi32, #tpu.memory_space<vmem>>, vector<16xi32>,
      %get3A_701 = arith.constant 976 : index
      %get3A_702 = tpu.vector_load %arg6[%get3A_701] {strides = array<i32>} : memref<2048xi32, #tpu.memory_space<vmem>>, vector<16xi32>,
      %get3A_703 = vector.shape_cast %get3A_702 : vector<16xi32> to vector<16xi32>
      %get3A_704 = arith.constant 976 : index
      %get3A_705 = tpu.vector_load %arg7[%get3A_704] {strides = array<i32>} : memref<2048xi32, #tpu.memory_space<vmem>>, vector<16xi32>,
      %get3A_706 = vector.shape_cast %get3A_705 : vector<16xi32> to vector<16xi32>
      %add3A_707 = arith.addi %get3A_703, %get3A_706 : vector<16xi32>
      %swap3A_708 = arith.constant 976 : index
      %swap3A_709 = tpu.vector_load %arg6[%swap3A_708] {strides = array<i32>} : memref<2048xi32, #tpu.memory_space<vmem>>, vector<16xi32>,
      %swap3A_710 = vector.shape_cast %swap3A_709 : vector<16xi32> to vector<16xi32>
      %swap3A_711 = vector.shape_cast %add3A_707 : vector<16xi32> to vector<16xi32>
      tpu.vector_store %arg6[%swap3A_708], %swap3A_711 {strides = array<i32>} : memref<2048xi32, #tpu.memory_space<vmem>>, vector<16xi32>,
      %get3A_712 = arith.constant 992 : index
      %get3A_713 = tpu.vector_load %arg6[%get3A_712] {strides = array<i32>} : memref<2048xi32, #tpu.memory_space<vmem>>, vector<16xi32>,
      %get3A_714 = vector.shape_cast %get3A_713 : vector<16xi32> to vector<16xi32>
      %get3A_715 = arith.constant 992 : index
      %get3A_716 = tpu.vector_load %arg7[%get3A_715] {strides = array<i32>} : memref<2048xi32, #tpu.memory_space<vmem>>, vector<16xi32>,
      %get3A_717 = vector.shape_cast %get3A_716 : vector<16xi32> to vector<16xi32>
      %add3A_718 = arith.addi %get3A_714, %get3A_717 : vector<16xi32>
      %swap3A_719 = arith.constant 992 : index
      %swap3A_720 = tpu.vector_load %arg6[%swap3A_719] {strides = array<i32>} : memref<2048xi32, #tpu.memory_space<vmem>>, vector<16xi32>,
      %swap3A_721 = vector.shape_cast %swap3A_720 : vector<16xi32> to vector<16xi32>
      %swap3A_722 = vector.shape_cast %add3A_718 : vector<16xi32> to vector<16xi32>
      tpu.vector_store %arg6[%swap3A_719], %swap3A_722 {strides = array<i32>} : memref<2048xi32, #tpu.memory_space<vmem>>, vector<16xi32>,
      %get3A_723 = arith.constant 1008 : index
      %get3A_724 = tpu.vector_load %arg6[%get3A_723] {strides = array<i32>} : memref<2048xi32, #tpu.memory_space<vmem>>, vector<16xi32>,
      %get3A_725 = vector.shape_cast %get3A_724 : vector<16xi32> to vector<16xi32>
      %get3A_726 = arith.constant 1008 : index
      %get3A_727 = tpu.vector_load %arg7[%get3A_726] {strides = array<i32>} : memref<2048xi32, #tpu.memory_space<vmem>>, vector<16xi32>,
      %get3A_728 = vector.shape_cast %get3A_727 : vector<16xi32> to vector<16xi32>
      %add3A_729 = arith.addi %get3A_725, %get3A_728 : vector<16xi32>
      %swap3A_730 = arith.constant 1008 : index
      %swap3A_731 = tpu.vector_load %arg6[%swap3A_730] {strides = array<i32>} : memref<2048xi32, #tpu.memory_space<vmem>>, vector<16xi32>,
      %swap3A_732 = vector.shape_cast %swap3A_731 : vector<16xi32> to vector<16xi32>
      %swap3A_733 = vector.shape_cast %add3A_729 : vector<16xi32> to vector<16xi32>
      tpu.vector_store %arg6[%swap3A_730], %swap3A_733 {strides = array<i32>} : memref<2048xi32, #tpu.memory_space<vmem>>, vector<16xi32>,
      %get3A_734 = arith.constant 1024 : index
      %get3A_735 = tpu.vector_load %arg6[%get3A_734] {strides = array<i32>} : memref<2048xi32, #tpu.memory_space<vmem>>, vector<16xi32>,
      %get3A_736 = vector.shape_cast %get3A_735 : vector<16xi32> to vector<16xi32>
      %get3A_737 = arith.constant 1024 : index
      %get3A_738 = tpu.vector_load %arg7[%get3A_737] {strides = array<i32>} : memref<2048xi32, #tpu.memory_space<vmem>>, vector<16xi32>,
      %get3A_739 = vector.shape_cast %get3A_738 : vector<16xi32> to vector<16xi32>
      %add3A_740 = arith.addi %get3A_736, %get3A_739 : vector<16xi32>
      %swap3A_741 = arith.constant 1024 : index
      %swap3A_742 = tpu.vector_load %arg6[%swap3A_741] {strides = array<i32>} : memref<2048xi32, #tpu.memory_space<vmem>>, vector<16xi32>,
      %swap3A_743 = vector.shape_cast %swap3A_742 : vector<16xi32> to vector<16xi32>
      %swap3A_744 = vector.shape_cast %add3A_740 : vector<16xi32> to vector<16xi32>
      tpu.vector_store %arg6[%swap3A_741], %swap3A_744 {strides = array<i32>} : memref<2048xi32, #tpu.memory_space<vmem>>, vector<16xi32>,
      %get3A_745 = arith.constant 1040 : index
      %get3A_746 = tpu.vector_load %arg6[%get3A_745] {strides = array<i32>} : memref<2048xi32, #tpu.memory_space<vmem>>, vector<16xi32>,
      %get3A_747 = vector.shape_cast %get3A_746 : vector<16xi32> to vector<16xi32>
      %get3A_748 = arith.constant 1040 : index
      %get3A_749 = tpu.vector_load %arg7[%get3A_748] {strides = array<i32>} : memref<2048xi32, #tpu.memory_space<vmem>>, vector<16xi32>,
      %get3A_750 = vector.shape_cast %get3A_749 : vector<16xi32> to vector<16xi32>
      %add3A_751 = arith.addi %get3A_747, %get3A_750 : vector<16xi32>
      %swap3A_752 = arith.constant 1040 : index
      %swap3A_753 = tpu.vector_load %arg6[%swap3A_752] {strides = array<i32>} : memref<2048xi32, #tpu.memory_space<vmem>>, vector<16xi32>,
      %swap3A_754 = vector.shape_cast %swap3A_753 : vector<16xi32> to vector<16xi32>
      %swap3A_755 = vector.shape_cast %add3A_751 : vector<16xi32> to vector<16xi32>
      tpu.vector_store %arg6[%swap3A_752], %swap3A_755 {strides = array<i32>} : memref<2048xi32, #tpu.memory_space<vmem>>, vector<16xi32>,
      %get3A_756 = arith.constant 1056 : index
      %get3A_757 = tpu.vector_load %arg6[%get3A_756] {strides = array<i32>} : memref<2048xi32, #tpu.memory_space<vmem>>, vector<16xi32>,
      %get3A_758 = vector.shape_cast %get3A_757 : vector<16xi32> to vector<16xi32>
      %get3A_759 = arith.constant 1056 : index
      %get3A_760 = tpu.vector_load %arg7[%get3A_759] {strides = array<i32>} : memref<2048xi32, #tpu.memory_space<vmem>>, vector<16xi32>,
      %get3A_761 = vector.shape_cast %get3A_760 : vector<16xi32> to vector<16xi32>
      %add3A_762 = arith.addi %get3A_758, %get3A_761 : vector<16xi32>
      %swap3A_763 = arith.constant 1056 : index
      %swap3A_764 = tpu.vector_load %arg6[%swap3A_763] {strides = array<i32>} : memref<2048xi32, #tpu.memory_space<vmem>>, vector<16xi32>,
      %swap3A_765 = vector.shape_cast %swap3A_764 : vector<16xi32> to vector<16xi32>
      %swap3A_766 = vector.shape_cast %add3A_762 : vector<16xi32> to vector<16xi32>
      tpu.vector_store %arg6[%swap3A_763], %swap3A_766 {strides = array<i32>} : memref<2048xi32, #tpu.memory_space<vmem>>, vector<16xi32>,
      %get3A_767 = arith.constant 1072 : index
      %get3A_768 = tpu.vector_load %arg6[%get3A_767] {strides = array<i32>} : memref<2048xi32, #tpu.memory_space<vmem>>, vector<16xi32>,
      %get3A_769 = vector.shape_cast %get3A_768 : vector<16xi32> to vector<16xi32>
      %get3A_770 = arith.constant 1072 : index
      %get3A_771 = tpu.vector_load %arg7[%get3A_770] {strides = array<i32>} : memref<2048xi32, #tpu.memory_space<vmem>>, vector<16xi32>,
      %get3A_772 = vector.shape_cast %get3A_771 : vector<16xi32> to vector<16xi32>
      %add3A_773 = arith.addi %get3A_769, %get3A_772 : vector<16xi32>
      %swap3A_774 = arith.constant 1072 : index
      %swap3A_775 = tpu.vector_load %arg6[%swap3A_774] {strides = array<i32>} : memref<2048xi32, #tpu.memory_space<vmem>>, vector<16xi32>,
      %swap3A_776 = vector.shape_cast %swap3A_775 : vector<16xi32> to vector<16xi32>
      %swap3A_777 = vector.shape_cast %add3A_773 : vector<16xi32> to vector<16xi32>
      tpu.vector_store %arg6[%swap3A_774], %swap3A_777 {strides = array<i32>} : memref<2048xi32, #tpu.memory_space<vmem>>, vector<16xi32>,
      %get3A_778 = arith.constant 1088 : index
      %get3A_779 = tpu.vector_load %arg6[%get3A_778] {strides = array<i32>} : memref<2048xi32, #tpu.memory_space<vmem>>, vector<16xi32>,
      %get3A_780 = vector.shape_cast %get3A_779 : vector<16xi32> to vector<16xi32>
      %get3A_781 = arith.constant 1088 : index
      %get3A_782 = tpu.vector_load %arg7[%get3A_781] {strides = array<i32>} : memref<2048xi32, #tpu.memory_space<vmem>>, vector<16xi32>,
      %get3A_783 = vector.shape_cast %get3A_782 : vector<16xi32> to vector<16xi32>
      %add3A_784 = arith.addi %get3A_780, %get3A_783 : vector<16xi32>
      %swap3A_785 = arith.constant 1088 : index
      %swap3A_786 = tpu.vector_load %arg6[%swap3A_785] {strides = array<i32>} : memref<2048xi32, #tpu.memory_space<vmem>>, vector<16xi32>,
      %swap3A_787 = vector.shape_cast %swap3A_786 : vector<16xi32> to vector<16xi32>
      %swap3A_788 = vector.shape_cast %add3A_784 : vector<16xi32> to vector<16xi32>
      tpu.vector_store %arg6[%swap3A_785], %swap3A_788 {strides = array<i32>} : memref<2048xi32, #tpu.memory_space<vmem>>, vector<16xi32>,
      %get3A_789 = arith.constant 1104 : index
      %get3A_790 = tpu.vector_load %arg6[%get3A_789] {strides = array<i32>} : memref<2048xi32, #tpu.memory_space<vmem>>, vector<16xi32>,
      %get3A_791 = vector.shape_cast %get3A_790 : vector<16xi32> to vector<16xi32>
      %get3A_792 = arith.constant 1104 : index
      %get3A_793 = tpu.vector_load %arg7[%get3A_792] {strides = array<i32>} : memref<2048xi32, #tpu.memory_space<vmem>>, vector<16xi32>,
      %get3A_794 = vector.shape_cast %get3A_793 : vector<16xi32> to vector<16xi32>
      %add3A_795 = arith.addi %get3A_791, %get3A_794 : vector<16xi32>
      %swap3A_796 = arith.constant 1104 : index
      %swap3A_797 = tpu.vector_load %arg6[%swap3A_796] {strides = array<i32>} : memref<2048xi32, #tpu.memory_space<vmem>>, vector<16xi32>,
      %swap3A_798 = vector.shape_cast %swap3A_797 : vector<16xi32> to vector<16xi32>
      %swap3A_799 = vector.shape_cast %add3A_795 : vector<16xi32> to vector<16xi32>
      tpu.vector_store %arg6[%swap3A_796], %swap3A_799 {strides = array<i32>} : memref<2048xi32, #tpu.memory_space<vmem>>, vector<16xi32>,
      %get3A_800 = arith.constant 1120 : index
      %get3A_801 = tpu.vector_load %arg6[%get3A_800] {strides = array<i32>} : memref<2048xi32, #tpu.memory_space<vmem>>, vector<16xi32>,
      %get3A_802 = vector.shape_cast %get3A_801 : vector<16xi32> to vector<16xi32>
      %get3A_803 = arith.constant 1120 : index
      %get3A_804 = tpu.vector_load %arg7[%get3A_803] {strides = array<i32>} : memref<2048xi32, #tpu.memory_space<vmem>>, vector<16xi32>,
      %get3A_805 = vector.shape_cast %get3A_804 : vector<16xi32> to vector<16xi32>
      %add3A_806 = arith.addi %get3A_802, %get3A_805 : vector<16xi32>
      %swap3A_807 = arith.constant 1120 : index
      %swap3A_808 = tpu.vector_load %arg6[%swap3A_807] {strides = array<i32>} : memref<2048xi32, #tpu.memory_space<vmem>>, vector<16xi32>,
      %swap3A_809 = vector.shape_cast %swap3A_808 : vector<16xi32> to vector<16xi32>
      %swap3A_810 = vector.shape_cast %add3A_806 : vector<16xi32> to vector<16xi32>
      tpu.vector_store %arg6[%swap3A_807], %swap3A_810 {strides = array<i32>} : memref<2048xi32, #tpu.memory_space<vmem>>, vector<16xi32>,
      %get3A_811 = arith.constant 1136 : index
      %get3A_812 = tpu.vector_load %arg6[%get3A_811] {strides = array<i32>} : memref<2048xi32, #tpu.memory_space<vmem>>, vector<16xi32>,
      %get3A_813 = vector.shape_cast %get3A_812 : vector<16xi32> to vector<16xi32>
      %get3A_814 = arith.constant 1136 : index
      %get3A_815 = tpu.vector_load %arg7[%get3A_814] {strides = array<i32>} : memref<2048xi32, #tpu.memory_space<vmem>>, vector<16xi32>,
      %get3A_816 = vector.shape_cast %get3A_815 : vector<16xi32> to vector<16xi32>
      %add3A_817 = arith.addi %get3A_813, %get3A_816 : vector<16xi32>
      %swap3A_818 = arith.constant 1136 : index
      %swap3A_819 = tpu.vector_load %arg6[%swap3A_818] {strides = array<i32>} : memref<2048xi32, #tpu.memory_space<vmem>>, vector<16xi32>,
      %swap3A_820 = vector.shape_cast %swap3A_819 : vector<16xi32> to vector<16xi32>
      %swap3A_821 = vector.shape_cast %add3A_817 : vector<16xi32> to vector<16xi32>
      tpu.vector_store %arg6[%swap3A_818], %swap3A_821 {strides = array<i32>} : memref<2048xi32, #tpu.memory_space<vmem>>, vector<16xi32>,
      %get3A_822 = arith.constant 1152 : index
      %get3A_823 = tpu.vector_load %arg6[%get3A_822] {strides = array<i32>} : memref<2048xi32, #tpu.memory_space<vmem>>, vector<16xi32>,
      %get3A_824 = vector.shape_cast %get3A_823 : vector<16xi32> to vector<16xi32>
      %get3A_825 = arith.constant 1152 : index
      %get3A_826 = tpu.vector_load %arg7[%get3A_825] {strides = array<i32>} : memref<2048xi32, #tpu.memory_space<vmem>>, vector<16xi32>,
      %get3A_827 = vector.shape_cast %get3A_826 : vector<16xi32> to vector<16xi32>
      %add3A_828 = arith.addi %get3A_824, %get3A_827 : vector<16xi32>
      %swap3A_829 = arith.constant 1152 : index
      %swap3A_830 = tpu.vector_load %arg6[%swap3A_829] {strides = array<i32>} : memref<2048xi32, #tpu.memory_space<vmem>>, vector<16xi32>,
      %swap3A_831 = vector.shape_cast %swap3A_830 : vector<16xi32> to vector<16xi32>
      %swap3A_832 = vector.shape_cast %add3A_828 : vector<16xi32> to vector<16xi32>
      tpu.vector_store %arg6[%swap3A_829], %swap3A_832 {strides = array<i32>} : memref<2048xi32, #tpu.memory_space<vmem>>, vector<16xi32>,
      %get3A_833 = arith.constant 1168 : index
      %get3A_834 = tpu.vector_load %arg6[%get3A_833] {strides = array<i32>} : memref<2048xi32, #tpu.memory_space<vmem>>, vector<16xi32>,
      %get3A_835 = vector.shape_cast %get3A_834 : vector<16xi32> to vector<16xi32>
      %get3A_836 = arith.constant 1168 : index
      %get3A_837 = tpu.vector_load %arg7[%get3A_836] {strides = array<i32>} : memref<2048xi32, #tpu.memory_space<vmem>>, vector<16xi32>,
      %get3A_838 = vector.shape_cast %get3A_837 : vector<16xi32> to vector<16xi32>
      %add3A_839 = arith.addi %get3A_835, %get3A_838 : vector<16xi32>
      %swap3A_840 = arith.constant 1168 : index
      %swap3A_841 = tpu.vector_load %arg6[%swap3A_840] {strides = array<i32>} : memref<2048xi32, #tpu.memory_space<vmem>>, vector<16xi32>,
      %swap3A_842 = vector.shape_cast %swap3A_841 : vector<16xi32> to vector<16xi32>
      %swap3A_843 = vector.shape_cast %add3A_839 : vector<16xi32> to vector<16xi32>
      tpu.vector_store %arg6[%swap3A_840], %swap3A_843 {strides = array<i32>} : memref<2048xi32, #tpu.memory_space<vmem>>, vector<16xi32>,
      %get3A_844 = arith.constant 1184 : index
      %get3A_845 = tpu.vector_load %arg6[%get3A_844] {strides = array<i32>} : memref<2048xi32, #tpu.memory_space<vmem>>, vector<16xi32>,
      %get3A_846 = vector.shape_cast %get3A_845 : vector<16xi32> to vector<16xi32>
      %get3A_847 = arith.constant 1184 : index
      %get3A_848 = tpu.vector_load %arg7[%get3A_847] {strides = array<i32>} : memref<2048xi32, #tpu.memory_space<vmem>>, vector<16xi32>,
      %get3A_849 = vector.shape_cast %get3A_848 : vector<16xi32> to vector<16xi32>
      %add3A_850 = arith.addi %get3A_846, %get3A_849 : vector<16xi32>
      %swap3A_851 = arith.constant 1184 : index
      %swap3A_852 = tpu.vector_load %arg6[%swap3A_851] {strides = array<i32>} : memref<2048xi32, #tpu.memory_space<vmem>>, vector<16xi32>,
      %swap3A_853 = vector.shape_cast %swap3A_852 : vector<16xi32> to vector<16xi32>
      %swap3A_854 = vector.shape_cast %add3A_850 : vector<16xi32> to vector<16xi32>
      tpu.vector_store %arg6[%swap3A_851], %swap3A_854 {strides = array<i32>} : memref<2048xi32, #tpu.memory_space<vmem>>, vector<16xi32>,
      %get3A_855 = arith.constant 1200 : index
      %get3A_856 = tpu.vector_load %arg6[%get3A_855] {strides = array<i32>} : memref<2048xi32, #tpu.memory_space<vmem>>, vector<16xi32>,
      %get3A_857 = vector.shape_cast %get3A_856 : vector<16xi32> to vector<16xi32>
      %get3A_858 = arith.constant 1200 : index
      %get3A_859 = tpu.vector_load %arg7[%get3A_858] {strides = array<i32>} : memref<2048xi32, #tpu.memory_space<vmem>>, vector<16xi32>,
      %get3A_860 = vector.shape_cast %get3A_859 : vector<16xi32> to vector<16xi32>
      %add3A_861 = arith.addi %get3A_857, %get3A_860 : vector<16xi32>
      %swap3A_862 = arith.constant 1200 : index
      %swap3A_863 = tpu.vector_load %arg6[%swap3A_862] {strides = array<i32>} : memref<2048xi32, #tpu.memory_space<vmem>>, vector<16xi32>,
      %swap3A_864 = vector.shape_cast %swap3A_863 : vector<16xi32> to vector<16xi32>
      %swap3A_865 = vector.shape_cast %add3A_861 : vector<16xi32> to vector<16xi32>
      tpu.vector_store %arg6[%swap3A_862], %swap3A_865 {strides = array<i32>} : memref<2048xi32, #tpu.memory_space<vmem>>, vector<16xi32>,
      %get3A_866 = arith.constant 1216 : index
      %get3A_867 = tpu.vector_load %arg6[%get3A_866] {strides = array<i32>} : memref<2048xi32, #tpu.memory_space<vmem>>, vector<16xi32>,
      %get3A_868 = vector.shape_cast %get3A_867 : vector<16xi32> to vector<16xi32>
      %get3A_869 = arith.constant 1216 : index
      %get3A_870 = tpu.vector_load %arg7[%get3A_869] {strides = array<i32>} : memref<2048xi32, #tpu.memory_space<vmem>>, vector<16xi32>,
      %get3A_871 = vector.shape_cast %get3A_870 : vector<16xi32> to vector<16xi32>
      %add3A_872 = arith.addi %get3A_868, %get3A_871 : vector<16xi32>
      %swap3A_873 = arith.constant 1216 : index
      %swap3A_874 = tpu.vector_load %arg6[%swap3A_873] {strides = array<i32>} : memref<2048xi32, #tpu.memory_space<vmem>>, vector<16xi32>,
      %swap3A_875 = vector.shape_cast %swap3A_874 : vector<16xi32> to vector<16xi32>
      %swap3A_876 = vector.shape_cast %add3A_872 : vector<16xi32> to vector<16xi32>
      tpu.vector_store %arg6[%swap3A_873], %swap3A_876 {strides = array<i32>} : memref<2048xi32, #tpu.memory_space<vmem>>, vector<16xi32>,
      %get3A_877 = arith.constant 1232 : index
      %get3A_878 = tpu.vector_load %arg6[%get3A_877] {strides = array<i32>} : memref<2048xi32, #tpu.memory_space<vmem>>, vector<16xi32>,
      %get3A_879 = vector.shape_cast %get3A_878 : vector<16xi32> to vector<16xi32>
      %get3A_880 = arith.constant 1232 : index
      %get3A_881 = tpu.vector_load %arg7[%get3A_880] {strides = array<i32>} : memref<2048xi32, #tpu.memory_space<vmem>>, vector<16xi32>,
      %get3A_882 = vector.shape_cast %get3A_881 : vector<16xi32> to vector<16xi32>
      %add3A_883 = arith.addi %get3A_879, %get3A_882 : vector<16xi32>
      %swap3A_884 = arith.constant 1232 : index
      %swap3A_885 = tpu.vector_load %arg6[%swap3A_884] {strides = array<i32>} : memref<2048xi32, #tpu.memory_space<vmem>>, vector<16xi32>,
      %swap3A_886 = vector.shape_cast %swap3A_885 : vector<16xi32> to vector<16xi32>
      %swap3A_887 = vector.shape_cast %add3A_883 : vector<16xi32> to vector<16xi32>
      tpu.vector_store %arg6[%swap3A_884], %swap3A_887 {strides = array<i32>} : memref<2048xi32, #tpu.memory_space<vmem>>, vector<16xi32>,
      %get3A_888 = arith.constant 1248 : index
      %get3A_889 = tpu.vector_load %arg6[%get3A_888] {strides = array<i32>} : memref<2048xi32, #tpu.memory_space<vmem>>, vector<16xi32>,
      %get3A_890 = vector.shape_cast %get3A_889 : vector<16xi32> to vector<16xi32>
      %get3A_891 = arith.constant 1248 : index
      %get3A_892 = tpu.vector_load %arg7[%get3A_891] {strides = array<i32>} : memref<2048xi32, #tpu.memory_space<vmem>>, vector<16xi32>,
      %get3A_893 = vector.shape_cast %get3A_892 : vector<16xi32> to vector<16xi32>
      %add3A_894 = arith.addi %get3A_890, %get3A_893 : vector<16xi32>
      %swap3A_895 = arith.constant 1248 : index
      %swap3A_896 = tpu.vector_load %arg6[%swap3A_895] {strides = array<i32>} : memref<2048xi32, #tpu.memory_space<vmem>>, vector<16xi32>,
      %swap3A_897 = vector.shape_cast %swap3A_896 : vector<16xi32> to vector<16xi32>
      %swap3A_898 = vector.shape_cast %add3A_894 : vector<16xi32> to vector<16xi32>
      tpu.vector_store %arg6[%swap3A_895], %swap3A_898 {strides = array<i32>} : memref<2048xi32, #tpu.memory_space<vmem>>, vector<16xi32>,
      %get3A_899 = arith.constant 1264 : index
      %get3A_900 = tpu.vector_load %arg6[%get3A_899] {strides = array<i32>} : memref<2048xi32, #tpu.memory_space<vmem>>, vector<16xi32>,
      %get3A_901 = vector.shape_cast %get3A_900 : vector<16xi32> to vector<16xi32>
      %get3A_902 = arith.constant 1264 : index
      %get3A_903 = tpu.vector_load %arg7[%get3A_902] {strides = array<i32>} : memref<2048xi32, #tpu.memory_space<vmem>>, vector<16xi32>,
      %get3A_904 = vector.shape_cast %get3A_903 : vector<16xi32> to vector<16xi32>
      %add3A_905 = arith.addi %get3A_901, %get3A_904 : vector<16xi32>
      %swap3A_906 = arith.constant 1264 : index
      %swap3A_907 = tpu.vector_load %arg6[%swap3A_906] {strides = array<i32>} : memref<2048xi32, #tpu.memory_space<vmem>>, vector<16xi32>,
      %swap3A_908 = vector.shape_cast %swap3A_907 : vector<16xi32> to vector<16xi32>
      %swap3A_909 = vector.shape_cast %add3A_905 : vector<16xi32> to vector<16xi32>
      tpu.vector_store %arg6[%swap3A_906], %swap3A_909 {strides = array<i32>} : memref<2048xi32, #tpu.memory_space<vmem>>, vector<16xi32>,
      %get3A_910 = arith.constant 1280 : index
      %get3A_911 = tpu.vector_load %arg6[%get3A_910] {strides = array<i32>} : memref<2048xi32, #tpu.memory_space<vmem>>, vector<16xi32>,
      %get3A_912 = vector.shape_cast %get3A_911 : vector<16xi32> to vector<16xi32>
      %get3A_913 = arith.constant 1280 : index
      %get3A_914 = tpu.vector_load %arg7[%get3A_913] {strides = array<i32>} : memref<2048xi32, #tpu.memory_space<vmem>>, vector<16xi32>,
      %get3A_915 = vector.shape_cast %get3A_914 : vector<16xi32> to vector<16xi32>
      %add3A_916 = arith.addi %get3A_912, %get3A_915 : vector<16xi32>
      %swap3A_917 = arith.constant 1280 : index
      %swap3A_918 = tpu.vector_load %arg6[%swap3A_917] {strides = array<i32>} : memref<2048xi32, #tpu.memory_space<vmem>>, vector<16xi32>,
      %swap3A_919 = vector.shape_cast %swap3A_918 : vector<16xi32> to vector<16xi32>
      %swap3A_920 = vector.shape_cast %add3A_916 : vector<16xi32> to vector<16xi32>
      tpu.vector_store %arg6[%swap3A_917], %swap3A_920 {strides = array<i32>} : memref<2048xi32, #tpu.memory_space<vmem>>, vector<16xi32>,
      %get3A_921 = arith.constant 1296 : index
      %get3A_922 = tpu.vector_load %arg6[%get3A_921] {strides = array<i32>} : memref<2048xi32, #tpu.memory_space<vmem>>, vector<16xi32>,
      %get3A_923 = vector.shape_cast %get3A_922 : vector<16xi32> to vector<16xi32>
      %get3A_924 = arith.constant 1296 : index
      %get3A_925 = tpu.vector_load %arg7[%get3A_924] {strides = array<i32>} : memref<2048xi32, #tpu.memory_space<vmem>>, vector<16xi32>,
      %get3A_926 = vector.shape_cast %get3A_925 : vector<16xi32> to vector<16xi32>
      %add3A_927 = arith.addi %get3A_923, %get3A_926 : vector<16xi32>
      %swap3A_928 = arith.constant 1296 : index
      %swap3A_929 = tpu.vector_load %arg6[%swap3A_928] {strides = array<i32>} : memref<2048xi32, #tpu.memory_space<vmem>>, vector<16xi32>,
      %swap3A_930 = vector.shape_cast %swap3A_929 : vector<16xi32> to vector<16xi32>
      %swap3A_931 = vector.shape_cast %add3A_927 : vector<16xi32> to vector<16xi32>
      tpu.vector_store %arg6[%swap3A_928], %swap3A_931 {strides = array<i32>} : memref<2048xi32, #tpu.memory_space<vmem>>, vector<16xi32>,
      %get3A_932 = arith.constant 1312 : index
      %get3A_933 = tpu.vector_load %arg6[%get3A_932] {strides = array<i32>} : memref<2048xi32, #tpu.memory_space<vmem>>, vector<16xi32>,
      %get3A_934 = vector.shape_cast %get3A_933 : vector<16xi32> to vector<16xi32>
      %get3A_935 = arith.constant 1312 : index
      %get3A_936 = tpu.vector_load %arg7[%get3A_935] {strides = array<i32>} : memref<2048xi32, #tpu.memory_space<vmem>>, vector<16xi32>,
      %get3A_937 = vector.shape_cast %get3A_936 : vector<16xi32> to vector<16xi32>
      %add3A_938 = arith.addi %get3A_934, %get3A_937 : vector<16xi32>
      %swap3A_939 = arith.constant 1312 : index
      %swap3A_940 = tpu.vector_load %arg6[%swap3A_939] {strides = array<i32>} : memref<2048xi32, #tpu.memory_space<vmem>>, vector<16xi32>,
      %swap3A_941 = vector.shape_cast %swap3A_940 : vector<16xi32> to vector<16xi32>
      %swap3A_942 = vector.shape_cast %add3A_938 : vector<16xi32> to vector<16xi32>
      tpu.vector_store %arg6[%swap3A_939], %swap3A_942 {strides = array<i32>} : memref<2048xi32, #tpu.memory_space<vmem>>, vector<16xi32>,
      %get3A_943 = arith.constant 1328 : index
      %get3A_944 = tpu.vector_load %arg6[%get3A_943] {strides = array<i32>} : memref<2048xi32, #tpu.memory_space<vmem>>, vector<16xi32>,
      %get3A_945 = vector.shape_cast %get3A_944 : vector<16xi32> to vector<16xi32>
      %get3A_946 = arith.constant 1328 : index
      %get3A_947 = tpu.vector_load %arg7[%get3A_946] {strides = array<i32>} : memref<2048xi32, #tpu.memory_space<vmem>>, vector<16xi32>,
      %get3A_948 = vector.shape_cast %get3A_947 : vector<16xi32> to vector<16xi32>
      %add3A_949 = arith.addi %get3A_945, %get3A_948 : vector<16xi32>
      %swap3A_950 = arith.constant 1328 : index
      %swap3A_951 = tpu.vector_load %arg6[%swap3A_950] {strides = array<i32>} : memref<2048xi32, #tpu.memory_space<vmem>>, vector<16xi32>,
      %swap3A_952 = vector.shape_cast %swap3A_951 : vector<16xi32> to vector<16xi32>
      %swap3A_953 = vector.shape_cast %add3A_949 : vector<16xi32> to vector<16xi32>
      tpu.vector_store %arg6[%swap3A_950], %swap3A_953 {strides = array<i32>} : memref<2048xi32, #tpu.memory_space<vmem>>, vector<16xi32>,
      %get3A_954 = arith.constant 1344 : index
      %get3A_955 = tpu.vector_load %arg6[%get3A_954] {strides = array<i32>} : memref<2048xi32, #tpu.memory_space<vmem>>, vector<16xi32>,
      %get3A_956 = vector.shape_cast %get3A_955 : vector<16xi32> to vector<16xi32>
      %get3A_957 = arith.constant 1344 : index
      %get3A_958 = tpu.vector_load %arg7[%get3A_957] {strides = array<i32>} : memref<2048xi32, #tpu.memory_space<vmem>>, vector<16xi32>,
      %get3A_959 = vector.shape_cast %get3A_958 : vector<16xi32> to vector<16xi32>
      %add3A_960 = arith.addi %get3A_956, %get3A_959 : vector<16xi32>
      %swap3A_961 = arith.constant 1344 : index
      %swap3A_962 = tpu.vector_load %arg6[%swap3A_961] {strides = array<i32>} : memref<2048xi32, #tpu.memory_space<vmem>>, vector<16xi32>,
      %swap3A_963 = vector.shape_cast %swap3A_962 : vector<16xi32> to vector<16xi32>
      %swap3A_964 = vector.shape_cast %add3A_960 : vector<16xi32> to vector<16xi32>
      tpu.vector_store %arg6[%swap3A_961], %swap3A_964 {strides = array<i32>} : memref<2048xi32, #tpu.memory_space<vmem>>, vector<16xi32>,
      %get3A_965 = arith.constant 1360 : index
      %get3A_966 = tpu.vector_load %arg6[%get3A_965] {strides = array<i32>} : memref<2048xi32, #tpu.memory_space<vmem>>, vector<16xi32>,
      %get3A_967 = vector.shape_cast %get3A_966 : vector<16xi32> to vector<16xi32>
      %get3A_968 = arith.constant 1360 : index
      %get3A_969 = tpu.vector_load %arg7[%get3A_968] {strides = array<i32>} : memref<2048xi32, #tpu.memory_space<vmem>>, vector<16xi32>,
      %get3A_970 = vector.shape_cast %get3A_969 : vector<16xi32> to vector<16xi32>
      %add3A_971 = arith.addi %get3A_967, %get3A_970 : vector<16xi32>
      %swap3A_972 = arith.constant 1360 : index
      %swap3A_973 = tpu.vector_load %arg6[%swap3A_972] {strides = array<i32>} : memref<2048xi32, #tpu.memory_space<vmem>>, vector<16xi32>,
      %swap3A_974 = vector.shape_cast %swap3A_973 : vector<16xi32> to vector<16xi32>
      %swap3A_975 = vector.shape_cast %add3A_971 : vector<16xi32> to vector<16xi32>
      tpu.vector_store %arg6[%swap3A_972], %swap3A_975 {strides = array<i32>} : memref<2048xi32, #tpu.memory_space<vmem>>, vector<16xi32>,
      %get3A_976 = arith.constant 1376 : index
      %get3A_977 = tpu.vector_load %arg6[%get3A_976] {strides = array<i32>} : memref<2048xi32, #tpu.memory_space<vmem>>, vector<16xi32>,
      %get3A_978 = vector.shape_cast %get3A_977 : vector<16xi32> to vector<16xi32>
      %get3A_979 = arith.constant 1376 : index
      %get3A_980 = tpu.vector_load %arg7[%get3A_979] {strides = array<i32>} : memref<2048xi32, #tpu.memory_space<vmem>>, vector<16xi32>,
      %get3A_981 = vector.shape_cast %get3A_980 : vector<16xi32> to vector<16xi32>
      %add3A_982 = arith.addi %get3A_978, %get3A_981 : vector<16xi32>
      %swap3A_983 = arith.constant 1376 : index
      %swap3A_984 = tpu.vector_load %arg6[%swap3A_983] {strides = array<i32>} : memref<2048xi32, #tpu.memory_space<vmem>>, vector<16xi32>,
      %swap3A_985 = vector.shape_cast %swap3A_984 : vector<16xi32> to vector<16xi32>
      %swap3A_986 = vector.shape_cast %add3A_982 : vector<16xi32> to vector<16xi32>
      tpu.vector_store %arg6[%swap3A_983], %swap3A_986 {strides = array<i32>} : memref<2048xi32, #tpu.memory_space<vmem>>, vector<16xi32>,
      %get3A_987 = arith.constant 1392 : index
      %get3A_988 = tpu.vector_load %arg6[%get3A_987] {strides = array<i32>} : memref<2048xi32, #tpu.memory_space<vmem>>, vector<16xi32>,
      %get3A_989 = vector.shape_cast %get3A_988 : vector<16xi32> to vector<16xi32>
      %get3A_990 = arith.constant 1392 : index
      %get3A_991 = tpu.vector_load %arg7[%get3A_990] {strides = array<i32>} : memref<2048xi32, #tpu.memory_space<vmem>>, vector<16xi32>,
      %get3A_992 = vector.shape_cast %get3A_991 : vector<16xi32> to vector<16xi32>
      %add3A_993 = arith.addi %get3A_989, %get3A_992 : vector<16xi32>
      %swap3A_994 = arith.constant 1392 : index
      %swap3A_995 = tpu.vector_load %arg6[%swap3A_994] {strides = array<i32>} : memref<2048xi32, #tpu.memory_space<vmem>>, vector<16xi32>,
      %swap3A_996 = vector.shape_cast %swap3A_995 : vector<16xi32> to vector<16xi32>
      %swap3A_997 = vector.shape_cast %add3A_993 : vector<16xi32> to vector<16xi32>
      tpu.vector_store %arg6[%swap3A_994], %swap3A_997 {strides = array<i32>} : memref<2048xi32, #tpu.memory_space<vmem>>, vector<16xi32>,
      %get3A_998 = arith.constant 1408 : index
      %get3A_999 = tpu.vector_load %arg6[%get3A_998] {strides = array<i32>} : memref<2048xi32, #tpu.memory_space<vmem>>, vector<16xi32>,
      %get3A_1000 = vector.shape_cast %get3A_999 : vector<16xi32> to vector<16xi32>
      %get3A_1001 = arith.constant 1408 : index
      %get3A_1002 = tpu.vector_load %arg7[%get3A_1001] {strides = array<i32>} : memref<2048xi32, #tpu.memory_space<vmem>>, vector<16xi32>,
      %get3A_1003 = vector.shape_cast %get3A_1002 : vector<16xi32> to vector<16xi32>
      %add3A_1004 = arith.addi %get3A_1000, %get3A_1003 : vector<16xi32>
      %swap3A_1005 = arith.constant 1408 : index
      %swap3A_1006 = tpu.vector_load %arg6[%swap3A_1005] {strides = array<i32>} : memref<2048xi32, #tpu.memory_space<vmem>>, vector<16xi32>,
      %swap3A_1007 = vector.shape_cast %swap3A_1006 : vector<16xi32> to vector<16xi32>
      %swap3A_1008 = vector.shape_cast %add3A_1004 : vector<16xi32> to vector<16xi32>
      tpu.vector_store %arg6[%swap3A_1005], %swap3A_1008 {strides = array<i32>} : memref<2048xi32, #tpu.memory_space<vmem>>, vector<16xi32>,
      %get3A_1009 = arith.constant 1424 : index
      %get3A_1010 = tpu.vector_load %arg6[%get3A_1009] {strides = array<i32>} : memref<2048xi32, #tpu.memory_space<vmem>>, vector<16xi32>,
      %get3A_1011 = vector.shape_cast %get3A_1010 : vector<16xi32> to vector<16xi32>
      %get3A_1012 = arith.constant 1424 : index
      %get3A_1013 = tpu.vector_load %arg7[%get3A_1012] {strides = array<i32>} : memref<2048xi32, #tpu.memory_space<vmem>>, vector<16xi32>,
      %get3A_1014 = vector.shape_cast %get3A_1013 : vector<16xi32> to vector<16xi32>
      %add3A_1015 = arith.addi %get3A_1011, %get3A_1014 : vector<16xi32>
      %swap3A_1016 = arith.constant 1424 : index
      %swap3A_1017 = tpu.vector_load %arg6[%swap3A_1016] {strides = array<i32>} : memref<2048xi32, #tpu.memory_space<vmem>>, vector<16xi32>,
      %swap3A_1018 = vector.shape_cast %swap3A_1017 : vector<16xi32> to vector<16xi32>
      %swap3A_1019 = vector.shape_cast %add3A_1015 : vector<16xi32> to vector<16xi32>
      tpu.vector_store %arg6[%swap3A_1016], %swap3A_1019 {strides = array<i32>} : memref<2048xi32, #tpu.memory_space<vmem>>, vector<16xi32>,
      %get3A_1020 = arith.constant 1440 : index
      %get3A_1021 = tpu.vector_load %arg6[%get3A_1020] {strides = array<i32>} : memref<2048xi32, #tpu.memory_space<vmem>>, vector<16xi32>,
      %get3A_1022 = vector.shape_cast %get3A_1021 : vector<16xi32> to vector<16xi32>
      %get3A_1023 = arith.constant 1440 : index
      %get3A_1024 = tpu.vector_load %arg7[%get3A_1023] {strides = array<i32>} : memref<2048xi32, #tpu.memory_space<vmem>>, vector<16xi32>,
      %get3A_1025 = vector.shape_cast %get3A_1024 : vector<16xi32> to vector<16xi32>
      %add3A_1026 = arith.addi %get3A_1022, %get3A_1025 : vector<16xi32>
      %swap3A_1027 = arith.constant 1440 : index
      %swap3A_1028 = tpu.vector_load %arg6[%swap3A_1027] {strides = array<i32>} : memref<2048xi32, #tpu.memory_space<vmem>>, vector<16xi32>,
      %swap3A_1029 = vector.shape_cast %swap3A_1028 : vector<16xi32> to vector<16xi32>
      %swap3A_1030 = vector.shape_cast %add3A_1026 : vector<16xi32> to vector<16xi32>
      tpu.vector_store %arg6[%swap3A_1027], %swap3A_1030 {strides = array<i32>} : memref<2048xi32, #tpu.memory_space<vmem>>, vector<16xi32>,
      %get3A_1031 = arith.constant 1456 : index
      %get3A_1032 = tpu.vector_load %arg6[%get3A_1031] {strides = array<i32>} : memref<2048xi32, #tpu.memory_space<vmem>>, vector<16xi32>,
      %get3A_1033 = vector.shape_cast %get3A_1032 : vector<16xi32> to vector<16xi32>
      %get3A_1034 = arith.constant 1456 : index
      %get3A_1035 = tpu.vector_load %arg7[%get3A_1034] {strides = array<i32>} : memref<2048xi32, #tpu.memory_space<vmem>>, vector<16xi32>,
      %get3A_1036 = vector.shape_cast %get3A_1035 : vector<16xi32> to vector<16xi32>
      %add3A_1037 = arith.addi %get3A_1033, %get3A_1036 : vector<16xi32>
      %swap3A_1038 = arith.constant 1456 : index
      %swap3A_1039 = tpu.vector_load %arg6[%swap3A_1038] {strides = array<i32>} : memref<2048xi32, #tpu.memory_space<vmem>>, vector<16xi32>,
      %swap3A_1040 = vector.shape_cast %swap3A_1039 : vector<16xi32> to vector<16xi32>
      %swap3A_1041 = vector.shape_cast %add3A_1037 : vector<16xi32> to vector<16xi32>
      tpu.vector_store %arg6[%swap3A_1038], %swap3A_1041 {strides = array<i32>} : memref<2048xi32, #tpu.memory_space<vmem>>, vector<16xi32>,
      %get3A_1042 = arith.constant 1472 : index
      %get3A_1043 = tpu.vector_load %arg6[%get3A_1042] {strides = array<i32>} : memref<2048xi32, #tpu.memory_space<vmem>>, vector<16xi32>,
      %get3A_1044 = vector.shape_cast %get3A_1043 : vector<16xi32> to vector<16xi32>
      %get3A_1045 = arith.constant 1472 : index
      %get3A_1046 = tpu.vector_load %arg7[%get3A_1045] {strides = array<i32>} : memref<2048xi32, #tpu.memory_space<vmem>>, vector<16xi32>,
      %get3A_1047 = vector.shape_cast %get3A_1046 : vector<16xi32> to vector<16xi32>
      %add3A_1048 = arith.addi %get3A_1044, %get3A_1047 : vector<16xi32>
      %swap3A_1049 = arith.constant 1472 : index
      %swap3A_1050 = tpu.vector_load %arg6[%swap3A_1049] {strides = array<i32>} : memref<2048xi32, #tpu.memory_space<vmem>>, vector<16xi32>,
      %swap3A_1051 = vector.shape_cast %swap3A_1050 : vector<16xi32> to vector<16xi32>
      %swap3A_1052 = vector.shape_cast %add3A_1048 : vector<16xi32> to vector<16xi32>
      tpu.vector_store %arg6[%swap3A_1049], %swap3A_1052 {strides = array<i32>} : memref<2048xi32, #tpu.memory_space<vmem>>, vector<16xi32>,
      %get3A_1053 = arith.constant 1488 : index
      %get3A_1054 = tpu.vector_load %arg6[%get3A_1053] {strides = array<i32>} : memref<2048xi32, #tpu.memory_space<vmem>>, vector<16xi32>,
      %get3A_1055 = vector.shape_cast %get3A_1054 : vector<16xi32> to vector<16xi32>
      %get3A_1056 = arith.constant 1488 : index
      %get3A_1057 = tpu.vector_load %arg7[%get3A_1056] {strides = array<i32>} : memref<2048xi32, #tpu.memory_space<vmem>>, vector<16xi32>,
      %get3A_1058 = vector.shape_cast %get3A_1057 : vector<16xi32> to vector<16xi32>
      %add3A_1059 = arith.addi %get3A_1055, %get3A_1058 : vector<16xi32>
      %swap3A_1060 = arith.constant 1488 : index
      %swap3A_1061 = tpu.vector_load %arg6[%swap3A_1060] {strides = array<i32>} : memref<2048xi32, #tpu.memory_space<vmem>>, vector<16xi32>,
      %swap3A_1062 = vector.shape_cast %swap3A_1061 : vector<16xi32> to vector<16xi32>
      %swap3A_1063 = vector.shape_cast %add3A_1059 : vector<16xi32> to vector<16xi32>
      tpu.vector_store %arg6[%swap3A_1060], %swap3A_1063 {strides = array<i32>} : memref<2048xi32, #tpu.memory_space<vmem>>, vector<16xi32>,
      %get3A_1064 = arith.constant 1504 : index
      %get3A_1065 = tpu.vector_load %arg6[%get3A_1064] {strides = array<i32>} : memref<2048xi32, #tpu.memory_space<vmem>>, vector<16xi32>,
      %get3A_1066 = vector.shape_cast %get3A_1065 : vector<16xi32> to vector<16xi32>
      %get3A_1067 = arith.constant 1504 : index
      %get3A_1068 = tpu.vector_load %arg7[%get3A_1067] {strides = array<i32>} : memref<2048xi32, #tpu.memory_space<vmem>>, vector<16xi32>,
      %get3A_1069 = vector.shape_cast %get3A_1068 : vector<16xi32> to vector<16xi32>
      %add3A_1070 = arith.addi %get3A_1066, %get3A_1069 : vector<16xi32>
      %swap3A_1071 = arith.constant 1504 : index
      %swap3A_1072 = tpu.vector_load %arg6[%swap3A_1071] {strides = array<i32>} : memref<2048xi32, #tpu.memory_space<vmem>>, vector<16xi32>,
      %swap3A_1073 = vector.shape_cast %swap3A_1072 : vector<16xi32> to vector<16xi32>
      %swap3A_1074 = vector.shape_cast %add3A_1070 : vector<16xi32> to vector<16xi32>
      tpu.vector_store %arg6[%swap3A_1071], %swap3A_1074 {strides = array<i32>} : memref<2048xi32, #tpu.memory_space<vmem>>, vector<16xi32>,
      %get3A_1075 = arith.constant 1520 : index
      %get3A_1076 = tpu.vector_load %arg6[%get3A_1075] {strides = array<i32>} : memref<2048xi32, #tpu.memory_space<vmem>>, vector<16xi32>,
      %get3A_1077 = vector.shape_cast %get3A_1076 : vector<16xi32> to vector<16xi32>
      %get3A_1078 = arith.constant 1520 : index
      %get3A_1079 = tpu.vector_load %arg7[%get3A_1078] {strides = array<i32>} : memref<2048xi32, #tpu.memory_space<vmem>>, vector<16xi32>,
      %get3A_1080 = vector.shape_cast %get3A_1079 : vector<16xi32> to vector<16xi32>
      %add3A_1081 = arith.addi %get3A_1077, %get3A_1080 : vector<16xi32>
      %swap3A_1082 = arith.constant 1520 : index
      %swap3A_1083 = tpu.vector_load %arg6[%swap3A_1082] {strides = array<i32>} : memref<2048xi32, #tpu.memory_space<vmem>>, vector<16xi32>,
      %swap3A_1084 = vector.shape_cast %swap3A_1083 : vector<16xi32> to vector<16xi32>
      %swap3A_1085 = vector.shape_cast %add3A_1081 : vector<16xi32> to vector<16xi32>
      tpu.vector_store %arg6[%swap3A_1082], %swap3A_1085 {strides = array<i32>} : memref<2048xi32, #tpu.memory_space<vmem>>, vector<16xi32>,
      %get3A_1086 = arith.constant 1536 : index
      %get3A_1087 = tpu.vector_load %arg6[%get3A_1086] {strides = array<i32>} : memref<2048xi32, #tpu.memory_space<vmem>>, vector<16xi32>,
      %get3A_1088 = vector.shape_cast %get3A_1087 : vector<16xi32> to vector<16xi32>
      %get3A_1089 = arith.constant 1536 : index
      %get3A_1090 = tpu.vector_load %arg7[%get3A_1089] {strides = array<i32>} : memref<2048xi32, #tpu.memory_space<vmem>>, vector<16xi32>,
      %get3A_1091 = vector.shape_cast %get3A_1090 : vector<16xi32> to vector<16xi32>
      %add3A_1092 = arith.addi %get3A_1088, %get3A_1091 : vector<16xi32>
      %swap3A_1093 = arith.constant 1536 : index
      %swap3A_1094 = tpu.vector_load %arg6[%swap3A_1093] {strides = array<i32>} : memref<2048xi32, #tpu.memory_space<vmem>>, vector<16xi32>,
      %swap3A_1095 = vector.shape_cast %swap3A_1094 : vector<16xi32> to vector<16xi32>
      %swap3A_1096 = vector.shape_cast %add3A_1092 : vector<16xi32> to vector<16xi32>
      tpu.vector_store %arg6[%swap3A_1093], %swap3A_1096 {strides = array<i32>} : memref<2048xi32, #tpu.memory_space<vmem>>, vector<16xi32>,
      %get3A_1097 = arith.constant 1552 : index
      %get3A_1098 = tpu.vector_load %arg6[%get3A_1097] {strides = array<i32>} : memref<2048xi32, #tpu.memory_space<vmem>>, vector<16xi32>,
      %get3A_1099 = vector.shape_cast %get3A_1098 : vector<16xi32> to vector<16xi32>
      %get3A_1100 = arith.constant 1552 : index
      %get3A_1101 = tpu.vector_load %arg7[%get3A_1100] {strides = array<i32>} : memref<2048xi32, #tpu.memory_space<vmem>>, vector<16xi32>,
      %get3A_1102 = vector.shape_cast %get3A_1101 : vector<16xi32> to vector<16xi32>
      %add3A_1103 = arith.addi %get3A_1099, %get3A_1102 : vector<16xi32>
      %swap3A_1104 = arith.constant 1552 : index
      %swap3A_1105 = tpu.vector_load %arg6[%swap3A_1104] {strides = array<i32>} : memref<2048xi32, #tpu.memory_space<vmem>>, vector<16xi32>,
      %swap3A_1106 = vector.shape_cast %swap3A_1105 : vector<16xi32> to vector<16xi32>
      %swap3A_1107 = vector.shape_cast %add3A_1103 : vector<16xi32> to vector<16xi32>
      tpu.vector_store %arg6[%swap3A_1104], %swap3A_1107 {strides = array<i32>} : memref<2048xi32, #tpu.memory_space<vmem>>, vector<16xi32>,
      %get3A_1108 = arith.constant 1568 : index
      %get3A_1109 = tpu.vector_load %arg6[%get3A_1108] {strides = array<i32>} : memref<2048xi32, #tpu.memory_space<vmem>>, vector<16xi32>,
      %get3A_1110 = vector.shape_cast %get3A_1109 : vector<16xi32> to vector<16xi32>
      %get3A_1111 = arith.constant 1568 : index
      %get3A_1112 = tpu.vector_load %arg7[%get3A_1111] {strides = array<i32>} : memref<2048xi32, #tpu.memory_space<vmem>>, vector<16xi32>,
      %get3A_1113 = vector.shape_cast %get3A_1112 : vector<16xi32> to vector<16xi32>
      %add3A_1114 = arith.addi %get3A_1110, %get3A_1113 : vector<16xi32>
      %swap3A_1115 = arith.constant 1568 : index
      %swap3A_1116 = tpu.vector_load %arg6[%swap3A_1115] {strides = array<i32>} : memref<2048xi32, #tpu.memory_space<vmem>>, vector<16xi32>,
      %swap3A_1117 = vector.shape_cast %swap3A_1116 : vector<16xi32> to vector<16xi32>
      %swap3A_1118 = vector.shape_cast %add3A_1114 : vector<16xi32> to vector<16xi32>
      tpu.vector_store %arg6[%swap3A_1115], %swap3A_1118 {strides = array<i32>} : memref<2048xi32, #tpu.memory_space<vmem>>, vector<16xi32>,
      %get3A_1119 = arith.constant 1584 : index
      %get3A_1120 = tpu.vector_load %arg6[%get3A_1119] {strides = array<i32>} : memref<2048xi32, #tpu.memory_space<vmem>>, vector<16xi32>,
      %get3A_1121 = vector.shape_cast %get3A_1120 : vector<16xi32> to vector<16xi32>
      %get3A_1122 = arith.constant 1584 : index
      %get3A_1123 = tpu.vector_load %arg7[%get3A_1122] {strides = array<i32>} : memref<2048xi32, #tpu.memory_space<vmem>>, vector<16xi32>,
      %get3A_1124 = vector.shape_cast %get3A_1123 : vector<16xi32> to vector<16xi32>
      %add3A_1125 = arith.addi %get3A_1121, %get3A_1124 : vector<16xi32>
      %swap3A_1126 = arith.constant 1584 : index
      %swap3A_1127 = tpu.vector_load %arg6[%swap3A_1126] {strides = array<i32>} : memref<2048xi32, #tpu.memory_space<vmem>>, vector<16xi32>,
      %swap3A_1128 = vector.shape_cast %swap3A_1127 : vector<16xi32> to vector<16xi32>
      %swap3A_1129 = vector.shape_cast %add3A_1125 : vector<16xi32> to vector<16xi32>
      tpu.vector_store %arg6[%swap3A_1126], %swap3A_1129 {strides = array<i32>} : memref<2048xi32, #tpu.memory_space<vmem>>, vector<16xi32>,
      %get3A_1130 = arith.constant 1600 : index
      %get3A_1131 = tpu.vector_load %arg6[%get3A_1130] {strides = array<i32>} : memref<2048xi32, #tpu.memory_space<vmem>>, vector<16xi32>,
      %get3A_1132 = vector.shape_cast %get3A_1131 : vector<16xi32> to vector<16xi32>
      %get3A_1133 = arith.constant 1600 : index
      %get3A_1134 = tpu.vector_load %arg7[%get3A_1133] {strides = array<i32>} : memref<2048xi32, #tpu.memory_space<vmem>>, vector<16xi32>,
      %get3A_1135 = vector.shape_cast %get3A_1134 : vector<16xi32> to vector<16xi32>
      %add3A_1136 = arith.addi %get3A_1132, %get3A_1135 : vector<16xi32>
      %swap3A_1137 = arith.constant 1600 : index
      %swap3A_1138 = tpu.vector_load %arg6[%swap3A_1137] {strides = array<i32>} : memref<2048xi32, #tpu.memory_space<vmem>>, vector<16xi32>,
      %swap3A_1139 = vector.shape_cast %swap3A_1138 : vector<16xi32> to vector<16xi32>
      %swap3A_1140 = vector.shape_cast %add3A_1136 : vector<16xi32> to vector<16xi32>
      tpu.vector_store %arg6[%swap3A_1137], %swap3A_1140 {strides = array<i32>} : memref<2048xi32, #tpu.memory_space<vmem>>, vector<16xi32>,
      %get3A_1141 = arith.constant 1616 : index
      %get3A_1142 = tpu.vector_load %arg6[%get3A_1141] {strides = array<i32>} : memref<2048xi32, #tpu.memory_space<vmem>>, vector<16xi32>,
      %get3A_1143 = vector.shape_cast %get3A_1142 : vector<16xi32> to vector<16xi32>
      %get3A_1144 = arith.constant 1616 : index
      %get3A_1145 = tpu.vector_load %arg7[%get3A_1144] {strides = array<i32>} : memref<2048xi32, #tpu.memory_space<vmem>>, vector<16xi32>,
      %get3A_1146 = vector.shape_cast %get3A_1145 : vector<16xi32> to vector<16xi32>
      %add3A_1147 = arith.addi %get3A_1143, %get3A_1146 : vector<16xi32>
      %swap3A_1148 = arith.constant 1616 : index
      %swap3A_1149 = tpu.vector_load %arg6[%swap3A_1148] {strides = array<i32>} : memref<2048xi32, #tpu.memory_space<vmem>>, vector<16xi32>,
      %swap3A_1150 = vector.shape_cast %swap3A_1149 : vector<16xi32> to vector<16xi32>
      %swap3A_1151 = vector.shape_cast %add3A_1147 : vector<16xi32> to vector<16xi32>
      tpu.vector_store %arg6[%swap3A_1148], %swap3A_1151 {strides = array<i32>} : memref<2048xi32, #tpu.memory_space<vmem>>, vector<16xi32>,
      %get3A_1152 = arith.constant 1632 : index
      %get3A_1153 = tpu.vector_load %arg6[%get3A_1152] {strides = array<i32>} : memref<2048xi32, #tpu.memory_space<vmem>>, vector<16xi32>,
      %get3A_1154 = vector.shape_cast %get3A_1153 : vector<16xi32> to vector<16xi32>
      %get3A_1155 = arith.constant 1632 : index
      %get3A_1156 = tpu.vector_load %arg7[%get3A_1155] {strides = array<i32>} : memref<2048xi32, #tpu.memory_space<vmem>>, vector<16xi32>,
      %get3A_1157 = vector.shape_cast %get3A_1156 : vector<16xi32> to vector<16xi32>
      %add3A_1158 = arith.addi %get3A_1154, %get3A_1157 : vector<16xi32>
      %swap3A_1159 = arith.constant 1632 : index
      %swap3A_1160 = tpu.vector_load %arg6[%swap3A_1159] {strides = array<i32>} : memref<2048xi32, #tpu.memory_space<vmem>>, vector<16xi32>,
      %swap3A_1161 = vector.shape_cast %swap3A_1160 : vector<16xi32> to vector<16xi32>
      %swap3A_1162 = vector.shape_cast %add3A_1158 : vector<16xi32> to vector<16xi32>
      tpu.vector_store %arg6[%swap3A_1159], %swap3A_1162 {strides = array<i32>} : memref<2048xi32, #tpu.memory_space<vmem>>, vector<16xi32>,
      %get3A_1163 = arith.constant 1648 : index
      %get3A_1164 = tpu.vector_load %arg6[%get3A_1163] {strides = array<i32>} : memref<2048xi32, #tpu.memory_space<vmem>>, vector<16xi32>,
      %get3A_1165 = vector.shape_cast %get3A_1164 : vector<16xi32> to vector<16xi32>
      %get3A_1166 = arith.constant 1648 : index
      %get3A_1167 = tpu.vector_load %arg7[%get3A_1166] {strides = array<i32>} : memref<2048xi32, #tpu.memory_space<vmem>>, vector<16xi32>,
      %get3A_1168 = vector.shape_cast %get3A_1167 : vector<16xi32> to vector<16xi32>
      %add3A_1169 = arith.addi %get3A_1165, %get3A_1168 : vector<16xi32>
      %swap3A_1170 = arith.constant 1648 : index
      %swap3A_1171 = tpu.vector_load %arg6[%swap3A_1170] {strides = array<i32>} : memref<2048xi32, #tpu.memory_space<vmem>>, vector<16xi32>,
      %swap3A_1172 = vector.shape_cast %swap3A_1171 : vector<16xi32> to vector<16xi32>
      %swap3A_1173 = vector.shape_cast %add3A_1169 : vector<16xi32> to vector<16xi32>
      tpu.vector_store %arg6[%swap3A_1170], %swap3A_1173 {strides = array<i32>} : memref<2048xi32, #tpu.memory_space<vmem>>, vector<16xi32>,
      %get3A_1174 = arith.constant 1664 : index
      %get3A_1175 = tpu.vector_load %arg6[%get3A_1174] {strides = array<i32>} : memref<2048xi32, #tpu.memory_space<vmem>>, vector<16xi32>,
      %get3A_1176 = vector.shape_cast %get3A_1175 : vector<16xi32> to vector<16xi32>
      %get3A_1177 = arith.constant 1664 : index
      %get3A_1178 = tpu.vector_load %arg7[%get3A_1177] {strides = array<i32>} : memref<2048xi32, #tpu.memory_space<vmem>>, vector<16xi32>,
      %get3A_1179 = vector.shape_cast %get3A_1178 : vector<16xi32> to vector<16xi32>
      %add3A_1180 = arith.addi %get3A_1176, %get3A_1179 : vector<16xi32>
      %swap3A_1181 = arith.constant 1664 : index
      %swap3A_1182 = tpu.vector_load %arg6[%swap3A_1181] {strides = array<i32>} : memref<2048xi32, #tpu.memory_space<vmem>>, vector<16xi32>,
      %swap3A_1183 = vector.shape_cast %swap3A_1182 : vector<16xi32> to vector<16xi32>
      %swap3A_1184 = vector.shape_cast %add3A_1180 : vector<16xi32> to vector<16xi32>
      tpu.vector_store %arg6[%swap3A_1181], %swap3A_1184 {strides = array<i32>} : memref<2048xi32, #tpu.memory_space<vmem>>, vector<16xi32>,
      %get3A_1185 = arith.constant 1680 : index
      %get3A_1186 = tpu.vector_load %arg6[%get3A_1185] {strides = array<i32>} : memref<2048xi32, #tpu.memory_space<vmem>>, vector<16xi32>,
      %get3A_1187 = vector.shape_cast %get3A_1186 : vector<16xi32> to vector<16xi32>
      %get3A_1188 = arith.constant 1680 : index
      %get3A_1189 = tpu.vector_load %arg7[%get3A_1188] {strides = array<i32>} : memref<2048xi32, #tpu.memory_space<vmem>>, vector<16xi32>,
      %get3A_1190 = vector.shape_cast %get3A_1189 : vector<16xi32> to vector<16xi32>
      %add3A_1191 = arith.addi %get3A_1187, %get3A_1190 : vector<16xi32>
      %swap3A_1192 = arith.constant 1680 : index
      %swap3A_1193 = tpu.vector_load %arg6[%swap3A_1192] {strides = array<i32>} : memref<2048xi32, #tpu.memory_space<vmem>>, vector<16xi32>,
      %swap3A_1194 = vector.shape_cast %swap3A_1193 : vector<16xi32> to vector<16xi32>
      %swap3A_1195 = vector.shape_cast %add3A_1191 : vector<16xi32> to vector<16xi32>
      tpu.vector_store %arg6[%swap3A_1192], %swap3A_1195 {strides = array<i32>} : memref<2048xi32, #tpu.memory_space<vmem>>, vector<16xi32>,
      %get3A_1196 = arith.constant 1696 : index
      %get3A_1197 = tpu.vector_load %arg6[%get3A_1196] {strides = array<i32>} : memref<2048xi32, #tpu.memory_space<vmem>>, vector<16xi32>,
      %get3A_1198 = vector.shape_cast %get3A_1197 : vector<16xi32> to vector<16xi32>
      %get3A_1199 = arith.constant 1696 : index
      %get3A_1200 = tpu.vector_load %arg7[%get3A_1199] {strides = array<i32>} : memref<2048xi32, #tpu.memory_space<vmem>>, vector<16xi32>,
      %get3A_1201 = vector.shape_cast %get3A_1200 : vector<16xi32> to vector<16xi32>
      %add3A_1202 = arith.addi %get3A_1198, %get3A_1201 : vector<16xi32>
      %swap3A_1203 = arith.constant 1696 : index
      %swap3A_1204 = tpu.vector_load %arg6[%swap3A_1203] {strides = array<i32>} : memref<2048xi32, #tpu.memory_space<vmem>>, vector<16xi32>,
      %swap3A_1205 = vector.shape_cast %swap3A_1204 : vector<16xi32> to vector<16xi32>
      %swap3A_1206 = vector.shape_cast %add3A_1202 : vector<16xi32> to vector<16xi32>
      tpu.vector_store %arg6[%swap3A_1203], %swap3A_1206 {strides = array<i32>} : memref<2048xi32, #tpu.memory_space<vmem>>, vector<16xi32>,
      %get3A_1207 = arith.constant 1712 : index
      %get3A_1208 = tpu.vector_load %arg6[%get3A_1207] {strides = array<i32>} : memref<2048xi32, #tpu.memory_space<vmem>>, vector<16xi32>,
      %get3A_1209 = vector.shape_cast %get3A_1208 : vector<16xi32> to vector<16xi32>
      %get3A_1210 = arith.constant 1712 : index
      %get3A_1211 = tpu.vector_load %arg7[%get3A_1210] {strides = array<i32>} : memref<2048xi32, #tpu.memory_space<vmem>>, vector<16xi32>,
      %get3A_1212 = vector.shape_cast %get3A_1211 : vector<16xi32> to vector<16xi32>
      %add3A_1213 = arith.addi %get3A_1209, %get3A_1212 : vector<16xi32>
      %swap3A_1214 = arith.constant 1712 : index
      %swap3A_1215 = tpu.vector_load %arg6[%swap3A_1214] {strides = array<i32>} : memref<2048xi32, #tpu.memory_space<vmem>>, vector<16xi32>,
      %swap3A_1216 = vector.shape_cast %swap3A_1215 : vector<16xi32> to vector<16xi32>
      %swap3A_1217 = vector.shape_cast %add3A_1213 : vector<16xi32> to vector<16xi32>
      tpu.vector_store %arg6[%swap3A_1214], %swap3A_1217 {strides = array<i32>} : memref<2048xi32, #tpu.memory_space<vmem>>, vector<16xi32>,
      %get3A_1218 = arith.constant 1728 : index
      %get3A_1219 = tpu.vector_load %arg6[%get3A_1218] {strides = array<i32>} : memref<2048xi32, #tpu.memory_space<vmem>>, vector<16xi32>,
      %get3A_1220 = vector.shape_cast %get3A_1219 : vector<16xi32> to vector<16xi32>
      %get3A_1221 = arith.constant 1728 : index
      %get3A_1222 = tpu.vector_load %arg7[%get3A_1221] {strides = array<i32>} : memref<2048xi32, #tpu.memory_space<vmem>>, vector<16xi32>,
      %get3A_1223 = vector.shape_cast %get3A_1222 : vector<16xi32> to vector<16xi32>
      %add3A_1224 = arith.addi %get3A_1220, %get3A_1223 : vector<16xi32>
      %swap3A_1225 = arith.constant 1728 : index
      %swap3A_1226 = tpu.vector_load %arg6[%swap3A_1225] {strides = array<i32>} : memref<2048xi32, #tpu.memory_space<vmem>>, vector<16xi32>,
      %swap3A_1227 = vector.shape_cast %swap3A_1226 : vector<16xi32> to vector<16xi32>
      %swap3A_1228 = vector.shape_cast %add3A_1224 : vector<16xi32> to vector<16xi32>
      tpu.vector_store %arg6[%swap3A_1225], %swap3A_1228 {strides = array<i32>} : memref<2048xi32, #tpu.memory_space<vmem>>, vector<16xi32>,
      %get3A_1229 = arith.constant 1744 : index
      %get3A_1230 = tpu.vector_load %arg6[%get3A_1229] {strides = array<i32>} : memref<2048xi32, #tpu.memory_space<vmem>>, vector<16xi32>,
      %get3A_1231 = vector.shape_cast %get3A_1230 : vector<16xi32> to vector<16xi32>
      %get3A_1232 = arith.constant 1744 : index
      %get3A_1233 = tpu.vector_load %arg7[%get3A_1232] {strides = array<i32>} : memref<2048xi32, #tpu.memory_space<vmem>>, vector<16xi32>,
      %get3A_1234 = vector.shape_cast %get3A_1233 : vector<16xi32> to vector<16xi32>
      %add3A_1235 = arith.addi %get3A_1231, %get3A_1234 : vector<16xi32>
      %swap3A_1236 = arith.constant 1744 : index
      %swap3A_1237 = tpu.vector_load %arg6[%swap3A_1236] {strides = array<i32>} : memref<2048xi32, #tpu.memory_space<vmem>>, vector<16xi32>,
      %swap3A_1238 = vector.shape_cast %swap3A_1237 : vector<16xi32> to vector<16xi32>
      %swap3A_1239 = vector.shape_cast %add3A_1235 : vector<16xi32> to vector<16xi32>
      tpu.vector_store %arg6[%swap3A_1236], %swap3A_1239 {strides = array<i32>} : memref<2048xi32, #tpu.memory_space<vmem>>, vector<16xi32>,
      %get3A_1240 = arith.constant 1760 : index
      %get3A_1241 = tpu.vector_load %arg6[%get3A_1240] {strides = array<i32>} : memref<2048xi32, #tpu.memory_space<vmem>>, vector<16xi32>,
      %get3A_1242 = vector.shape_cast %get3A_1241 : vector<16xi32> to vector<16xi32>
      %get3A_1243 = arith.constant 1760 : index
      %get3A_1244 = tpu.vector_load %arg7[%get3A_1243] {strides = array<i32>} : memref<2048xi32, #tpu.memory_space<vmem>>, vector<16xi32>,
      %get3A_1245 = vector.shape_cast %get3A_1244 : vector<16xi32> to vector<16xi32>
      %add3A_1246 = arith.addi %get3A_1242, %get3A_1245 : vector<16xi32>
      %swap3A_1247 = arith.constant 1760 : index
      %swap3A_1248 = tpu.vector_load %arg6[%swap3A_1247] {strides = array<i32>} : memref<2048xi32, #tpu.memory_space<vmem>>, vector<16xi32>,
      %swap3A_1249 = vector.shape_cast %swap3A_1248 : vector<16xi32> to vector<16xi32>
      %swap3A_1250 = vector.shape_cast %add3A_1246 : vector<16xi32> to vector<16xi32>
      tpu.vector_store %arg6[%swap3A_1247], %swap3A_1250 {strides = array<i32>} : memref<2048xi32, #tpu.memory_space<vmem>>, vector<16xi32>,
      %get3A_1251 = arith.constant 1776 : index
      %get3A_1252 = tpu.vector_load %arg6[%get3A_1251] {strides = array<i32>} : memref<2048xi32, #tpu.memory_space<vmem>>, vector<16xi32>,
      %get3A_1253 = vector.shape_cast %get3A_1252 : vector<16xi32> to vector<16xi32>
      %get3A_1254 = arith.constant 1776 : index
      %get3A_1255 = tpu.vector_load %arg7[%get3A_1254] {strides = array<i32>} : memref<2048xi32, #tpu.memory_space<vmem>>, vector<16xi32>,
      %get3A_1256 = vector.shape_cast %get3A_1255 : vector<16xi32> to vector<16xi32>
      %add3A_1257 = arith.addi %get3A_1253, %get3A_1256 : vector<16xi32>
      %swap3A_1258 = arith.constant 1776 : index
      %swap3A_1259 = tpu.vector_load %arg6[%swap3A_1258] {strides = array<i32>} : memref<2048xi32, #tpu.memory_space<vmem>>, vector<16xi32>,
      %swap3A_1260 = vector.shape_cast %swap3A_1259 : vector<16xi32> to vector<16xi32>
      %swap3A_1261 = vector.shape_cast %add3A_1257 : vector<16xi32> to vector<16xi32>
      tpu.vector_store %arg6[%swap3A_1258], %swap3A_1261 {strides = array<i32>} : memref<2048xi32, #tpu.memory_space<vmem>>, vector<16xi32>,
      %get3A_1262 = arith.constant 1792 : index
      %get3A_1263 = tpu.vector_load %arg6[%get3A_1262] {strides = array<i32>} : memref<2048xi32, #tpu.memory_space<vmem>>, vector<16xi32>,
      %get3A_1264 = vector.shape_cast %get3A_1263 : vector<16xi32> to vector<16xi32>
      %get3A_1265 = arith.constant 1792 : index
      %get3A_1266 = tpu.vector_load %arg7[%get3A_1265] {strides = array<i32>} : memref<2048xi32, #tpu.memory_space<vmem>>, vector<16xi32>,
      %get3A_1267 = vector.shape_cast %get3A_1266 : vector<16xi32> to vector<16xi32>
      %add3A_1268 = arith.addi %get3A_1264, %get3A_1267 : vector<16xi32>
      %swap3A_1269 = arith.constant 1792 : index
      %swap3A_1270 = tpu.vector_load %arg6[%swap3A_1269] {strides = array<i32>} : memref<2048xi32, #tpu.memory_space<vmem>>, vector<16xi32>,
      %swap3A_1271 = vector.shape_cast %swap3A_1270 : vector<16xi32> to vector<16xi32>
      %swap3A_1272 = vector.shape_cast %add3A_1268 : vector<16xi32> to vector<16xi32>
      tpu.vector_store %arg6[%swap3A_1269], %swap3A_1272 {strides = array<i32>} : memref<2048xi32, #tpu.memory_space<vmem>>, vector<16xi32>,
      %get3A_1273 = arith.constant 1808 : index
      %get3A_1274 = tpu.vector_load %arg6[%get3A_1273] {strides = array<i32>} : memref<2048xi32, #tpu.memory_space<vmem>>, vector<16xi32>,
      %get3A_1275 = vector.shape_cast %get3A_1274 : vector<16xi32> to vector<16xi32>
      %get3A_1276 = arith.constant 1808 : index
      %get3A_1277 = tpu.vector_load %arg7[%get3A_1276] {strides = array<i32>} : memref<2048xi32, #tpu.memory_space<vmem>>, vector<16xi32>,
      %get3A_1278 = vector.shape_cast %get3A_1277 : vector<16xi32> to vector<16xi32>
      %add3A_1279 = arith.addi %get3A_1275, %get3A_1278 : vector<16xi32>
      %swap3A_1280 = arith.constant 1808 : index
      %swap3A_1281 = tpu.vector_load %arg6[%swap3A_1280] {strides = array<i32>} : memref<2048xi32, #tpu.memory_space<vmem>>, vector<16xi32>,
      %swap3A_1282 = vector.shape_cast %swap3A_1281 : vector<16xi32> to vector<16xi32>
      %swap3A_1283 = vector.shape_cast %add3A_1279 : vector<16xi32> to vector<16xi32>
      tpu.vector_store %arg6[%swap3A_1280], %swap3A_1283 {strides = array<i32>} : memref<2048xi32, #tpu.memory_space<vmem>>, vector<16xi32>,
      %get3A_1284 = arith.constant 1824 : index
      %get3A_1285 = tpu.vector_load %arg6[%get3A_1284] {strides = array<i32>} : memref<2048xi32, #tpu.memory_space<vmem>>, vector<16xi32>,
      %get3A_1286 = vector.shape_cast %get3A_1285 : vector<16xi32> to vector<16xi32>
      %get3A_1287 = arith.constant 1824 : index
      %get3A_1288 = tpu.vector_load %arg7[%get3A_1287] {strides = array<i32>} : memref<2048xi32, #tpu.memory_space<vmem>>, vector<16xi32>,
      %get3A_1289 = vector.shape_cast %get3A_1288 : vector<16xi32> to vector<16xi32>
      %add3A_1290 = arith.addi %get3A_1286, %get3A_1289 : vector<16xi32>
      %swap3A_1291 = arith.constant 1824 : index
      %swap3A_1292 = tpu.vector_load %arg6[%swap3A_1291] {strides = array<i32>} : memref<2048xi32, #tpu.memory_space<vmem>>, vector<16xi32>,
      %swap3A_1293 = vector.shape_cast %swap3A_1292 : vector<16xi32> to vector<16xi32>
      %swap3A_1294 = vector.shape_cast %add3A_1290 : vector<16xi32> to vector<16xi32>
      tpu.vector_store %arg6[%swap3A_1291], %swap3A_1294 {strides = array<i32>} : memref<2048xi32, #tpu.memory_space<vmem>>, vector<16xi32>,
      %get3A_1295 = arith.constant 1840 : index
      %get3A_1296 = tpu.vector_load %arg6[%get3A_1295] {strides = array<i32>} : memref<2048xi32, #tpu.memory_space<vmem>>, vector<16xi32>,
      %get3A_1297 = vector.shape_cast %get3A_1296 : vector<16xi32> to vector<16xi32>
      %get3A_1298 = arith.constant 1840 : index
      %get3A_1299 = tpu.vector_load %arg7[%get3A_1298] {strides = array<i32>} : memref<2048xi32, #tpu.memory_space<vmem>>, vector<16xi32>,
      %get3A_1300 = vector.shape_cast %get3A_1299 : vector<16xi32> to vector<16xi32>
      %add3A_1301 = arith.addi %get3A_1297, %get3A_1300 : vector<16xi32>
      %swap3A_1302 = arith.constant 1840 : index
      %swap3A_1303 = tpu.vector_load %arg6[%swap3A_1302] {strides = array<i32>} : memref<2048xi32, #tpu.memory_space<vmem>>, vector<16xi32>,
      %swap3A_1304 = vector.shape_cast %swap3A_1303 : vector<16xi32> to vector<16xi32>
      %swap3A_1305 = vector.shape_cast %add3A_1301 : vector<16xi32> to vector<16xi32>
      tpu.vector_store %arg6[%swap3A_1302], %swap3A_1305 {strides = array<i32>} : memref<2048xi32, #tpu.memory_space<vmem>>, vector<16xi32>,
      %get3A_1306 = arith.constant 1856 : index
      %get3A_1307 = tpu.vector_load %arg6[%get3A_1306] {strides = array<i32>} : memref<2048xi32, #tpu.memory_space<vmem>>, vector<16xi32>,
      %get3A_1308 = vector.shape_cast %get3A_1307 : vector<16xi32> to vector<16xi32>
      %get3A_1309 = arith.constant 1856 : index
      %get3A_1310 = tpu.vector_load %arg7[%get3A_1309] {strides = array<i32>} : memref<2048xi32, #tpu.memory_space<vmem>>, vector<16xi32>,
      %get3A_1311 = vector.shape_cast %get3A_1310 : vector<16xi32> to vector<16xi32>
      %add3A_1312 = arith.addi %get3A_1308, %get3A_1311 : vector<16xi32>
      %swap3A_1313 = arith.constant 1856 : index
      %swap3A_1314 = tpu.vector_load %arg6[%swap3A_1313] {strides = array<i32>} : memref<2048xi32, #tpu.memory_space<vmem>>, vector<16xi32>,
      %swap3A_1315 = vector.shape_cast %swap3A_1314 : vector<16xi32> to vector<16xi32>
      %swap3A_1316 = vector.shape_cast %add3A_1312 : vector<16xi32> to vector<16xi32>
      tpu.vector_store %arg6[%swap3A_1313], %swap3A_1316 {strides = array<i32>} : memref<2048xi32, #tpu.memory_space<vmem>>, vector<16xi32>,
      %get3A_1317 = arith.constant 1872 : index
      %get3A_1318 = tpu.vector_load %arg6[%get3A_1317] {strides = array<i32>} : memref<2048xi32, #tpu.memory_space<vmem>>, vector<16xi32>,
      %get3A_1319 = vector.shape_cast %get3A_1318 : vector<16xi32> to vector<16xi32>
      %get3A_1320 = arith.constant 1872 : index
      %get3A_1321 = tpu.vector_load %arg7[%get3A_1320] {strides = array<i32>} : memref<2048xi32, #tpu.memory_space<vmem>>, vector<16xi32>,
      %get3A_1322 = vector.shape_cast %get3A_1321 : vector<16xi32> to vector<16xi32>
      %add3A_1323 = arith.addi %get3A_1319, %get3A_1322 : vector<16xi32>
      %swap3A_1324 = arith.constant 1872 : index
      %swap3A_1325 = tpu.vector_load %arg6[%swap3A_1324] {strides = array<i32>} : memref<2048xi32, #tpu.memory_space<vmem>>, vector<16xi32>,
      %swap3A_1326 = vector.shape_cast %swap3A_1325 : vector<16xi32> to vector<16xi32>
      %swap3A_1327 = vector.shape_cast %add3A_1323 : vector<16xi32> to vector<16xi32>
      tpu.vector_store %arg6[%swap3A_1324], %swap3A_1327 {strides = array<i32>} : memref<2048xi32, #tpu.memory_space<vmem>>, vector<16xi32>,
      %get3A_1328 = arith.constant 1888 : index
      %get3A_1329 = tpu.vector_load %arg6[%get3A_1328] {strides = array<i32>} : memref<2048xi32, #tpu.memory_space<vmem>>, vector<16xi32>,
      %get3A_1330 = vector.shape_cast %get3A_1329 : vector<16xi32> to vector<16xi32>
      %get3A_1331 = arith.constant 1888 : index
      %get3A_1332 = tpu.vector_load %arg7[%get3A_1331] {strides = array<i32>} : memref<2048xi32, #tpu.memory_space<vmem>>, vector<16xi32>,
      %get3A_1333 = vector.shape_cast %get3A_1332 : vector<16xi32> to vector<16xi32>
      %add3A_1334 = arith.addi %get3A_1330, %get3A_1333 : vector<16xi32>
      %swap3A_1335 = arith.constant 1888 : index
      %swap3A_1336 = tpu.vector_load %arg6[%swap3A_1335] {strides = array<i32>} : memref<2048xi32, #tpu.memory_space<vmem>>, vector<16xi32>,
      %swap3A_1337 = vector.shape_cast %swap3A_1336 : vector<16xi32> to vector<16xi32>
      %swap3A_1338 = vector.shape_cast %add3A_1334 : vector<16xi32> to vector<16xi32>
      tpu.vector_store %arg6[%swap3A_1335], %swap3A_1338 {strides = array<i32>} : memref<2048xi32, #tpu.memory_space<vmem>>, vector<16xi32>,
      %get3A_1339 = arith.constant 1904 : index
      %get3A_1340 = tpu.vector_load %arg6[%get3A_1339] {strides = array<i32>} : memref<2048xi32, #tpu.memory_space<vmem>>, vector<16xi32>,
      %get3A_1341 = vector.shape_cast %get3A_1340 : vector<16xi32> to vector<16xi32>
      %get3A_1342 = arith.constant 1904 : index
      %get3A_1343 = tpu.vector_load %arg7[%get3A_1342] {strides = array<i32>} : memref<2048xi32, #tpu.memory_space<vmem>>, vector<16xi32>,
      %get3A_1344 = vector.shape_cast %get3A_1343 : vector<16xi32> to vector<16xi32>
      %add3A_1345 = arith.addi %get3A_1341, %get3A_1344 : vector<16xi32>
      %swap3A_1346 = arith.constant 1904 : index
      %swap3A_1347 = tpu.vector_load %arg6[%swap3A_1346] {strides = array<i32>} : memref<2048xi32, #tpu.memory_space<vmem>>, vector<16xi32>,
      %swap3A_1348 = vector.shape_cast %swap3A_1347 : vector<16xi32> to vector<16xi32>
      %swap3A_1349 = vector.shape_cast %add3A_1345 : vector<16xi32> to vector<16xi32>
      tpu.vector_store %arg6[%swap3A_1346], %swap3A_1349 {strides = array<i32>} : memref<2048xi32, #tpu.memory_space<vmem>>, vector<16xi32>,
      %get3A_1350 = arith.constant 1920 : index
      %get3A_1351 = tpu.vector_load %arg6[%get3A_1350] {strides = array<i32>} : memref<2048xi32, #tpu.memory_space<vmem>>, vector<16xi32>,
      %get3A_1352 = vector.shape_cast %get3A_1351 : vector<16xi32> to vector<16xi32>
      %get3A_1353 = arith.constant 1920 : index
      %get3A_1354 = tpu.vector_load %arg7[%get3A_1353] {strides = array<i32>} : memref<2048xi32, #tpu.memory_space<vmem>>, vector<16xi32>,
      %get3A_1355 = vector.shape_cast %get3A_1354 : vector<16xi32> to vector<16xi32>
      %add3A_1356 = arith.addi %get3A_1352, %get3A_1355 : vector<16xi32>
      %swap3A_1357 = arith.constant 1920 : index
      %swap3A_1358 = tpu.vector_load %arg6[%swap3A_1357] {strides = array<i32>} : memref<2048xi32, #tpu.memory_space<vmem>>, vector<16xi32>,
      %swap3A_1359 = vector.shape_cast %swap3A_1358 : vector<16xi32> to vector<16xi32>
      %swap3A_1360 = vector.shape_cast %add3A_1356 : vector<16xi32> to vector<16xi32>
      tpu.vector_store %arg6[%swap3A_1357], %swap3A_1360 {strides = array<i32>} : memref<2048xi32, #tpu.memory_space<vmem>>, vector<16xi32>,
      %get3A_1361 = arith.constant 1936 : index
      %get3A_1362 = tpu.vector_load %arg6[%get3A_1361] {strides = array<i32>} : memref<2048xi32, #tpu.memory_space<vmem>>, vector<16xi32>,
      %get3A_1363 = vector.shape_cast %get3A_1362 : vector<16xi32> to vector<16xi32>
      %get3A_1364 = arith.constant 1936 : index
      %get3A_1365 = tpu.vector_load %arg7[%get3A_1364] {strides = array<i32>} : memref<2048xi32, #tpu.memory_space<vmem>>, vector<16xi32>,
      %get3A_1366 = vector.shape_cast %get3A_1365 : vector<16xi32> to vector<16xi32>
      %add3A_1367 = arith.addi %get3A_1363, %get3A_1366 : vector<16xi32>
      %swap3A_1368 = arith.constant 1936 : index
      %swap3A_1369 = tpu.vector_load %arg6[%swap3A_1368] {strides = array<i32>} : memref<2048xi32, #tpu.memory_space<vmem>>, vector<16xi32>,
      %swap3A_1370 = vector.shape_cast %swap3A_1369 : vector<16xi32> to vector<16xi32>
      %swap3A_1371 = vector.shape_cast %add3A_1367 : vector<16xi32> to vector<16xi32>
      tpu.vector_store %arg6[%swap3A_1368], %swap3A_1371 {strides = array<i32>} : memref<2048xi32, #tpu.memory_space<vmem>>, vector<16xi32>,
      %get3A_1372 = arith.constant 1952 : index
      %get3A_1373 = tpu.vector_load %arg6[%get3A_1372] {strides = array<i32>} : memref<2048xi32, #tpu.memory_space<vmem>>, vector<16xi32>,
      %get3A_1374 = vector.shape_cast %get3A_1373 : vector<16xi32> to vector<16xi32>
      %get3A_1375 = arith.constant 1952 : index
      %get3A_1376 = tpu.vector_load %arg7[%get3A_1375] {strides = array<i32>} : memref<2048xi32, #tpu.memory_space<vmem>>, vector<16xi32>,
      %get3A_1377 = vector.shape_cast %get3A_1376 : vector<16xi32> to vector<16xi32>
      %add3A_1378 = arith.addi %get3A_1374, %get3A_1377 : vector<16xi32>
      %swap3A_1379 = arith.constant 1952 : index
      %swap3A_1380 = tpu.vector_load %arg6[%swap3A_1379] {strides = array<i32>} : memref<2048xi32, #tpu.memory_space<vmem>>, vector<16xi32>,
      %swap3A_1381 = vector.shape_cast %swap3A_1380 : vector<16xi32> to vector<16xi32>
      %swap3A_1382 = vector.shape_cast %add3A_1378 : vector<16xi32> to vector<16xi32>
      tpu.vector_store %arg6[%swap3A_1379], %swap3A_1382 {strides = array<i32>} : memref<2048xi32, #tpu.memory_space<vmem>>, vector<16xi32>,
      %get3A_1383 = arith.constant 1968 : index
      %get3A_1384 = tpu.vector_load %arg6[%get3A_1383] {strides = array<i32>} : memref<2048xi32, #tpu.memory_space<vmem>>, vector<16xi32>,
      %get3A_1385 = vector.shape_cast %get3A_1384 : vector<16xi32> to vector<16xi32>
      %get3A_1386 = arith.constant 1968 : index
      %get3A_1387 = tpu.vector_load %arg7[%get3A_1386] {strides = array<i32>} : memref<2048xi32, #tpu.memory_space<vmem>>, vector<16xi32>,
      %get3A_1388 = vector.shape_cast %get3A_1387 : vector<16xi32> to vector<16xi32>
      %add3A_1389 = arith.addi %get3A_1385, %get3A_1388 : vector<16xi32>
      %swap3A_1390 = arith.constant 1968 : index
      %swap3A_1391 = tpu.vector_load %arg6[%swap3A_1390] {strides = array<i32>} : memref<2048xi32, #tpu.memory_space<vmem>>, vector<16xi32>,
      %swap3A_1392 = vector.shape_cast %swap3A_1391 : vector<16xi32> to vector<16xi32>
      %swap3A_1393 = vector.shape_cast %add3A_1389 : vector<16xi32> to vector<16xi32>
      tpu.vector_store %arg6[%swap3A_1390], %swap3A_1393 {strides = array<i32>} : memref<2048xi32, #tpu.memory_space<vmem>>, vector<16xi32>,
      %get3A_1394 = arith.constant 1984 : index
      %get3A_1395 = tpu.vector_load %arg6[%get3A_1394] {strides = array<i32>} : memref<2048xi32, #tpu.memory_space<vmem>>, vector<16xi32>,
      %get3A_1396 = vector.shape_cast %get3A_1395 : vector<16xi32> to vector<16xi32>
      %get3A_1397 = arith.constant 1984 : index
      %get3A_1398 = tpu.vector_load %arg7[%get3A_1397] {strides = array<i32>} : memref<2048xi32, #tpu.memory_space<vmem>>, vector<16xi32>,
      %get3A_1399 = vector.shape_cast %get3A_1398 : vector<16xi32> to vector<16xi32>
      %add3A_1400 = arith.addi %get3A_1396, %get3A_1399 : vector<16xi32>
      %swap3A_1401 = arith.constant 1984 : index
      %swap3A_1402 = tpu.vector_load %arg6[%swap3A_1401] {strides = array<i32>} : memref<2048xi32, #tpu.memory_space<vmem>>, vector<16xi32>,
      %swap3A_1403 = vector.shape_cast %swap3A_1402 : vector<16xi32> to vector<16xi32>
      %swap3A_1404 = vector.shape_cast %add3A_1400 : vector<16xi32> to vector<16xi32>
      tpu.vector_store %arg6[%swap3A_1401], %swap3A_1404 {strides = array<i32>} : memref<2048xi32, #tpu.memory_space<vmem>>, vector<16xi32>,
      %get3A_1405 = arith.constant 2000 : index
      %get3A_1406 = tpu.vector_load %arg6[%get3A_1405] {strides = array<i32>} : memref<2048xi32, #tpu.memory_space<vmem>>, vector<16xi32>,
      %get3A_1407 = vector.shape_cast %get3A_1406 : vector<16xi32> to vector<16xi32>
      %get3A_1408 = arith.constant 2000 : index
      %get3A_1409 = tpu.vector_load %arg7[%get3A_1408] {strides = array<i32>} : memref<2048xi32, #tpu.memory_space<vmem>>, vector<16xi32>,
      %get3A_1410 = vector.shape_cast %get3A_1409 : vector<16xi32> to vector<16xi32>
      %add3A_1411 = arith.addi %get3A_1407, %get3A_1410 : vector<16xi32>
      %swap3A_1412 = arith.constant 2000 : index
      %swap3A_1413 = tpu.vector_load %arg6[%swap3A_1412] {strides = array<i32>} : memref<2048xi32, #tpu.memory_space<vmem>>, vector<16xi32>,
      %swap3A_1414 = vector.shape_cast %swap3A_1413 : vector<16xi32> to vector<16xi32>
      %swap3A_1415 = vector.shape_cast %add3A_1411 : vector<16xi32> to vector<16xi32>
      tpu.vector_store %arg6[%swap3A_1412], %swap3A_1415 {strides = array<i32>} : memref<2048xi32, #tpu.memory_space<vmem>>, vector<16xi32>,
      %get3A_1416 = arith.constant 2016 : index
      %get3A_1417 = tpu.vector_load %arg6[%get3A_1416] {strides = array<i32>} : memref<2048xi32, #tpu.memory_space<vmem>>, vector<16xi32>,
      %get3A_1418 = vector.shape_cast %get3A_1417 : vector<16xi32> to vector<16xi32>
      %get3A_1419 = arith.constant 2016 : index
      %get3A_1420 = tpu.vector_load %arg7[%get3A_1419] {strides = array<i32>} : memref<2048xi32, #tpu.memory_space<vmem>>, vector<16xi32>,
      %get3A_1421 = vector.shape_cast %get3A_1420 : vector<16xi32> to vector<16xi32>
      %add3A_1422 = arith.addi %get3A_1418, %get3A_1421 : vector<16xi32>
      %swap3A_1423 = arith.constant 2016 : index
      %swap3A_1424 = tpu.vector_load %arg6[%swap3A_1423] {strides = array<i32>} : memref<2048xi32, #tpu.memory_space<vmem>>, vector<16xi32>,
      %swap3A_1425 = vector.shape_cast %swap3A_1424 : vector<16xi32> to vector<16xi32>
      %swap3A_1426 = vector.shape_cast %add3A_1422 : vector<16xi32> to vector<16xi32>
      tpu.vector_store %arg6[%swap3A_1423], %swap3A_1426 {strides = array<i32>} : memref<2048xi32, #tpu.memory_space<vmem>>, vector<16xi32>,
      %get3A_1427 = arith.constant 2032 : index
      %get3A_1428 = tpu.vector_load %arg6[%get3A_1427] {strides = array<i32>} : memref<2048xi32, #tpu.memory_space<vmem>>, vector<16xi32>,
      %get3A_1429 = vector.shape_cast %get3A_1428 : vector<16xi32> to vector<16xi32>
      %get3A_1430 = arith.constant 2032 : index
      %get3A_1431 = tpu.vector_load %arg7[%get3A_1430] {strides = array<i32>} : memref<2048xi32, #tpu.memory_space<vmem>>, vector<16xi32>,
      %get3A_1432 = vector.shape_cast %get3A_1431 : vector<16xi32> to vector<16xi32>
      %add3A_1433 = arith.addi %get3A_1429, %get3A_1432 : vector<16xi32>
      %swap3A_1434 = arith.constant 2032 : index
      %swap3A_1435 = tpu.vector_load %arg6[%swap3A_1434] {strides = array<i32>} : memref<2048xi32, #tpu.memory_space<vmem>>, vector<16xi32>,
      %swap3A_1436 = vector.shape_cast %swap3A_1435 : vector<16xi32> to vector<16xi32>
      %swap3A_1437 = vector.shape_cast %add3A_1433 : vector<16xi32> to vector<16xi32>
      tpu.vector_store %arg6[%swap3A_1434], %swap3A_1437 {strides = array<i32>} : memref<2048xi32, #tpu.memory_space<vmem>>, vector<16xi32>,
      %dma_start3A = arith.constant 0 : i32
      %dma_start3A_1438 = arith.constant 0 : i32
      %dma_start3A_1439 = tpu.memref_slice %arg8[%dma_start3A, %dma_start3A_1438] : memref<2048x16xf32, #tpu.memory_space<vmem>> -> memref<128x16xf32, #tpu.memory_space<vmem>>
      %dma_start3A_1440 = arith.constant 0 : i32
      %dma_start3A_1441 = tpu.memref_slice %arg6[%dma_start3A_1440] : memref<2048xi32, #tpu.memory_space<vmem>> -> memref<128xi32, #tpu.memory_space<vmem>>
      %dma_start3A_1442 = arith.constant 0 : i32
      %dma_start3A_1443 = arith.constant 0 : i32
      %dma_start3A_1444 = tpu.memref_slice %arg4[%dma_start3A_1442, %dma_start3A_1443] : memref<2600000x16xf32, #tpu.memory_space<hbm>> -> memref<2600000x16xf32, #tpu.memory_space<hbm>>
      tpu.enqueue_indirect_dma source(%dma_start3A_1444 : memref<2600000x16xf32, #tpu.memory_space<hbm>>) target(%dma_start3A_1439 : memref<128x16xf32, #tpu.memory_space<vmem>>) offsets(%dma_start3A_1441 : memref<128xi32, #tpu.memory_space<vmem>>) semaphore(%arg10 : memref<!tpu.dma_semaphore, #tpu.memory_space<semaphore_mem>>)
      %dma_start3A_1445 = arith.constant 128 : i32
      %dma_start3A_1446 = arith.constant 0 : i32
      %dma_start3A_1447 = tpu.memref_slice %arg8[%dma_start3A_1445, %dma_start3A_1446] : memref<2048x16xf32, #tpu.memory_space<vmem>> -> memref<128x16xf32, #tpu.memory_space<vmem>>
      %dma_start3A_1448 = arith.constant 128 : i32
      %dma_start3A_1449 = tpu.memref_slice %arg6[%dma_start3A_1448] : memref<2048xi32, #tpu.memory_space<vmem>> -> memref<128xi32, #tpu.memory_space<vmem>>
      %dma_start3A_1450 = arith.constant 0 : i32
      %dma_start3A_1451 = arith.constant 0 : i32
      %dma_start3A_1452 = tpu.memref_slice %arg4[%dma_start3A_1450, %dma_start3A_1451] : memref<2600000x16xf32, #tpu.memory_space<hbm>> -> memref<2600000x16xf32, #tpu.memory_space<hbm>>
      tpu.enqueue_indirect_dma source(%dma_start3A_1452 : memref<2600000x16xf32, #tpu.memory_space<hbm>>) target(%dma_start3A_1447 : memref<128x16xf32, #tpu.memory_space<vmem>>) offsets(%dma_start3A_1449 : memref<128xi32, #tpu.memory_space<vmem>>) semaphore(%arg10 : memref<!tpu.dma_semaphore, #tpu.memory_space<semaphore_mem>>)
      %dma_start3A_1453 = arith.constant 256 : i32
      %dma_start3A_1454 = arith.constant 0 : i32
      %dma_start3A_1455 = tpu.memref_slice %arg8[%dma_start3A_1453, %dma_start3A_1454] : memref<2048x16xf32, #tpu.memory_space<vmem>> -> memref<128x16xf32, #tpu.memory_space<vmem>>
      %dma_start3A_1456 = arith.constant 256 : i32
      %dma_start3A_1457 = tpu.memref_slice %arg6[%dma_start3A_1456] : memref<2048xi32, #tpu.memory_space<vmem>> -> memref<128xi32, #tpu.memory_space<vmem>>
      %dma_start3A_1458 = arith.constant 0 : i32
      %dma_start3A_1459 = arith.constant 0 : i32
      %dma_start3A_1460 = tpu.memref_slice %arg4[%dma_start3A_1458, %dma_start3A_1459] : memref<2600000x16xf32, #tpu.memory_space<hbm>> -> memref<2600000x16xf32, #tpu.memory_space<hbm>>
      tpu.enqueue_indirect_dma source(%dma_start3A_1460 : memref<2600000x16xf32, #tpu.memory_space<hbm>>) target(%dma_start3A_1455 : memref<128x16xf32, #tpu.memory_space<vmem>>) offsets(%dma_start3A_1457 : memref<128xi32, #tpu.memory_space<vmem>>) semaphore(%arg10 : memref<!tpu.dma_semaphore, #tpu.memory_space<semaphore_mem>>)
      %dma_start3A_1461 = arith.constant 384 : i32
      %dma_start3A_1462 = arith.constant 0 : i32
      %dma_start3A_1463 = tpu.memref_slice %arg8[%dma_start3A_1461, %dma_start3A_1462] : memref<2048x16xf32, #tpu.memory_space<vmem>> -> memref<128x16xf32, #tpu.memory_space<vmem>>
      %dma_start3A_1464 = arith.constant 384 : i32
      %dma_start3A_1465 = tpu.memref_slice %arg6[%dma_start3A_1464] : memref<2048xi32, #tpu.memory_space<vmem>> -> memref<128xi32, #tpu.memory_space<vmem>>
      %dma_start3A_1466 = arith.constant 0 : i32
      %dma_start3A_1467 = arith.constant 0 : i32
      %dma_start3A_1468 = tpu.memref_slice %arg4[%dma_start3A_1466, %dma_start3A_1467] : memref<2600000x16xf32, #tpu.memory_space<hbm>> -> memref<2600000x16xf32, #tpu.memory_space<hbm>>
      tpu.enqueue_indirect_dma source(%dma_start3A_1468 : memref<2600000x16xf32, #tpu.memory_space<hbm>>) target(%dma_start3A_1463 : memref<128x16xf32, #tpu.memory_space<vmem>>) offsets(%dma_start3A_1465 : memref<128xi32, #tpu.memory_space<vmem>>) semaphore(%arg10 : memref<!tpu.dma_semaphore, #tpu.memory_space<semaphore_mem>>)
      %dma_start3A_1469 = arith.constant 512 : i32
      %dma_start3A_1470 = arith.constant 0 : i32
      %dma_start3A_1471 = tpu.memref_slice %arg8[%dma_start3A_1469, %dma_start3A_1470] : memref<2048x16xf32, #tpu.memory_space<vmem>> -> memref<128x16xf32, #tpu.memory_space<vmem>>
      %dma_start3A_1472 = arith.constant 512 : i32
      %dma_start3A_1473 = tpu.memref_slice %arg6[%dma_start3A_1472] : memref<2048xi32, #tpu.memory_space<vmem>> -> memref<128xi32, #tpu.memory_space<vmem>>
      %dma_start3A_1474 = arith.constant 0 : i32
      %dma_start3A_1475 = arith.constant 0 : i32
      %dma_start3A_1476 = tpu.memref_slice %arg4[%dma_start3A_1474, %dma_start3A_1475] : memref<2600000x16xf32, #tpu.memory_space<hbm>> -> memref<2600000x16xf32, #tpu.memory_space<hbm>>
      tpu.enqueue_indirect_dma source(%dma_start3A_1476 : memref<2600000x16xf32, #tpu.memory_space<hbm>>) target(%dma_start3A_1471 : memref<128x16xf32, #tpu.memory_space<vmem>>) offsets(%dma_start3A_1473 : memref<128xi32, #tpu.memory_space<vmem>>) semaphore(%arg10 : memref<!tpu.dma_semaphore, #tpu.memory_space<semaphore_mem>>)
      %dma_start3A_1477 = arith.constant 640 : i32
      %dma_start3A_1478 = arith.constant 0 : i32
      %dma_start3A_1479 = tpu.memref_slice %arg8[%dma_start3A_1477, %dma_start3A_1478] : memref<2048x16xf32, #tpu.memory_space<vmem>> -> memref<128x16xf32, #tpu.memory_space<vmem>>
      %dma_start3A_1480 = arith.constant 640 : i32
      %dma_start3A_1481 = tpu.memref_slice %arg6[%dma_start3A_1480] : memref<2048xi32, #tpu.memory_space<vmem>> -> memref<128xi32, #tpu.memory_space<vmem>>
      %dma_start3A_1482 = arith.constant 0 : i32
      %dma_start3A_1483 = arith.constant 0 : i32
      %dma_start3A_1484 = tpu.memref_slice %arg4[%dma_start3A_1482, %dma_start3A_1483] : memref<2600000x16xf32, #tpu.memory_space<hbm>> -> memref<2600000x16xf32, #tpu.memory_space<hbm>>
      tpu.enqueue_indirect_dma source(%dma_start3A_1484 : memref<2600000x16xf32, #tpu.memory_space<hbm>>) target(%dma_start3A_1479 : memref<128x16xf32, #tpu.memory_space<vmem>>) offsets(%dma_start3A_1481 : memref<128xi32, #tpu.memory_space<vmem>>) semaphore(%arg10 : memref<!tpu.dma_semaphore, #tpu.memory_space<semaphore_mem>>)
      %dma_start3A_1485 = arith.constant 768 : i32
      %dma_start3A_1486 = arith.constant 0 : i32
      %dma_start3A_1487 = tpu.memref_slice %arg8[%dma_start3A_1485, %dma_start3A_1486] : memref<2048x16xf32, #tpu.memory_space<vmem>> -> memref<128x16xf32, #tpu.memory_space<vmem>>
      %dma_start3A_1488 = arith.constant 768 : i32
      %dma_start3A_1489 = tpu.memref_slice %arg6[%dma_start3A_1488] : memref<2048xi32, #tpu.memory_space<vmem>> -> memref<128xi32, #tpu.memory_space<vmem>>
      %dma_start3A_1490 = arith.constant 0 : i32
      %dma_start3A_1491 = arith.constant 0 : i32
      %dma_start3A_1492 = tpu.memref_slice %arg4[%dma_start3A_1490, %dma_start3A_1491] : memref<2600000x16xf32, #tpu.memory_space<hbm>> -> memref<2600000x16xf32, #tpu.memory_space<hbm>>
      tpu.enqueue_indirect_dma source(%dma_start3A_1492 : memref<2600000x16xf32, #tpu.memory_space<hbm>>) target(%dma_start3A_1487 : memref<128x16xf32, #tpu.memory_space<vmem>>) offsets(%dma_start3A_1489 : memref<128xi32, #tpu.memory_space<vmem>>) semaphore(%arg10 : memref<!tpu.dma_semaphore, #tpu.memory_space<semaphore_mem>>)
      %dma_start3A_1493 = arith.constant 896 : i32
      %dma_start3A_1494 = arith.constant 0 : i32
      %dma_start3A_1495 = tpu.memref_slice %arg8[%dma_start3A_1493, %dma_start3A_1494] : memref<2048x16xf32, #tpu.memory_space<vmem>> -> memref<128x16xf32, #tpu.memory_space<vmem>>
      %dma_start3A_1496 = arith.constant 896 : i32
      %dma_start3A_1497 = tpu.memref_slice %arg6[%dma_start3A_1496] : memref<2048xi32, #tpu.memory_space<vmem>> -> memref<128xi32, #tpu.memory_space<vmem>>
      %dma_start3A_1498 = arith.constant 0 : i32
      %dma_start3A_1499 = arith.constant 0 : i32
      %dma_start3A_1500 = tpu.memref_slice %arg4[%dma_start3A_1498, %dma_start3A_1499] : memref<2600000x16xf32, #tpu.memory_space<hbm>> -> memref<2600000x16xf32, #tpu.memory_space<hbm>>
      tpu.enqueue_indirect_dma source(%dma_start3A_1500 : memref<2600000x16xf32, #tpu.memory_space<hbm>>) target(%dma_start3A_1495 : memref<128x16xf32, #tpu.memory_space<vmem>>) offsets(%dma_start3A_1497 : memref<128xi32, #tpu.memory_space<vmem>>) semaphore(%arg10 : memref<!tpu.dma_semaphore, #tpu.memory_space<semaphore_mem>>)
      %dma_start3A_1501 = arith.constant 1024 : i32
      %dma_start3A_1502 = arith.constant 0 : i32
      %dma_start3A_1503 = tpu.memref_slice %arg8[%dma_start3A_1501, %dma_start3A_1502] : memref<2048x16xf32, #tpu.memory_space<vmem>> -> memref<128x16xf32, #tpu.memory_space<vmem>>
      %dma_start3A_1504 = arith.constant 1024 : i32
      %dma_start3A_1505 = tpu.memref_slice %arg6[%dma_start3A_1504] : memref<2048xi32, #tpu.memory_space<vmem>> -> memref<128xi32, #tpu.memory_space<vmem>>
      %dma_start3A_1506 = arith.constant 0 : i32
      %dma_start3A_1507 = arith.constant 0 : i32
      %dma_start3A_1508 = tpu.memref_slice %arg4[%dma_start3A_1506, %dma_start3A_1507] : memref<2600000x16xf32, #tpu.memory_space<hbm>> -> memref<2600000x16xf32, #tpu.memory_space<hbm>>
      tpu.enqueue_indirect_dma source(%dma_start3A_1508 : memref<2600000x16xf32, #tpu.memory_space<hbm>>) target(%dma_start3A_1503 : memref<128x16xf32, #tpu.memory_space<vmem>>) offsets(%dma_start3A_1505 : memref<128xi32, #tpu.memory_space<vmem>>) semaphore(%arg10 : memref<!tpu.dma_semaphore, #tpu.memory_space<semaphore_mem>>)
      %dma_start3A_1509 = arith.constant 1152 : i32
      %dma_start3A_1510 = arith.constant 0 : i32
      %dma_start3A_1511 = tpu.memref_slice %arg8[%dma_start3A_1509, %dma_start3A_1510] : memref<2048x16xf32, #tpu.memory_space<vmem>> -> memref<128x16xf32, #tpu.memory_space<vmem>>
      %dma_start3A_1512 = arith.constant 1152 : i32
      %dma_start3A_1513 = tpu.memref_slice %arg6[%dma_start3A_1512] : memref<2048xi32, #tpu.memory_space<vmem>> -> memref<128xi32, #tpu.memory_space<vmem>>
      %dma_start3A_1514 = arith.constant 0 : i32
      %dma_start3A_1515 = arith.constant 0 : i32
      %dma_start3A_1516 = tpu.memref_slice %arg4[%dma_start3A_1514, %dma_start3A_1515] : memref<2600000x16xf32, #tpu.memory_space<hbm>> -> memref<2600000x16xf32, #tpu.memory_space<hbm>>
      tpu.enqueue_indirect_dma source(%dma_start3A_1516 : memref<2600000x16xf32, #tpu.memory_space<hbm>>) target(%dma_start3A_1511 : memref<128x16xf32, #tpu.memory_space<vmem>>) offsets(%dma_start3A_1513 : memref<128xi32, #tpu.memory_space<vmem>>) semaphore(%arg10 : memref<!tpu.dma_semaphore, #tpu.memory_space<semaphore_mem>>)
      %dma_start3A_1517 = arith.constant 1280 : i32
      %dma_start3A_1518 = arith.constant 0 : i32
      %dma_start3A_1519 = tpu.memref_slice %arg8[%dma_start3A_1517, %dma_start3A_1518] : memref<2048x16xf32, #tpu.memory_space<vmem>> -> memref<128x16xf32, #tpu.memory_space<vmem>>
      %dma_start3A_1520 = arith.constant 1280 : i32
      %dma_start3A_1521 = tpu.memref_slice %arg6[%dma_start3A_1520] : memref<2048xi32, #tpu.memory_space<vmem>> -> memref<128xi32, #tpu.memory_space<vmem>>
      %dma_start3A_1522 = arith.constant 0 : i32
      %dma_start3A_1523 = arith.constant 0 : i32
      %dma_start3A_1524 = tpu.memref_slice %arg4[%dma_start3A_1522, %dma_start3A_1523] : memref<2600000x16xf32, #tpu.memory_space<hbm>> -> memref<2600000x16xf32, #tpu.memory_space<hbm>>
      tpu.enqueue_indirect_dma source(%dma_start3A_1524 : memref<2600000x16xf32, #tpu.memory_space<hbm>>) target(%dma_start3A_1519 : memref<128x16xf32, #tpu.memory_space<vmem>>) offsets(%dma_start3A_1521 : memref<128xi32, #tpu.memory_space<vmem>>) semaphore(%arg10 : memref<!tpu.dma_semaphore, #tpu.memory_space<semaphore_mem>>)
      %dma_start3A_1525 = arith.constant 1408 : i32
      %dma_start3A_1526 = arith.constant 0 : i32
      %dma_start3A_1527 = tpu.memref_slice %arg8[%dma_start3A_1525, %dma_start3A_1526] : memref<2048x16xf32, #tpu.memory_space<vmem>> -> memref<128x16xf32, #tpu.memory_space<vmem>>
      %dma_start3A_1528 = arith.constant 1408 : i32
      %dma_start3A_1529 = tpu.memref_slice %arg6[%dma_start3A_1528] : memref<2048xi32, #tpu.memory_space<vmem>> -> memref<128xi32, #tpu.memory_space<vmem>>
      %dma_start3A_1530 = arith.constant 0 : i32
      %dma_start3A_1531 = arith.constant 0 : i32
      %dma_start3A_1532 = tpu.memref_slice %arg4[%dma_start3A_1530, %dma_start3A_1531] : memref<2600000x16xf32, #tpu.memory_space<hbm>> -> memref<2600000x16xf32, #tpu.memory_space<hbm>>
      tpu.enqueue_indirect_dma source(%dma_start3A_1532 : memref<2600000x16xf32, #tpu.memory_space<hbm>>) target(%dma_start3A_1527 : memref<128x16xf32, #tpu.memory_space<vmem>>) offsets(%dma_start3A_1529 : memref<128xi32, #tpu.memory_space<vmem>>) semaphore(%arg10 : memref<!tpu.dma_semaphore, #tpu.memory_space<semaphore_mem>>)
      %dma_start3A_1533 = arith.constant 1536 : i32
      %dma_start3A_1534 = arith.constant 0 : i32
      %dma_start3A_1535 = tpu.memref_slice %arg8[%dma_start3A_1533, %dma_start3A_1534] : memref<2048x16xf32, #tpu.memory_space<vmem>> -> memref<128x16xf32, #tpu.memory_space<vmem>>
      %dma_start3A_1536 = arith.constant 1536 : i32
      %dma_start3A_1537 = tpu.memref_slice %arg6[%dma_start3A_1536] : memref<2048xi32, #tpu.memory_space<vmem>> -> memref<128xi32, #tpu.memory_space<vmem>>
      %dma_start3A_1538 = arith.constant 0 : i32
      %dma_start3A_1539 = arith.constant 0 : i32
      %dma_start3A_1540 = tpu.memref_slice %arg4[%dma_start3A_1538, %dma_start3A_1539] : memref<2600000x16xf32, #tpu.memory_space<hbm>> -> memref<2600000x16xf32, #tpu.memory_space<hbm>>
      tpu.enqueue_indirect_dma source(%dma_start3A_1540 : memref<2600000x16xf32, #tpu.memory_space<hbm>>) target(%dma_start3A_1535 : memref<128x16xf32, #tpu.memory_space<vmem>>) offsets(%dma_start3A_1537 : memref<128xi32, #tpu.memory_space<vmem>>) semaphore(%arg10 : memref<!tpu.dma_semaphore, #tpu.memory_space<semaphore_mem>>)
      %dma_start3A_1541 = arith.constant 1664 : i32
      %dma_start3A_1542 = arith.constant 0 : i32
      %dma_start3A_1543 = tpu.memref_slice %arg8[%dma_start3A_1541, %dma_start3A_1542] : memref<2048x16xf32, #tpu.memory_space<vmem>> -> memref<128x16xf32, #tpu.memory_space<vmem>>
      %dma_start3A_1544 = arith.constant 1664 : i32
      %dma_start3A_1545 = tpu.memref_slice %arg6[%dma_start3A_1544] : memref<2048xi32, #tpu.memory_space<vmem>> -> memref<128xi32, #tpu.memory_space<vmem>>
      %dma_start3A_1546 = arith.constant 0 : i32
      %dma_start3A_1547 = arith.constant 0 : i32
      %dma_start3A_1548 = tpu.memref_slice %arg4[%dma_start3A_1546, %dma_start3A_1547] : memref<2600000x16xf32, #tpu.memory_space<hbm>> -> memref<2600000x16xf32, #tpu.memory_space<hbm>>
      tpu.enqueue_indirect_dma source(%dma_start3A_1548 : memref<2600000x16xf32, #tpu.memory_space<hbm>>) target(%dma_start3A_1543 : memref<128x16xf32, #tpu.memory_space<vmem>>) offsets(%dma_start3A_1545 : memref<128xi32, #tpu.memory_space<vmem>>) semaphore(%arg10 : memref<!tpu.dma_semaphore, #tpu.memory_space<semaphore_mem>>)
      %dma_start3A_1549 = arith.constant 1792 : i32
      %dma_start3A_1550 = arith.constant 0 : i32
      %dma_start3A_1551 = tpu.memref_slice %arg8[%dma_start3A_1549, %dma_start3A_1550] : memref<2048x16xf32, #tpu.memory_space<vmem>> -> memref<128x16xf32, #tpu.memory_space<vmem>>
      %dma_start3A_1552 = arith.constant 1792 : i32
      %dma_start3A_1553 = tpu.memref_slice %arg6[%dma_start3A_1552] : memref<2048xi32, #tpu.memory_space<vmem>> -> memref<128xi32, #tpu.memory_space<vmem>>
      %dma_start3A_1554 = arith.constant 0 : i32
      %dma_start3A_1555 = arith.constant 0 : i32
      %dma_start3A_1556 = tpu.memref_slice %arg4[%dma_start3A_1554, %dma_start3A_1555] : memref<2600000x16xf32, #tpu.memory_space<hbm>> -> memref<2600000x16xf32, #tpu.memory_space<hbm>>
      tpu.enqueue_indirect_dma source(%dma_start3A_1556 : memref<2600000x16xf32, #tpu.memory_space<hbm>>) target(%dma_start3A_1551 : memref<128x16xf32, #tpu.memory_space<vmem>>) offsets(%dma_start3A_1553 : memref<128xi32, #tpu.memory_space<vmem>>) semaphore(%arg10 : memref<!tpu.dma_semaphore, #tpu.memory_space<semaphore_mem>>)
      %dma_start3A_1557 = arith.constant 1920 : i32
      %dma_start3A_1558 = arith.constant 0 : i32
      %dma_start3A_1559 = tpu.memref_slice %arg8[%dma_start3A_1557, %dma_start3A_1558] : memref<2048x16xf32, #tpu.memory_space<vmem>> -> memref<128x16xf32, #tpu.memory_space<vmem>>
      %dma_start3A_1560 = arith.constant 1920 : i32
      %dma_start3A_1561 = tpu.memref_slice %arg6[%dma_start3A_1560] : memref<2048xi32, #tpu.memory_space<vmem>> -> memref<128xi32, #tpu.memory_space<vmem>>
      %dma_start3A_1562 = arith.constant 0 : i32
      %dma_start3A_1563 = arith.constant 0 : i32
      %dma_start3A_1564 = tpu.memref_slice %arg4[%dma_start3A_1562, %dma_start3A_1563] : memref<2600000x16xf32, #tpu.memory_space<hbm>> -> memref<2600000x16xf32, #tpu.memory_space<hbm>>
      tpu.enqueue_indirect_dma source(%dma_start3A_1564 : memref<2600000x16xf32, #tpu.memory_space<hbm>>) target(%dma_start3A_1559 : memref<128x16xf32, #tpu.memory_space<vmem>>) offsets(%dma_start3A_1561 : memref<128xi32, #tpu.memory_space<vmem>>) semaphore(%arg10 : memref<!tpu.dma_semaphore, #tpu.memory_space<semaphore_mem>>)
      %dma_wait3A = arith.constant 0 : i32
      %dma_wait3A_1565 = arith.constant 0 : i32
      %dma_wait3A_1566 = tpu.memref_slice %arg8[%dma_wait3A, %dma_wait3A_1565] : memref<2048x16xf32, #tpu.memory_space<vmem>> -> memref<128x16xf32, #tpu.memory_space<vmem>>
      %dma_wait3A_1567 = arith.constant 0 : i32
      %dma_wait3A_1568 = tpu.memref_slice %arg6[%dma_wait3A_1567] : memref<2048xi32, #tpu.memory_space<vmem>> -> memref<128xi32, #tpu.memory_space<vmem>>
      %dma_wait3A_1569 = arith.constant 0 : i32
      %dma_wait3A_1570 = arith.constant 0 : i32
      %dma_wait3A_1571 = tpu.memref_slice %arg4[%dma_wait3A_1569, %dma_wait3A_1570] : memref<2600000x16xf32, #tpu.memory_space<hbm>> -> memref<2600000x16xf32, #tpu.memory_space<hbm>>
      tpu.wait_indirect_dma semaphore(%arg10 : memref<!tpu.dma_semaphore, #tpu.memory_space<semaphore_mem>>) src(%dma_wait3A_1571 : memref<2600000x16xf32, #tpu.memory_space<hbm>>) dst(%dma_wait3A_1566 : memref<128x16xf32, #tpu.memory_space<vmem>>)
      %dma_wait3A_1572 = arith.constant 128 : i32
      %dma_wait3A_1573 = arith.constant 0 : i32
      %dma_wait3A_1574 = tpu.memref_slice %arg8[%dma_wait3A_1572, %dma_wait3A_1573] : memref<2048x16xf32, #tpu.memory_space<vmem>> -> memref<128x16xf32, #tpu.memory_space<vmem>>
      %dma_wait3A_1575 = arith.constant 128 : i32
      %dma_wait3A_1576 = tpu.memref_slice %arg6[%dma_wait3A_1575] : memref<2048xi32, #tpu.memory_space<vmem>> -> memref<128xi32, #tpu.memory_space<vmem>>
      %dma_wait3A_1577 = arith.constant 0 : i32
      %dma_wait3A_1578 = arith.constant 0 : i32
      %dma_wait3A_1579 = tpu.memref_slice %arg4[%dma_wait3A_1577, %dma_wait3A_1578] : memref<2600000x16xf32, #tpu.memory_space<hbm>> -> memref<2600000x16xf32, #tpu.memory_space<hbm>>
      tpu.wait_indirect_dma semaphore(%arg10 : memref<!tpu.dma_semaphore, #tpu.memory_space<semaphore_mem>>) src(%dma_wait3A_1579 : memref<2600000x16xf32, #tpu.memory_space<hbm>>) dst(%dma_wait3A_1574 : memref<128x16xf32, #tpu.memory_space<vmem>>)
      %dma_wait3A_1580 = arith.constant 256 : i32
      %dma_wait3A_1581 = arith.constant 0 : i32
      %dma_wait3A_1582 = tpu.memref_slice %arg8[%dma_wait3A_1580, %dma_wait3A_1581] : memref<2048x16xf32, #tpu.memory_space<vmem>> -> memref<128x16xf32, #tpu.memory_space<vmem>>
      %dma_wait3A_1583 = arith.constant 256 : i32
      %dma_wait3A_1584 = tpu.memref_slice %arg6[%dma_wait3A_1583] : memref<2048xi32, #tpu.memory_space<vmem>> -> memref<128xi32, #tpu.memory_space<vmem>>
      %dma_wait3A_1585 = arith.constant 0 : i32
      %dma_wait3A_1586 = arith.constant 0 : i32
      %dma_wait3A_1587 = tpu.memref_slice %arg4[%dma_wait3A_1585, %dma_wait3A_1586] : memref<2600000x16xf32, #tpu.memory_space<hbm>> -> memref<2600000x16xf32, #tpu.memory_space<hbm>>
      tpu.wait_indirect_dma semaphore(%arg10 : memref<!tpu.dma_semaphore, #tpu.memory_space<semaphore_mem>>) src(%dma_wait3A_1587 : memref<2600000x16xf32, #tpu.memory_space<hbm>>) dst(%dma_wait3A_1582 : memref<128x16xf32, #tpu.memory_space<vmem>>)
      %dma_wait3A_1588 = arith.constant 384 : i32
      %dma_wait3A_1589 = arith.constant 0 : i32
      %dma_wait3A_1590 = tpu.memref_slice %arg8[%dma_wait3A_1588, %dma_wait3A_1589] : memref<2048x16xf32, #tpu.memory_space<vmem>> -> memref<128x16xf32, #tpu.memory_space<vmem>>
      %dma_wait3A_1591 = arith.constant 384 : i32
      %dma_wait3A_1592 = tpu.memref_slice %arg6[%dma_wait3A_1591] : memref<2048xi32, #tpu.memory_space<vmem>> -> memref<128xi32, #tpu.memory_space<vmem>>
      %dma_wait3A_1593 = arith.constant 0 : i32
      %dma_wait3A_1594 = arith.constant 0 : i32
      %dma_wait3A_1595 = tpu.memref_slice %arg4[%dma_wait3A_1593, %dma_wait3A_1594] : memref<2600000x16xf32, #tpu.memory_space<hbm>> -> memref<2600000x16xf32, #tpu.memory_space<hbm>>
      tpu.wait_indirect_dma semaphore(%arg10 : memref<!tpu.dma_semaphore, #tpu.memory_space<semaphore_mem>>) src(%dma_wait3A_1595 : memref<2600000x16xf32, #tpu.memory_space<hbm>>) dst(%dma_wait3A_1590 : memref<128x16xf32, #tpu.memory_space<vmem>>)
      %dma_wait3A_1596 = arith.constant 512 : i32
      %dma_wait3A_1597 = arith.constant 0 : i32
      %dma_wait3A_1598 = tpu.memref_slice %arg8[%dma_wait3A_1596, %dma_wait3A_1597] : memref<2048x16xf32, #tpu.memory_space<vmem>> -> memref<128x16xf32, #tpu.memory_space<vmem>>
      %dma_wait3A_1599 = arith.constant 512 : i32
      %dma_wait3A_1600 = tpu.memref_slice %arg6[%dma_wait3A_1599] : memref<2048xi32, #tpu.memory_space<vmem>> -> memref<128xi32, #tpu.memory_space<vmem>>
      %dma_wait3A_1601 = arith.constant 0 : i32
      %dma_wait3A_1602 = arith.constant 0 : i32
      %dma_wait3A_1603 = tpu.memref_slice %arg4[%dma_wait3A_1601, %dma_wait3A_1602] : memref<2600000x16xf32, #tpu.memory_space<hbm>> -> memref<2600000x16xf32, #tpu.memory_space<hbm>>
      tpu.wait_indirect_dma semaphore(%arg10 : memref<!tpu.dma_semaphore, #tpu.memory_space<semaphore_mem>>) src(%dma_wait3A_1603 : memref<2600000x16xf32, #tpu.memory_space<hbm>>) dst(%dma_wait3A_1598 : memref<128x16xf32, #tpu.memory_space<vmem>>)
      %dma_wait3A_1604 = arith.constant 640 : i32
      %dma_wait3A_1605 = arith.constant 0 : i32
      %dma_wait3A_1606 = tpu.memref_slice %arg8[%dma_wait3A_1604, %dma_wait3A_1605] : memref<2048x16xf32, #tpu.memory_space<vmem>> -> memref<128x16xf32, #tpu.memory_space<vmem>>
      %dma_wait3A_1607 = arith.constant 640 : i32
      %dma_wait3A_1608 = tpu.memref_slice %arg6[%dma_wait3A_1607] : memref<2048xi32, #tpu.memory_space<vmem>> -> memref<128xi32, #tpu.memory_space<vmem>>
      %dma_wait3A_1609 = arith.constant 0 : i32
      %dma_wait3A_1610 = arith.constant 0 : i32
      %dma_wait3A_1611 = tpu.memref_slice %arg4[%dma_wait3A_1609, %dma_wait3A_1610] : memref<2600000x16xf32, #tpu.memory_space<hbm>> -> memref<2600000x16xf32, #tpu.memory_space<hbm>>
      tpu.wait_indirect_dma semaphore(%arg10 : memref<!tpu.dma_semaphore, #tpu.memory_space<semaphore_mem>>) src(%dma_wait3A_1611 : memref<2600000x16xf32, #tpu.memory_space<hbm>>) dst(%dma_wait3A_1606 : memref<128x16xf32, #tpu.memory_space<vmem>>)
      %dma_wait3A_1612 = arith.constant 768 : i32
      %dma_wait3A_1613 = arith.constant 0 : i32
      %dma_wait3A_1614 = tpu.memref_slice %arg8[%dma_wait3A_1612, %dma_wait3A_1613] : memref<2048x16xf32, #tpu.memory_space<vmem>> -> memref<128x16xf32, #tpu.memory_space<vmem>>
      %dma_wait3A_1615 = arith.constant 768 : i32
      %dma_wait3A_1616 = tpu.memref_slice %arg6[%dma_wait3A_1615] : memref<2048xi32, #tpu.memory_space<vmem>> -> memref<128xi32, #tpu.memory_space<vmem>>
      %dma_wait3A_1617 = arith.constant 0 : i32
      %dma_wait3A_1618 = arith.constant 0 : i32
      %dma_wait3A_1619 = tpu.memref_slice %arg4[%dma_wait3A_1617, %dma_wait3A_1618] : memref<2600000x16xf32, #tpu.memory_space<hbm>> -> memref<2600000x16xf32, #tpu.memory_space<hbm>>
      tpu.wait_indirect_dma semaphore(%arg10 : memref<!tpu.dma_semaphore, #tpu.memory_space<semaphore_mem>>) src(%dma_wait3A_1619 : memref<2600000x16xf32, #tpu.memory_space<hbm>>) dst(%dma_wait3A_1614 : memref<128x16xf32, #tpu.memory_space<vmem>>)
      %dma_wait3A_1620 = arith.constant 896 : i32
      %dma_wait3A_1621 = arith.constant 0 : i32
      %dma_wait3A_1622 = tpu.memref_slice %arg8[%dma_wait3A_1620, %dma_wait3A_1621] : memref<2048x16xf32, #tpu.memory_space<vmem>> -> memref<128x16xf32, #tpu.memory_space<vmem>>
      %dma_wait3A_1623 = arith.constant 896 : i32
      %dma_wait3A_1624 = tpu.memref_slice %arg6[%dma_wait3A_1623] : memref<2048xi32, #tpu.memory_space<vmem>> -> memref<128xi32, #tpu.memory_space<vmem>>
      %dma_wait3A_1625 = arith.constant 0 : i32
      %dma_wait3A_1626 = arith.constant 0 : i32
      %dma_wait3A_1627 = tpu.memref_slice %arg4[%dma_wait3A_1625, %dma_wait3A_1626] : memref<2600000x16xf32, #tpu.memory_space<hbm>> -> memref<2600000x16xf32, #tpu.memory_space<hbm>>
      tpu.wait_indirect_dma semaphore(%arg10 : memref<!tpu.dma_semaphore, #tpu.memory_space<semaphore_mem>>) src(%dma_wait3A_1627 : memref<2600000x16xf32, #tpu.memory_space<hbm>>) dst(%dma_wait3A_1622 : memref<128x16xf32, #tpu.memory_space<vmem>>)
      %dma_wait3A_1628 = arith.constant 1024 : i32
      %dma_wait3A_1629 = arith.constant 0 : i32
      %dma_wait3A_1630 = tpu.memref_slice %arg8[%dma_wait3A_1628, %dma_wait3A_1629] : memref<2048x16xf32, #tpu.memory_space<vmem>> -> memref<128x16xf32, #tpu.memory_space<vmem>>
      %dma_wait3A_1631 = arith.constant 1024 : i32
      %dma_wait3A_1632 = tpu.memref_slice %arg6[%dma_wait3A_1631] : memref<2048xi32, #tpu.memory_space<vmem>> -> memref<128xi32, #tpu.memory_space<vmem>>
      %dma_wait3A_1633 = arith.constant 0 : i32
      %dma_wait3A_1634 = arith.constant 0 : i32
      %dma_wait3A_1635 = tpu.memref_slice %arg4[%dma_wait3A_1633, %dma_wait3A_1634] : memref<2600000x16xf32, #tpu.memory_space<hbm>> -> memref<2600000x16xf32, #tpu.memory_space<hbm>>
      tpu.wait_indirect_dma semaphore(%arg10 : memref<!tpu.dma_semaphore, #tpu.memory_space<semaphore_mem>>) src(%dma_wait3A_1635 : memref<2600000x16xf32, #tpu.memory_space<hbm>>) dst(%dma_wait3A_1630 : memref<128x16xf32, #tpu.memory_space<vmem>>)
      %dma_wait3A_1636 = arith.constant 1152 : i32
      %dma_wait3A_1637 = arith.constant 0 : i32
      %dma_wait3A_1638 = tpu.memref_slice %arg8[%dma_wait3A_1636, %dma_wait3A_1637] : memref<2048x16xf32, #tpu.memory_space<vmem>> -> memref<128x16xf32, #tpu.memory_space<vmem>>
      %dma_wait3A_1639 = arith.constant 1152 : i32
      %dma_wait3A_1640 = tpu.memref_slice %arg6[%dma_wait3A_1639] : memref<2048xi32, #tpu.memory_space<vmem>> -> memref<128xi32, #tpu.memory_space<vmem>>
      %dma_wait3A_1641 = arith.constant 0 : i32
      %dma_wait3A_1642 = arith.constant 0 : i32
      %dma_wait3A_1643 = tpu.memref_slice %arg4[%dma_wait3A_1641, %dma_wait3A_1642] : memref<2600000x16xf32, #tpu.memory_space<hbm>> -> memref<2600000x16xf32, #tpu.memory_space<hbm>>
      tpu.wait_indirect_dma semaphore(%arg10 : memref<!tpu.dma_semaphore, #tpu.memory_space<semaphore_mem>>) src(%dma_wait3A_1643 : memref<2600000x16xf32, #tpu.memory_space<hbm>>) dst(%dma_wait3A_1638 : memref<128x16xf32, #tpu.memory_space<vmem>>)
      %dma_wait3A_1644 = arith.constant 1280 : i32
      %dma_wait3A_1645 = arith.constant 0 : i32
      %dma_wait3A_1646 = tpu.memref_slice %arg8[%dma_wait3A_1644, %dma_wait3A_1645] : memref<2048x16xf32, #tpu.memory_space<vmem>> -> memref<128x16xf32, #tpu.memory_space<vmem>>
      %dma_wait3A_1647 = arith.constant 1280 : i32
      %dma_wait3A_1648 = tpu.memref_slice %arg6[%dma_wait3A_1647] : memref<2048xi32, #tpu.memory_space<vmem>> -> memref<128xi32, #tpu.memory_space<vmem>>
      %dma_wait3A_1649 = arith.constant 0 : i32
      %dma_wait3A_1650 = arith.constant 0 : i32
      %dma_wait3A_1651 = tpu.memref_slice %arg4[%dma_wait3A_1649, %dma_wait3A_1650] : memref<2600000x16xf32, #tpu.memory_space<hbm>> -> memref<2600000x16xf32, #tpu.memory_space<hbm>>
      tpu.wait_indirect_dma semaphore(%arg10 : memref<!tpu.dma_semaphore, #tpu.memory_space<semaphore_mem>>) src(%dma_wait3A_1651 : memref<2600000x16xf32, #tpu.memory_space<hbm>>) dst(%dma_wait3A_1646 : memref<128x16xf32, #tpu.memory_space<vmem>>)
      %dma_wait3A_1652 = arith.constant 1408 : i32
      %dma_wait3A_1653 = arith.constant 0 : i32
      %dma_wait3A_1654 = tpu.memref_slice %arg8[%dma_wait3A_1652, %dma_wait3A_1653] : memref<2048x16xf32, #tpu.memory_space<vmem>> -> memref<128x16xf32, #tpu.memory_space<vmem>>
      %dma_wait3A_1655 = arith.constant 1408 : i32
      %dma_wait3A_1656 = tpu.memref_slice %arg6[%dma_wait3A_1655] : memref<2048xi32, #tpu.memory_space<vmem>> -> memref<128xi32, #tpu.memory_space<vmem>>
      %dma_wait3A_1657 = arith.constant 0 : i32
      %dma_wait3A_1658 = arith.constant 0 : i32
      %dma_wait3A_1659 = tpu.memref_slice %arg4[%dma_wait3A_1657, %dma_wait3A_1658] : memref<2600000x16xf32, #tpu.memory_space<hbm>> -> memref<2600000x16xf32, #tpu.memory_space<hbm>>
      tpu.wait_indirect_dma semaphore(%arg10 : memref<!tpu.dma_semaphore, #tpu.memory_space<semaphore_mem>>) src(%dma_wait3A_1659 : memref<2600000x16xf32, #tpu.memory_space<hbm>>) dst(%dma_wait3A_1654 : memref<128x16xf32, #tpu.memory_space<vmem>>)
      %dma_wait3A_1660 = arith.constant 1536 : i32
      %dma_wait3A_1661 = arith.constant 0 : i32
      %dma_wait3A_1662 = tpu.memref_slice %arg8[%dma_wait3A_1660, %dma_wait3A_1661] : memref<2048x16xf32, #tpu.memory_space<vmem>> -> memref<128x16xf32, #tpu.memory_space<vmem>>
      %dma_wait3A_1663 = arith.constant 1536 : i32
      %dma_wait3A_1664 = tpu.memref_slice %arg6[%dma_wait3A_1663] : memref<2048xi32, #tpu.memory_space<vmem>> -> memref<128xi32, #tpu.memory_space<vmem>>
      %dma_wait3A_1665 = arith.constant 0 : i32
      %dma_wait3A_1666 = arith.constant 0 : i32
      %dma_wait3A_1667 = tpu.memref_slice %arg4[%dma_wait3A_1665, %dma_wait3A_1666] : memref<2600000x16xf32, #tpu.memory_space<hbm>> -> memref<2600000x16xf32, #tpu.memory_space<hbm>>
      tpu.wait_indirect_dma semaphore(%arg10 : memref<!tpu.dma_semaphore, #tpu.memory_space<semaphore_mem>>) src(%dma_wait3A_1667 : memref<2600000x16xf32, #tpu.memory_space<hbm>>) dst(%dma_wait3A_1662 : memref<128x16xf32, #tpu.memory_space<vmem>>)
      %dma_wait3A_1668 = arith.constant 1664 : i32
      %dma_wait3A_1669 = arith.constant 0 : i32
      %dma_wait3A_1670 = tpu.memref_slice %arg8[%dma_wait3A_1668, %dma_wait3A_1669] : memref<2048x16xf32, #tpu.memory_space<vmem>> -> memref<128x16xf32, #tpu.memory_space<vmem>>
      %dma_wait3A_1671 = arith.constant 1664 : i32
      %dma_wait3A_1672 = tpu.memref_slice %arg6[%dma_wait3A_1671] : memref<2048xi32, #tpu.memory_space<vmem>> -> memref<128xi32, #tpu.memory_space<vmem>>
      %dma_wait3A_1673 = arith.constant 0 : i32
      %dma_wait3A_1674 = arith.constant 0 : i32
      %dma_wait3A_1675 = tpu.memref_slice %arg4[%dma_wait3A_1673, %dma_wait3A_1674] : memref<2600000x16xf32, #tpu.memory_space<hbm>> -> memref<2600000x16xf32, #tpu.memory_space<hbm>>
      tpu.wait_indirect_dma semaphore(%arg10 : memref<!tpu.dma_semaphore, #tpu.memory_space<semaphore_mem>>) src(%dma_wait3A_1675 : memref<2600000x16xf32, #tpu.memory_space<hbm>>) dst(%dma_wait3A_1670 : memref<128x16xf32, #tpu.memory_space<vmem>>)
      %dma_wait3A_1676 = arith.constant 1792 : i32
      %dma_wait3A_1677 = arith.constant 0 : i32
      %dma_wait3A_1678 = tpu.memref_slice %arg8[%dma_wait3A_1676, %dma_wait3A_1677] : memref<2048x16xf32, #tpu.memory_space<vmem>> -> memref<128x16xf32, #tpu.memory_space<vmem>>
      %dma_wait3A_1679 = arith.constant 1792 : i32
      %dma_wait3A_1680 = tpu.memref_slice %arg6[%dma_wait3A_1679] : memref<2048xi32, #tpu.memory_space<vmem>> -> memref<128xi32, #tpu.memory_space<vmem>>
      %dma_wait3A_1681 = arith.constant 0 : i32
      %dma_wait3A_1682 = arith.constant 0 : i32
      %dma_wait3A_1683 = tpu.memref_slice %arg4[%dma_wait3A_1681, %dma_wait3A_1682] : memref<2600000x16xf32, #tpu.memory_space<hbm>> -> memref<2600000x16xf32, #tpu.memory_space<hbm>>
      tpu.wait_indirect_dma semaphore(%arg10 : memref<!tpu.dma_semaphore, #tpu.memory_space<semaphore_mem>>) src(%dma_wait3A_1683 : memref<2600000x16xf32, #tpu.memory_space<hbm>>) dst(%dma_wait3A_1678 : memref<128x16xf32, #tpu.memory_space<vmem>>)
      %dma_wait3A_1684 = arith.constant 1920 : i32
      %dma_wait3A_1685 = arith.constant 0 : i32
      %dma_wait3A_1686 = tpu.memref_slice %arg8[%dma_wait3A_1684, %dma_wait3A_1685] : memref<2048x16xf32, #tpu.memory_space<vmem>> -> memref<128x16xf32, #tpu.memory_space<vmem>>
      %dma_wait3A_1687 = arith.constant 1920 : i32
      %dma_wait3A_1688 = tpu.memref_slice %arg6[%dma_wait3A_1687] : memref<2048xi32, #tpu.memory_space<vmem>> -> memref<128xi32, #tpu.memory_space<vmem>>
      %dma_wait3A_1689 = arith.constant 0 : i32
      %dma_wait3A_1690 = arith.constant 0 : i32
      %dma_wait3A_1691 = tpu.memref_slice %arg4[%dma_wait3A_1689, %dma_wait3A_1690] : memref<2600000x16xf32, #tpu.memory_space<hbm>> -> memref<2600000x16xf32, #tpu.memory_space<hbm>>
      tpu.wait_indirect_dma semaphore(%arg10 : memref<!tpu.dma_semaphore, #tpu.memory_space<semaphore_mem>>) src(%dma_wait3A_1691 : memref<2600000x16xf32, #tpu.memory_space<hbm>>) dst(%dma_wait3A_1686 : memref<128x16xf32, #tpu.memory_space<vmem>>)
      %scan3A_1692 = arith.constant 0 : i32
      %scan3A_1693 = arith.constant 0 : i32
      %scan3A_1694 = arith.constant 256 : i32
      %scan3A_1695 = arith.addi %scan3A_1693, %scan3A_1694 : i32
      %scan3A_1696 = arith.constant 1 : i32
      %scan3A_1697 = scf.for %scan3A_1724 = %scan3A_1693 to %scan3A_1695 step %scan3A_1696 iter_args(%scan3A_1725 = %scan3A_1692) -> (i32)  : i32 {
        %mul3A_1726 = arith.constant 8 : i32
        %mul3A_1727 = arith.muli %mul3A_1726, %scan3A_1724 : i32
        %add3A_1728 = arith.constant 0 : i32
        %add3A_1729 = arith.addi %mul3A_1727, %add3A_1728 : i32
        %get3A_1730 = arith.index_cast %add3A_1729 : i32 to index
        %get3A_1731 = arith.constant 0 : index
        %get3A_1732 = tpu.vector_load %arg8[%get3A_1730, %get3A_1731] {strides = array<i32>} : memref<2048x16xf32, #tpu.memory_space<vmem>>, vector<1x16xf32>,
        %get3A_1733 = vector.shape_cast %get3A_1732 : vector<1x16xf32> to vector<16xf32>
        %swap3A_1734 = arith.index_cast %scan3A_1724 : i32 to index
        %swap3A_1735 = arith.constant 0 : index
        %swap3A_1736 = tpu.vector_load %arg9[%swap3A_1734, %swap3A_1735] {strides = array<i32>} : memref<256x128xf32, #tpu.memory_space<vmem>>, vector<1x16xf32>,
        %swap3A_1737 = vector.shape_cast %swap3A_1736 : vector<1x16xf32> to vector<16xf32>
        %swap3A_1738 = vector.shape_cast %get3A_1733 : vector<16xf32> to vector<1x16xf32>
        tpu.vector_store %arg9[%swap3A_1734, %swap3A_1735], %swap3A_1738 {strides = array<i32>} : memref<256x128xf32, #tpu.memory_space<vmem>>, vector<1x16xf32>,
        %mul3A_1739 = arith.constant 8 : i32
        %mul3A_1740 = arith.muli %mul3A_1739, %scan3A_1724 : i32
        %add3A_1741 = arith.constant 1 : i32
        %add3A_1742 = arith.addi %mul3A_1740, %add3A_1741 : i32
        %get3A_1743 = arith.index_cast %add3A_1742 : i32 to index
        %get3A_1744 = arith.constant 0 : index
        %get3A_1745 = tpu.vector_load %arg8[%get3A_1743, %get3A_1744] {strides = array<i32>} : memref<2048x16xf32, #tpu.memory_space<vmem>>, vector<1x16xf32>,
        %get3A_1746 = vector.shape_cast %get3A_1745 : vector<1x16xf32> to vector<16xf32>
        %swap3A_1747 = arith.index_cast %scan3A_1724 : i32 to index
        %swap3A_1748 = arith.constant 16 : index
        %swap3A_1749 = tpu.vector_load %arg9[%swap3A_1747, %swap3A_1748] {strides = array<i32>} : memref<256x128xf32, #tpu.memory_space<vmem>>, vector<1x16xf32>,
        %swap3A_1750 = vector.shape_cast %swap3A_1749 : vector<1x16xf32> to vector<16xf32>
        %swap3A_1751 = vector.shape_cast %get3A_1746 : vector<16xf32> to vector<1x16xf32>
        tpu.vector_store %arg9[%swap3A_1747, %swap3A_1748], %swap3A_1751 {strides = array<i32>} : memref<256x128xf32, #tpu.memory_space<vmem>>, vector<1x16xf32>,
        %mul3A_1752 = arith.constant 8 : i32
        %mul3A_1753 = arith.muli %mul3A_1752, %scan3A_1724 : i32
        %add3A_1754 = arith.constant 2 : i32
        %add3A_1755 = arith.addi %mul3A_1753, %add3A_1754 : i32
        %get3A_1756 = arith.index_cast %add3A_1755 : i32 to index
        %get3A_1757 = arith.constant 0 : index
        %get3A_1758 = tpu.vector_load %arg8[%get3A_1756, %get3A_1757] {strides = array<i32>} : memref<2048x16xf32, #tpu.memory_space<vmem>>, vector<1x16xf32>,
        %get3A_1759 = vector.shape_cast %get3A_1758 : vector<1x16xf32> to vector<16xf32>
        %swap3A_1760 = arith.index_cast %scan3A_1724 : i32 to index
        %swap3A_1761 = arith.constant 32 : index
        %swap3A_1762 = tpu.vector_load %arg9[%swap3A_1760, %swap3A_1761] {strides = array<i32>} : memref<256x128xf32, #tpu.memory_space<vmem>>, vector<1x16xf32>,
        %swap3A_1763 = vector.shape_cast %swap3A_1762 : vector<1x16xf32> to vector<16xf32>
        %swap3A_1764 = vector.shape_cast %get3A_1759 : vector<16xf32> to vector<1x16xf32>
        tpu.vector_store %arg9[%swap3A_1760, %swap3A_1761], %swap3A_1764 {strides = array<i32>} : memref<256x128xf32, #tpu.memory_space<vmem>>, vector<1x16xf32>,
        %mul3A_1765 = arith.constant 8 : i32
        %mul3A_1766 = arith.muli %mul3A_1765, %scan3A_1724 : i32
        %add3A_1767 = arith.constant 3 : i32
        %add3A_1768 = arith.addi %mul3A_1766, %add3A_1767 : i32
        %get3A_1769 = arith.index_cast %add3A_1768 : i32 to index
        %get3A_1770 = arith.constant 0 : index
        %get3A_1771 = tpu.vector_load %arg8[%get3A_1769, %get3A_1770] {strides = array<i32>} : memref<2048x16xf32, #tpu.memory_space<vmem>>, vector<1x16xf32>,
        %get3A_1772 = vector.shape_cast %get3A_1771 : vector<1x16xf32> to vector<16xf32>
        %swap3A_1773 = arith.index_cast %scan3A_1724 : i32 to index
        %swap3A_1774 = arith.constant 48 : index
        %swap3A_1775 = tpu.vector_load %arg9[%swap3A_1773, %swap3A_1774] {strides = array<i32>} : memref<256x128xf32, #tpu.memory_space<vmem>>, vector<1x16xf32>,
        %swap3A_1776 = vector.shape_cast %swap3A_1775 : vector<1x16xf32> to vector<16xf32>
        %swap3A_1777 = vector.shape_cast %get3A_1772 : vector<16xf32> to vector<1x16xf32>
        tpu.vector_store %arg9[%swap3A_1773, %swap3A_1774], %swap3A_1777 {strides = array<i32>} : memref<256x128xf32, #tpu.memory_space<vmem>>, vector<1x16xf32>,
        %mul3A_1778 = arith.constant 8 : i32
        %mul3A_1779 = arith.muli %mul3A_1778, %scan3A_1724 : i32
        %add3A_1780 = arith.constant 4 : i32
        %add3A_1781 = arith.addi %mul3A_1779, %add3A_1780 : i32
        %get3A_1782 = arith.index_cast %add3A_1781 : i32 to index
        %get3A_1783 = arith.constant 0 : index
        %get3A_1784 = tpu.vector_load %arg8[%get3A_1782, %get3A_1783] {strides = array<i32>} : memref<2048x16xf32, #tpu.memory_space<vmem>>, vector<1x16xf32>,
        %get3A_1785 = vector.shape_cast %get3A_1784 : vector<1x16xf32> to vector<16xf32>
        %swap3A_1786 = arith.index_cast %scan3A_1724 : i32 to index
        %swap3A_1787 = arith.constant 64 : index
        %swap3A_1788 = tpu.vector_load %arg9[%swap3A_1786, %swap3A_1787] {strides = array<i32>} : memref<256x128xf32, #tpu.memory_space<vmem>>, vector<1x16xf32>,
        %swap3A_1789 = vector.shape_cast %swap3A_1788 : vector<1x16xf32> to vector<16xf32>
        %swap3A_1790 = vector.shape_cast %get3A_1785 : vector<16xf32> to vector<1x16xf32>
        tpu.vector_store %arg9[%swap3A_1786, %swap3A_1787], %swap3A_1790 {strides = array<i32>} : memref<256x128xf32, #tpu.memory_space<vmem>>, vector<1x16xf32>,
        %mul3A_1791 = arith.constant 8 : i32
        %mul3A_1792 = arith.muli %mul3A_1791, %scan3A_1724 : i32
        %add3A_1793 = arith.constant 5 : i32
        %add3A_1794 = arith.addi %mul3A_1792, %add3A_1793 : i32
        %get3A_1795 = arith.index_cast %add3A_1794 : i32 to index
        %get3A_1796 = arith.constant 0 : index
        %get3A_1797 = tpu.vector_load %arg8[%get3A_1795, %get3A_1796] {strides = array<i32>} : memref<2048x16xf32, #tpu.memory_space<vmem>>, vector<1x16xf32>,
        %get3A_1798 = vector.shape_cast %get3A_1797 : vector<1x16xf32> to vector<16xf32>
        %swap3A_1799 = arith.index_cast %scan3A_1724 : i32 to index
        %swap3A_1800 = arith.constant 80 : index
        %swap3A_1801 = tpu.vector_load %arg9[%swap3A_1799, %swap3A_1800] {strides = array<i32>} : memref<256x128xf32, #tpu.memory_space<vmem>>, vector<1x16xf32>,
        %swap3A_1802 = vector.shape_cast %swap3A_1801 : vector<1x16xf32> to vector<16xf32>
        %swap3A_1803 = vector.shape_cast %get3A_1798 : vector<16xf32> to vector<1x16xf32>
        tpu.vector_store %arg9[%swap3A_1799, %swap3A_1800], %swap3A_1803 {strides = array<i32>} : memref<256x128xf32, #tpu.memory_space<vmem>>, vector<1x16xf32>,
        %mul3A_1804 = arith.constant 8 : i32
        %mul3A_1805 = arith.muli %mul3A_1804, %scan3A_1724 : i32
        %add3A_1806 = arith.constant 6 : i32
        %add3A_1807 = arith.addi %mul3A_1805, %add3A_1806 : i32
        %get3A_1808 = arith.index_cast %add3A_1807 : i32 to index
        %get3A_1809 = arith.constant 0 : index
        %get3A_1810 = tpu.vector_load %arg8[%get3A_1808, %get3A_1809] {strides = array<i32>} : memref<2048x16xf32, #tpu.memory_space<vmem>>, vector<1x16xf32>,
        %get3A_1811 = vector.shape_cast %get3A_1810 : vector<1x16xf32> to vector<16xf32>
        %swap3A_1812 = arith.index_cast %scan3A_1724 : i32 to index
        %swap3A_1813 = arith.constant 96 : index
        %swap3A_1814 = tpu.vector_load %arg9[%swap3A_1812, %swap3A_1813] {strides = array<i32>} : memref<256x128xf32, #tpu.memory_space<vmem>>, vector<1x16xf32>,
        %swap3A_1815 = vector.shape_cast %swap3A_1814 : vector<1x16xf32> to vector<16xf32>
        %swap3A_1816 = vector.shape_cast %get3A_1811 : vector<16xf32> to vector<1x16xf32>
        tpu.vector_store %arg9[%swap3A_1812, %swap3A_1813], %swap3A_1816 {strides = array<i32>} : memref<256x128xf32, #tpu.memory_space<vmem>>, vector<1x16xf32>,
        %mul3A_1817 = arith.constant 8 : i32
        %mul3A_1818 = arith.muli %mul3A_1817, %scan3A_1724 : i32
        %add3A_1819 = arith.constant 7 : i32
        %add3A_1820 = arith.addi %mul3A_1818, %add3A_1819 : i32
        %get3A_1821 = arith.index_cast %add3A_1820 : i32 to index
        %get3A_1822 = arith.constant 0 : index
        %get3A_1823 = tpu.vector_load %arg8[%get3A_1821, %get3A_1822] {strides = array<i32>} : memref<2048x16xf32, #tpu.memory_space<vmem>>, vector<1x16xf32>,
        %get3A_1824 = vector.shape_cast %get3A_1823 : vector<1x16xf32> to vector<16xf32>
        %swap3A_1825 = arith.index_cast %scan3A_1724 : i32 to index
        %swap3A_1826 = arith.constant 112 : index
        %swap3A_1827 = tpu.vector_load %arg9[%swap3A_1825, %swap3A_1826] {strides = array<i32>} : memref<256x128xf32, #tpu.memory_space<vmem>>, vector<1x16xf32>,
        %swap3A_1828 = vector.shape_cast %swap3A_1827 : vector<1x16xf32> to vector<16xf32>
        %swap3A_1829 = vector.shape_cast %get3A_1824 : vector<16xf32> to vector<1x16xf32>
        tpu.vector_store %arg9[%swap3A_1825, %swap3A_1826], %swap3A_1829 {strides = array<i32>} : memref<256x128xf32, #tpu.memory_space<vmem>>, vector<1x16xf32>,
        %scan3A_1830 = arith.constant 0 : i32
        scf.yield %scan3A_1830 : i32
      }
      %scan3A_1698 = arith.constant 256 : i32
      %jit3A_1699 = arith.constant 8 : i32
      %div3A_1700 = arith.divsi %add3A_31, %jit3A_1699 : i32
      %sign3A_1701 = arith.constant 0 : i32
      %sign3A_1702 = arith.cmpi sgt, %add3A_31, %sign3A_1701 : i32
      %sign3A_1703 = arith.extui %sign3A_1702 : i1 to i32
      %sign3A_1704 = arith.constant 0 : i32
      %sign3A_1705 = arith.cmpi slt, %add3A_31, %sign3A_1704 : i32
      %sign3A_1706 = arith.extui %sign3A_1705 : i1 to i32
      %sign3A_1707 = arith.subi %sign3A_1703, %sign3A_1706 : i32
      %sign3A_1708 = arith.constant 0 : i32
      %sign3A_1709 = arith.cmpi sgt, %jit3A_1699, %sign3A_1708 : i32
      %sign3A_1710 = arith.extui %sign3A_1709 : i1 to i32
      %sign3A_1711 = arith.constant 0 : i32
      %sign3A_1712 = arith.cmpi slt, %jit3A_1699, %sign3A_1711 : i32
      %sign3A_1713 = arith.extui %sign3A_1712 : i1 to i32
      %sign3A_1714 = arith.subi %sign3A_1710, %sign3A_1713 : i32
      %ne3A_1715 = arith.cmpi ne, %sign3A_1707, %sign3A_1714 : i32
      %rem3A_1716 = arith.remsi %add3A_31, %jit3A_1699 : i32
      %ne3A_1717 = arith.constant 0 : i32
      %ne3A_1718 = arith.cmpi ne, %rem3A_1716, %ne3A_1717 : i32
      %and3A_1719 = arith.andi %ne3A_1715, %ne3A_1718 : i1
      %sub3A_1720 = arith.constant 1 : i32
      %sub3A_1721 = arith.subi %div3A_1700, %sub3A_1720 : i32
      %select_n3A_1722 = arith.select %and3A_1719, %sub3A_1721, %div3A_1700 : i32
      "tpu.region"() ({
        %run_scoped3A = tpu.sem_alloc : memref<!tpu.dma_semaphore, #tpu.memory_space<semaphore_mem>>
        %dma_start3A_1724 = arith.constant 0 : i32
        %dma_start3A_1725 = tpu.memref_slice %arg5[%select_n3A_1722, %dma_start3A_1724] : memref<65536x128xf32, #tpu.memory_space<hbm>> -> memref<256x128xf32, #tpu.memory_space<hbm>>
        %dma_start3A_1726 = arith.constant 0 : i32
        %dma_start3A_1727 = tpu.memref_slice %arg5[%select_n3A_1722, %dma_start3A_1726] : memref<65536x128xf32, #tpu.memory_space<hbm>> -> memref<256x128xf32, #tpu.memory_space<hbm>>
        tpu.enqueue_dma source(%arg9 : memref<256x128xf32, #tpu.memory_space<vmem>>) target(%dma_start3A_1727 : memref<256x128xf32, #tpu.memory_space<hbm>>) target_semaphore(%run_scoped3A : memref<!tpu.dma_semaphore, #tpu.memory_space<semaphore_mem>>)
        %dma_wait3A_1728 = arith.constant 0 : i32
        %dma_wait3A_1729 = tpu.memref_slice %arg5[%select_n3A_1722, %dma_wait3A_1728] : memref<65536x128xf32, #tpu.memory_space<hbm>> -> memref<256x128xf32, #tpu.memory_space<hbm>>
        %dma_wait3A_1730 = arith.constant 0 : i32
        %dma_wait3A_1731 = tpu.memref_slice %arg5[%select_n3A_1722, %dma_wait3A_1730] : memref<65536x128xf32, #tpu.memory_space<hbm>> -> memref<256x128xf32, #tpu.memory_space<hbm>>
        tpu.wait_dma2 semaphore(%run_scoped3A : memref<!tpu.dma_semaphore, #tpu.memory_space<semaphore_mem>>) src(%arg9 : memref<256x128xf32, #tpu.memory_space<vmem>>) dst(%dma_wait3A_1731 : memref<256x128xf32, #tpu.memory_space<hbm>>)
        tpu.yield
      }) : () -> ()
      %scan3A_1723 = arith.constant 0 : i32
      scf.yield %scan3A_1723 : i32
    }
    %scan3A_24 = arith.constant 8 : i32
    return
  }
}

module attributes {stable_mosaic.version = 14 : i64} {
  func.func @_mlp_body(%arg0: i32, %arg1: memref<2048x128xf32, #tpu.memory_space<vmem>>, %arg2: memref<2048x128xf32, #tpu.memory_space<vmem>>, %arg3: memref<2048x128xf32, #tpu.memory_space<vmem>>, %arg4: memref<2048x128xf32, #tpu.memory_space<vmem>>, %arg5: memref<512x256xf32, #tpu.memory_space<vmem>>, %arg6: memref<256xf32, #tpu.memory_space<vmem>>, %arg7: memref<256x128xf32, #tpu.memory_space<vmem>>, %arg8: memref<128xf32, #tpu.memory_space<vmem>>, %arg9: memref<128x1xf32, #tpu.memory_space<vmem>>, %arg10: memref<1xf32, #tpu.memory_space<vmem>>, %arg11: memref<2048xf32, #tpu.memory_space<vmem>>) attributes {dimension_semantics = [#tpu.dimension_semantics<arbitrary>], iteration_bounds = array<i64: 8>, scalar_prefetch = 0 : i64, scratch_operands = 0 : i64, tpu.core_type = #tpu.core_type<tc>, window_params = [{transform_indices = @transform_0, window_bounds = array<i64: 2048, 128>}, {transform_indices = @transform_1, window_bounds = array<i64: 2048, 128>}, {transform_indices = @transform_2, window_bounds = array<i64: 2048, 128>}, {transform_indices = @transform_3, window_bounds = array<i64: 2048, 128>}, {pipeline_mode = #tpu.pipeline_mode<synchronous>, transform_indices = @transform_4, window_bounds = array<i64: 512, 256>}, {pipeline_mode = #tpu.pipeline_mode<synchronous>, transform_indices = @transform_5, window_bounds = array<i64: 256>}, {pipeline_mode = #tpu.pipeline_mode<synchronous>, transform_indices = @transform_6, window_bounds = array<i64: 256, 128>}, {pipeline_mode = #tpu.pipeline_mode<synchronous>, transform_indices = @transform_7, window_bounds = array<i64: 128>}, {pipeline_mode = #tpu.pipeline_mode<synchronous>, transform_indices = @transform_8, window_bounds = array<i64: 128, 1>}, {pipeline_mode = #tpu.pipeline_mode<synchronous>, transform_indices = @transform_9, window_bounds = array<i64: 1>}, {transform_indices = @transform_10, window_bounds = array<i64: 2048>}]} {
    %broadcast_in_dim3A = arith.constant 0.000000e+00 : f32
    %broadcast_in_dim3A_0 = vector.broadcast %broadcast_in_dim3A : f32 to vector<2048x256xf32>
    %get3A = arith.constant 0 : index
    %get3A_1 = arith.constant 0 : index
    %get3A_2 = vector.load %arg1[%get3A, %get3A_1] : memref<2048x128xf32, #tpu.memory_space<vmem>>, vector<2048x128xf32>
    %get3A_3 = arith.constant 0 : index
    %get3A_4 = arith.constant 0 : index
    %get3A_5 = vector.load %arg5[%get3A_3, %get3A_4] : memref<512x256xf32, #tpu.memory_space<vmem>>, vector<128x256xf32>
    %dot_general3A = arith.constant dense<0.000000e+00> : vector<2048x256xf32>
    %dot_general3A_6 = tpu.matmul %get3A_2, %get3A_5, %dot_general3A {dimension_numbers = #tpu.dot_dimension_numbers<[1], [0], [0], [1], [0, 0, 1, 1], [], []>, transpose_lhs_hint = false} : vector<2048x128xf32>, vector<128x256xf32>, vector<2048x256xf32> -> vector<2048x256xf32>
    %add3A = arith.addf %broadcast_in_dim3A_0, %dot_general3A_6 : vector<2048x256xf32>
    %get3A_7 = arith.constant 0 : index
    %get3A_8 = arith.constant 0 : index
    %get3A_9 = vector.load %arg2[%get3A_7, %get3A_8] : memref<2048x128xf32, #tpu.memory_space<vmem>>, vector<2048x128xf32>
    %get3A_10 = arith.constant 128 : index
    %get3A_11 = arith.constant 0 : index
    %get3A_12 = vector.load %arg5[%get3A_10, %get3A_11] : memref<512x256xf32, #tpu.memory_space<vmem>>, vector<128x256xf32>
    %dot_general3A_13 = arith.constant dense<0.000000e+00> : vector<2048x256xf32>
    %dot_general3A_14 = tpu.matmul %get3A_9, %get3A_12, %dot_general3A_13 {dimension_numbers = #tpu.dot_dimension_numbers<[1], [0], [0], [1], [0, 0, 1, 1], [], []>, transpose_lhs_hint = false} : vector<2048x128xf32>, vector<128x256xf32>, vector<2048x256xf32> -> vector<2048x256xf32>
    %add3A_15 = arith.addf %add3A, %dot_general3A_14 : vector<2048x256xf32>
    %get3A_16 = arith.constant 0 : index
    %get3A_17 = arith.constant 0 : index
    %get3A_18 = vector.load %arg3[%get3A_16, %get3A_17] : memref<2048x128xf32, #tpu.memory_space<vmem>>, vector<2048x128xf32>
    %get3A_19 = arith.constant 256 : index
    %get3A_20 = arith.constant 0 : index
    %get3A_21 = vector.load %arg5[%get3A_19, %get3A_20] : memref<512x256xf32, #tpu.memory_space<vmem>>, vector<128x256xf32>
    %dot_general3A_22 = arith.constant dense<0.000000e+00> : vector<2048x256xf32>
    %dot_general3A_23 = tpu.matmul %get3A_18, %get3A_21, %dot_general3A_22 {dimension_numbers = #tpu.dot_dimension_numbers<[1], [0], [0], [1], [0, 0, 1, 1], [], []>, transpose_lhs_hint = false} : vector<2048x128xf32>, vector<128x256xf32>, vector<2048x256xf32> -> vector<2048x256xf32>
    %add3A_24 = arith.addf %add3A_15, %dot_general3A_23 : vector<2048x256xf32>
    %get3A_25 = arith.constant 0 : index
    %get3A_26 = arith.constant 0 : index
    %get3A_27 = vector.load %arg4[%get3A_25, %get3A_26] : memref<2048x128xf32, #tpu.memory_space<vmem>>, vector<2048x128xf32>
    %get3A_28 = arith.constant 384 : index
    %get3A_29 = arith.constant 0 : index
    %get3A_30 = vector.load %arg5[%get3A_28, %get3A_29] : memref<512x256xf32, #tpu.memory_space<vmem>>, vector<128x256xf32>
    %dot_general3A_31 = arith.constant dense<0.000000e+00> : vector<2048x256xf32>
    %dot_general3A_32 = tpu.matmul %get3A_27, %get3A_30, %dot_general3A_31 {dimension_numbers = #tpu.dot_dimension_numbers<[1], [0], [0], [1], [0, 0, 1, 1], [], []>, transpose_lhs_hint = false} : vector<2048x128xf32>, vector<128x256xf32>, vector<2048x256xf32> -> vector<2048x256xf32>
    %add3A_33 = arith.addf %add3A_24, %dot_general3A_32 : vector<2048x256xf32>
    %get3A_34 = arith.constant 0 : index
    %get3A_35 = vector.load %arg6[%get3A_34] : memref<256xf32, #tpu.memory_space<vmem>>, vector<256xf32>
    %broadcast_in_dim3A_36 = vector.shape_cast %get3A_35 : vector<256xf32> to vector<1x256xf32>
    %add3A_37 = vector.broadcast %broadcast_in_dim3A_36 : vector<1x256xf32> to vector<2048x256xf32>
    %add3A_38 = arith.addf %add3A_33, %add3A_37 : vector<2048x256xf32>
    %max3A = arith.constant 0.000000e+00 : f32
    %max3A_39 = vector.broadcast %max3A : f32 to vector<2048x256xf32>
    %max3A_40 = arith.maximumf %add3A_38, %max3A_39 : vector<2048x256xf32>
    %get3A_41 = arith.constant 0 : index
    %get3A_42 = arith.constant 0 : index
    %get3A_43 = vector.load %arg7[%get3A_41, %get3A_42] : memref<256x128xf32, #tpu.memory_space<vmem>>, vector<256x128xf32>
    %dot_general3A_44 = arith.constant dense<0.000000e+00> : vector<2048x128xf32>
    %dot_general3A_45 = tpu.matmul %max3A_40, %get3A_43, %dot_general3A_44 {dimension_numbers = #tpu.dot_dimension_numbers<[1], [0], [0], [1], [0, 0, 1, 1], [], []>, transpose_lhs_hint = false} : vector<2048x256xf32>, vector<256x128xf32>, vector<2048x128xf32> -> vector<2048x128xf32>
    %get3A_46 = arith.constant 0 : index
    %get3A_47 = vector.load %arg8[%get3A_46] : memref<128xf32, #tpu.memory_space<vmem>>, vector<128xf32>
    %broadcast_in_dim3A_48 = vector.shape_cast %get3A_47 : vector<128xf32> to vector<1x128xf32>
    %add3A_49 = vector.broadcast %broadcast_in_dim3A_48 : vector<1x128xf32> to vector<2048x128xf32>
    %add3A_50 = arith.addf %dot_general3A_45, %add3A_49 : vector<2048x128xf32>
    %max3A_51 = arith.constant 0.000000e+00 : f32
    %max3A_52 = vector.broadcast %max3A_51 : f32 to vector<2048x128xf32>
    %max3A_53 = arith.maximumf %add3A_50, %max3A_52 : vector<2048x128xf32>
    %get3A_54 = arith.constant 0 : index
    %get3A_55 = arith.constant 0 : index
    %get3A_56 = vector.load %arg9[%get3A_54, %get3A_55] : memref<128x1xf32, #tpu.memory_space<vmem>>, vector<128x1xf32>
    %dot_general3A_57 = arith.constant dense<0.000000e+00> : vector<2048x1xf32>
    %dot_general3A_58 = tpu.matmul %max3A_53, %get3A_56, %dot_general3A_57 {dimension_numbers = #tpu.dot_dimension_numbers<[1], [0], [0], [1], [0, 0, 1, 1], [], []>, transpose_lhs_hint = false} : vector<2048x128xf32>, vector<128x1xf32>, vector<2048x1xf32> -> vector<2048x1xf32>
    %squeeze3A = vector.shape_cast %dot_general3A_58 : vector<2048x1xf32> to vector<2048xf32>
    %get3A_59 = arith.constant 0 : index
    %get3A_60 = vector.load %arg10[%get3A_59] : memref<1xf32, #tpu.memory_space<vmem>>, vector<1xf32>
    %add3A_61 = vector.broadcast %get3A_60 : vector<1xf32> to vector<2048xf32>
    %add3A_62 = arith.addf %squeeze3A, %add3A_61 : vector<2048xf32>
    %logistic3A = arith.negf %add3A_62 : vector<2048xf32>
    %logistic3A_63 = math.exp %logistic3A : vector<2048xf32>
    %logistic3A_64 = arith.constant 1.000000e+00 : f32
    %logistic3A_65 = vector.broadcast %logistic3A_64 : f32 to vector<2048xf32>
    %logistic3A_66 = arith.addf %logistic3A_65, %logistic3A_63 : vector<2048xf32>
    %logistic3A_67 = arith.divf %logistic3A_65, %logistic3A_66 : vector<2048xf32>
    %swap3A = arith.constant 0 : index
    %swap3A_68 = vector.load %arg11[%swap3A] : memref<2048xf32, #tpu.memory_space<vmem>>, vector<2048xf32>
    tpu.vector_store %arg11[%swap3A], %logistic3A_67 {strides = array<i32>} : memref<2048xf32, #tpu.memory_space<vmem>>, vector<2048xf32>,
    return
  }
  func.func @transform_0(%arg0: i32) -> (i32, i32) {
    %add3A = arith.constant 0 : i32
    %add3A_0 = arith.addi %add3A, %arg0 : i32
    %c0_i32 = arith.constant 0 : i32
    %c0_i32_1 = arith.constant 0 : i32
    return %add3A_0, %c0_i32 : i32, i32
  }
  func.func @transform_1(%arg0: i32) -> (i32, i32) {
    %add3A = arith.constant 8 : i32
    %add3A_0 = arith.addi %add3A, %arg0 : i32
    %c0_i32 = arith.constant 0 : i32
    %c0_i32_1 = arith.constant 0 : i32
    return %add3A_0, %c0_i32 : i32, i32
  }
  func.func @transform_2(%arg0: i32) -> (i32, i32) {
    %add3A = arith.constant 16 : i32
    %add3A_0 = arith.addi %add3A, %arg0 : i32
    %c0_i32 = arith.constant 0 : i32
    %c0_i32_1 = arith.constant 0 : i32
    return %add3A_0, %c0_i32 : i32, i32
  }
  func.func @transform_3(%arg0: i32) -> (i32, i32) {
    %add3A = arith.constant 24 : i32
    %add3A_0 = arith.addi %add3A, %arg0 : i32
    %c0_i32 = arith.constant 0 : i32
    %c0_i32_1 = arith.constant 0 : i32
    return %add3A_0, %c0_i32 : i32, i32
  }
  func.func @transform_4(%arg0: i32) -> (i32, i32) {
    %c0_i32 = arith.constant 0 : i32
    %c0_i32_0 = arith.constant 0 : i32
    %c0_i32_1 = arith.constant 0 : i32
    return %c0_i32, %c0_i32_0 : i32, i32
  }
  func.func @transform_5(%arg0: i32) -> i32 {
    %c0_i32 = arith.constant 0 : i32
    %c0_i32_0 = arith.constant 0 : i32
    return %c0_i32 : i32
  }
  func.func @transform_6(%arg0: i32) -> (i32, i32) {
    %c0_i32 = arith.constant 0 : i32
    %c0_i32_0 = arith.constant 0 : i32
    %c0_i32_1 = arith.constant 0 : i32
    return %c0_i32, %c0_i32_0 : i32, i32
  }
  func.func @transform_7(%arg0: i32) -> i32 {
    %c0_i32 = arith.constant 0 : i32
    %c0_i32_0 = arith.constant 0 : i32
    return %c0_i32 : i32
  }
  func.func @transform_8(%arg0: i32) -> (i32, i32) {
    %c0_i32 = arith.constant 0 : i32
    %c0_i32_0 = arith.constant 0 : i32
    %c0_i32_1 = arith.constant 0 : i32
    return %c0_i32, %c0_i32_0 : i32, i32
  }
  func.func @transform_9(%arg0: i32) -> i32 {
    %c0_i32 = arith.constant 0 : i32
    %c0_i32_0 = arith.constant 0 : i32
    return %c0_i32 : i32
  }
  func.func @transform_10(%arg0: i32) -> i32 {
    %c0_i32 = arith.constant 0 : i32
    return %arg0 : i32
  }
}

</mosaic_0001>

<sc_bundles>
// kernel: kernel.4.cloned.1.call-start
scs
__scs_entry_jumppad:
0x0: {  	(pc) =	sbr.rel $0x88, $3  }
0x1: {  	(tag) =	ssettag $0x0;
	lr =	simm.s32 $0x1  }
0x2: {  	[smem:$0x3F99] =	sst lr;
	_ =	strace $0xD0000000  }
0x3: {  	_ = 	snop  }
0x4: {  	_ = 	snop  }
0x5: {  	_ = 	snop  }
0x6: {  	_ = 	snop  }
0x7: {  	_ = 	snop  }
__scs_overlays_trampoline_lowered:
0x8: {  	[smem:$0x3FA8] =	sst s0  }
0x9: {  	[smem:$0x3FA9] =	sst s1  }
0xa: {  	[smem:$0x3FAA] =	sst s2  }
0xb: {  	[smem:$0x3FAB] =	sst s3  }
0xc: {  	[smem:$0x3FAC] =	sst s4  }
0xd: {  	[smem:$0x3FAD] =	sst s5  }
0xe: {  	[smem:$0x3FAE] =	sst s6  }
0xf: {  	[smem:$0x3FAF] =	sst s7  }
0x10: {  	[smem:$0x3FB0] =	sst s8  }
0x11: {  	[smem:$0x3FB1] =	sst s9;
	s0 =	simm.s32 @!p0 $0x0  }
0x12: {  	s1 =	sld [smem:$0x3F97];
	s0 =	simm.s32 @p0 $0x1  }
0x13: {  	[smem:$0x3FB2] =	sst s0;
	s0 =	simm.s32 @!p1 $0x0  }
0x14: {  	s2 =	sld [smem:$0x3F96];
	s0 =	simm.s32 @p1 $0x1  }
0x15: {  	[smem:$0x3FB3] =	sst s0;
	s0 =	simm.s32 @!p2 $0x0  }
0x16: {  	s3 =	sld [smem:$0x3FDB];
	s0 =	simm.s32 @p2 $0x1  }
0x17: {  	s4 =	simm.s32 $0x1BF5;
	[smem:$0x3FB5] =	sst s0  }
0x18: {  	s0 =	sld [smem:$0x3F98];
	_ =	swait.ge [sflag:s4], $0x0  }
0x19: {  	s7 =	sld [smem:$0x3F99]  }
0x1a: {  	s8 =	sadd.s32 $0xFFFFE003, lr  }
0x1b: {  	s9 =	sadd.s32 $0xFFFFFEF7, lr;
	s5 =	simm.s32 $0xFFFFFFFF;
	p2 =	slt.u32 s8, $0xFFFFF086  }
0x1c: {  	p1 =	slt.u32 s9, $0xF7A;
	s5 =	simm.s32 @!p2 $0x0  }
0x1d: {  	s5 =	simm.s32 @p1 $0x1;
	p0 =	seq.s32 s7, s2  }
0x1e: {  	s7 =	smul.u32 @!p0 $0xF7A, s2;
	p2 =	seq.s32 @!p0 s5, $0x0  }
0x1f: {  	s9 =	smul.u32 $0xF7A, s1;
	s8 =	simm.s32 @!p0 $0x1BF5;
	p2 =	por !p2, p0  }
0x20: {  	[sflag:s8] =	ssyncset.s32 @!p0 $0xFFFFF086;
	s6 =	sadd.s32 @!p0 s3, s7;
	s7 =	simm.s32 @!p0 $0x108  }
0x21: {  	s3 =	sadd.s32 s3, s9;
	s6 =	sadd.s32 @!p0 $0x88, s6;
	s7 =	simm.s32 @p2 $0x1082  }
0x22: {  	[simem:s7], [sflag:s8] =	dma.local @!p0 [hbm:s6], $0xF7A  }
0x23: {  	s9 =	sor.u32 $0xD0000000, s2;
	s6 =	simm.s32 $0x108;
	_ =	swait.ge @!p0 [sflag:s8], $0x0  }
0x24: {  	s3 =	sadd.s32 $0x88, s3;
	s6 =	simm.s32 @!p1 $0x1082;
	[sflag:s4] =	ssyncset.s32 $0xFFFFF086  }
0x25: {  	[simem:s6], [sflag:s4] =	dma.local [hbm:s3], $0xF7A  }
0x26: {  	[smem:$0x3F99] =	sst s1;
	(tag) =	ssettag s2;
	_ =	strace s9  }
0x27: {  	s1 =	sld [smem:$0x3FA9]  }
0x28: {  	s2 =	sld [smem:$0x3FAA]  }
0x29: {  	s4 =	sld [smem:$0x3FAC]  }
0x2a: {  	p0 =	seq.s32 s5, $0x0;
	s5 =	sld [smem:$0x3FAD]  }
0x2b: {  	s6 =	sld [smem:$0x3FAE]  }
0x2c: {  	s7 =	sld [smem:$0x3FAF]  }
0x2d: {  	s3 =	simm.s32 $0x108;
	s8 =	sld [smem:$0x3FB0]  }
0x2e: {  	s3 =	simm.s32 @!p0 $0x1082;
	s9 =	sld [smem:$0x3FB1]  }
0x2f: {  	lr =	sadd.s32 s0, s3;
	s0 =	sld [smem:$0x3FA8]  }
0x30: {  	s3 =	sld [smem:$0x3FAB]  }
0x31: {  	[smem:$0x3FB4] =	sst s10  }
0x32: {  	s10 =	sld [smem:$0x3FB2];
	_ =	sdelay $0x3  }
0x33: {  	p0 =	seq.s32 s10, $0x1;
	s10 =	sld [smem:$0x3FB4];
	_ =	sdelay $0x3  }
0x34: {  	[smem:$0x3FB4] =	sst s10  }
0x35: {  	s10 =	sld [smem:$0x3FB3];
	_ =	sdelay $0x3  }
0x36: {  	p1 =	seq.s32 s10, $0x1;
	s10 =	sld [smem:$0x3FB4];
	_ =	sdelay $0x3  }
0x37: {  	[smem:$0x3FB4] =	sst s10  }
0x38: {  	s10 =	sld [smem:$0x3FB5]  }
0x39: {  	_ = 	snop;
	(pc) =	sbr.ind lr, $3  }
0x3a: {  	_ = 	snop  }
0x3b: {  	_ = 	snop  }
0x3c: {  	p2 =	seq.s32 s10, $0x1;
	s10 =	sld [smem:$0x3FB4]  }
0x3d: {  	_ =	shalt  }
0x3e: {  	_ =	shalt  }
0x3f: {  	_ =	shalt  }
0x40: {  	_ =	shalt  }
0x41: {  	_ =	shalt  }
0x42: {  	_ =	shalt  }
0x43: {  	_ =	shalt  }
0x44: {  	_ =	shalt  }
0x45: {  	_ =	shalt  }
0x46: {  	_ =	shalt  }
0x47: {  	_ =	shalt  }
0x48: {  	_ =	shalt  }
0x49: {  	_ =	shalt  }
0x4a: {  	_ =	shalt  }
0x4b: {  	_ =	shalt  }
0x4c: {  	_ =	shalt  }
0x4d: {  	_ =	shalt  }
0x4e: {  	_ =	shalt  }
0x4f: {  	_ =	shalt  }
0x50: {  	_ =	shalt  }
0x51: {  	_ =	shalt  }
0x52: {  	_ =	shalt  }
0x53: {  	_ =	shalt  }
0x54: {  	_ =	shalt  }
0x55: {  	_ =	shalt  }
0x56: {  	_ =	shalt  }
0x57: {  	_ =	shalt  }
0x58: {  	_ =	shalt  }
0x59: {  	_ =	shalt  }
0x5a: {  	_ =	shalt  }
0x5b: {  	_ =	shalt  }
0x5c: {  	_ =	shalt  }
0x5d: {  	_ =	shalt  }
0x5e: {  	_ =	shalt  }
0x5f: {  	_ =	shalt  }
0x60: {  	_ =	shalt  }
0x61: {  	_ =	shalt  }
0x62: {  	_ =	shalt  }
0x63: {  	_ =	shalt  }
0x64: {  	_ =	shalt  }
0x65: {  	_ =	shalt  }
0x66: {  	_ =	shalt  }
0x67: {  	_ =	shalt  }
0x68: {  	_ =	shalt  }
0x69: {  	_ =	shalt  }
0x6a: {  	_ =	shalt  }
0x6b: {  	_ =	shalt  }
0x6c: {  	_ =	shalt  }
0x6d: {  	_ =	shalt  }
0x6e: {  	_ =	shalt  }
0x6f: {  	_ =	shalt  }
0x70: {  	_ =	shalt  }
0x71: {  	_ =	shalt  }
0x72: {  	_ =	shalt  }
0x73: {  	_ =	shalt  }
0x74: {  	_ =	shalt  }
0x75: {  	_ =	shalt  }
0x76: {  	_ =	shalt  }
0x77: {  	_ =	shalt  }
0x78: {  	_ =	shalt  }
0x79: {  	_ =	shalt  }
0x7a: {  	_ =	shalt  }
0x7b: {  	_ =	shalt  }
0x7c: {  	_ =	shalt  }
0x7d: {  	_ =	shalt  }
0x7e: {  	_ =	shalt  }
0x7f: {  	_ =	shalt  }
0x80: {  	_ =	shalt  }
0x81: {  	_ =	shalt  }
0x82: {  	_ =	shalt  }
0x83: {  	_ =	shalt  }
0x84: {  	_ =	shalt  }
0x85: {  	_ =	shalt  }
0x86: {  	_ =	shalt  }
0x87: {  	_ =	shalt  }
.Lfunc_end0:
.L_simem_size_0:
called_computation_lowered:
.L_overlay_start_0:
0x88: {  	s2 =	sld [smem:$0x3FD9]  }
0x89: {  	s3 =	sld [smem:$0x3FFE];
	_ =	sdelay $0x1  }
0x8a: {  	s1 =	srdreg.scid  }
0x8b: {  	s0 =	sand.u32 $0x1, s1  }
0x8c: {  	s17 =	sshll.u32 s0, $0xA;
	s2 =	sadd.s32 s3, s2  }
0x8d: {  	s2 =	sadd.s32 s2, s17  }
0x8e: {  	[smem:$0x3FC0] =	sst s2  }
0x8f: {  	_ = 	snop  }
0x90: {  	s2 =	sld [smem:$0x3FD0];
	(tm) =	ssettm $0x1  }
0x91: {  	s18 =	sld [smem:$0x3FFB];
	_ =	sdelay $0x3  }
0x92: {  	_ =	strace s18  }
0x93: {  	s3 =	sld [smem:$0x3FFC];
	_ =	sdelay $0x3  }
0x94: {  	_ =	strace s3  }
0x95: {  	s3 =	sld [smem:$0x3FFD];
	_ =	sdelay $0x3  }
0x96: {  	_ =	strace s3  }
0x97: {  	_ =	strace $0x8FFFFFFF  }
0x98: {  	s19 =	sld [smem:$0x3FDB];
	_ =	sdelay $0x1  }
0x99: {  	s4 =	simm.s32 $_scs_section_size  }
0x9a: {  	s5 =	simm.s32 $_size__tile_overlayer_lowered;
	s6 =	simm.s32 $_tile_overlayer_lowered  }
0x9b: {  	s22 =	simm.s32 $0x1BFF;
	s21 =	sshll.u32 s6, $0x1;
	s3 =	sadd.s32 s4, s19  }
0x9c: {  	s7 =	simm.s32 $0x0;
	s20 =	sshll.u32 s5, $0x1;
	s5 =	sadd.s32 s21, s3  }
0x9d: {  	[timem:s7], [sflag:s22] =	dma.local [hbm:s5], s20  }
0x9e: {  	_ =	swait.ge [sflag:s22], s20  }
0x9f: {  	s4 =	ssub.s32 $0x0, s20;
	[sflag:s22] =	ssyncset.done $0x0  }
0xa0: {  	[sflag:s22] =	ssyncadd.s32 s4;
	_ =	sdelay $0x1  }
0xa1: {  	s23 =	simm.s32 $0x1B8B  }
0xa2: {  	_ =	swait.ge [sflag:s23], $0x1  }
0xa3: {  	[sflag:s23] =	ssyncset.done $0x0  }
0xa4: {  	s25 =	simm.s32 $0x1B8E;
	s24 =	sld [smem:$0x3FFE];
	[sflag:s23] =	ssyncadd.s32 $0xFFFFFFFF  }
0xa5: {  	s26 =	simm.s32 $execute0_lowered;
	[smem:$0x3FD2] =	sst s25  }
0xa6: {  	s5 =	sshll.u32 s26, $0x1;
	_ =	strace $0x80000046;
	[dreg:$0x1] =	wrdreg $0xFFFFFFFF  }
0xa7: {  	s28 =	simm.s32 $_size_execute0_lowered;
	s3 =	sadd.s32 s3, s5;
	[dreg:$0x0] =	wrdreg $0x0  }
0xa8: {  	s5 =	sshll.u32 s28, $0x1;
	[dreg:$0x2] =	wrdreg s3  }
0xa9: {  	[dreg:$0x3] =	wrdreg s5  }
0xaa: {  	[dreg:$0x4] =	wrdreg $0xC0  }
0xab: {  	_ =	task [dreg:s7], $0x5FFFF  }
0xac: {  	[dreg:$0x1] =	wrdreg $0xFFFFFFFF  }
0xad: {  	[dreg:$0x0] =	wrdreg $0x60  }
0xae: {  	[dreg:$0x2] =	wrdreg s24  }
0xaf: {  	[dreg:$0x3] =	wrdreg s2  }
0xb0: {  	[dreg:$0x4] =	wrdreg $0x9  }
0xb1: {  	_ =	task.clear_ibuf [dreg:s7], $0x5FFFF;
	_ =	strace $0x90000046  }
0xb2: {  	s29 =	simm.s32 $0x9;
	_ =	strace $0x80000048  }
0xb3: {  	_ =	swait.ge [sflag:s29], $0x1  }
0xb4: {  	[sflag:s29] =	ssyncadd.s32 $0xFFFFFFFF  }
0xb5: {  	_ =	strace $0x90000048  }
0xb6: {  	_ =	sfence  }
0xb7: {  	s30 =	sld [smem:$0x0];
	_ =	sdelay $0x2  }
0xb8: {  	s31 =	sshll.u32 s1, $0xD;
	s1 =	sshrl.u32 s1, $0x2  }
0xb9: {  	s3 =	sand.u32 $0x4000, s31;
	s1 =	sadd.s32 s1, s30  }
0xba: {  	s0 =	sor.u32 s3, s0;
	s1 =	sshll.u32 s1, $0x11  }
0xbb: {  	s0 =	sor.u32 s1, s0  }
0xbc: {  	s0 =	sadd.s32 $0x8F2B, s0  }
0xbd: {  	[sflag:s0] =	ssyncadd.remote.s32 $0x1  }
0xbe: {  	_ =	sfence.sel $0xFFFF  }
0xbf: {  	[dreg:$0x0] =	wrdreg $0xFFFFFFFF;
	(pc) =	sbr.abs _section_cstart, $3  }
0xc0: {  	[dreg:$0x1] =	wrdreg $0xFFFFFFFF  }
0xc1: {  	_ =	task.clear_ibuf [dreg:s7], $0x2FFFF;
	_ =	strace $0x9FFFFFFF  }
0xc2: {  	(tm) =	ssettm $0x7FFFFFFF  }
0xc3: {  	_ =	shalt  }
tec
execute0_lowered:
.L_overlay_start_1:
0x0: {  	(tag) =	ssettag $0x1  }
0x1: {  	s0 =	rddreg [dreg:$0x0]  }
0x2: {  	s1 =	rddreg [dreg:$0x1];
	s3 =	simm.s32 $0x0;
	s2 =	srdreg.scid  }
0x3: {  	s8 =	stileid.u32;
	s10 =	simm.s32 $0x2;
	s11 =	simm.s32 $0x80  }
0x4: {  	s28 =	simm.s32 $0x5000;
	s29 =	simm.s32 $0x480;
	s30 =	simm.s32 $0x5800  }
0x5: {  	s31 =	simm.s32 $0x500;
	s9 =	simm.s32 $0x6800;
	s12 =	simm.s32 $0x680  }
0x6: {  	s13 =	simm.s32 $0x7800;
	s14 =	simm.s32 $0x8000;
	s15 =	simm.s32 $0x780  }
0x7: {  	s16 =	simm.s32 $0x8800;
	s17 =	simm.s32 $0x1;
	s18 =	simm.s32 $0x9000  }
0x8: {  	s20 =	simm.s32 $0x0;
	[smem:$0x7FF] =	sst s3;
	s2 =	sand.u32 $0x1, s2  }
0x9: {  	s3 =	sadd.s32 $0x101400, s0;
	s4 =	sadd.s32 $0x27AD800, s0;
	s5 =	sadd.s32 $0x1400, s0  }
0xa: {  	s25 =	sshll.u32 s8, $0x6;
	s26 =	sshll.u32 s8, $0xF;
	s6 =	ssub.s32 $0x2, s2  }
0xb: {  	s8 =	simm.s32 $0x7000;
	_ =	strace $0x80000047;
	s7 =	sshrl.u32 s6, $0x1  }
0xc: {  	s2 =	sshll.u32 s2, $0xE;
	s24 =	ssub.s32 s6, s7;
	s6 =	sand.u32 $0x300, s25  }
0xd: {  	s7 =	sor.u32 s2, s26;
	s25 =	simm.s32 $0x4800;
	s26 =	simm.s32 $0x400  }
0xe: {  	s2 =	simm.s32 $0x580;
	s1 =	sadd.s32 s1, s6;
	s0 =	smax.u32 s24, $0x1  }
0xf: {  	s24 =	simm.s32 $0x380;
	s6 =	simm.s32 $0x600;
	[dreg:$0x3] =	wrdreg s1  }
0x10: {  	[dreg:$0x4] =	wrdreg s0;
	s0 =	simm.s32 $0x6000;
	s1 =	simm.s32 $0x700  }
.LBB2_1:
0x11: {  	[dreg:$0x5] =	wrdreg s20  }
0x12: {  	s19 =	simm.s32 $0x0;
	s23 =	rddreg [dreg:$0x3];
	s21 =	simm.s32 $0x800  }
0x13: {  	[tilespmem:s21], [sflag:$0x2] =	stream.linear.gather [hbm4b:s23+s19], $0x800, $0x38;
	[tilespmem:$0x11000] =	vst v63  }
0x14: {  	_ =	swait.ge [sflag:s10], $0x800  }
0x15: {  	[sflag:s10] =	ssyncset.done $0x0  }
0x16: {  	s19 =	simm.s32 $0x0;
	[sflag:s10] =	ssyncadd.s32 $0xFFFFF800  }
.LBB2_2:
0x17: {  	s20 =	sshll.u32 s19, $0xB  }
0x18: {  	s20 =	sadd.s32 s7, s20  }
0x19: {  	s21 =	sshrl.u32 s20, $0x3  }
0x1a: {  	s22 =	sadd.s32 s3, s21;
	s21 =	simm.s32 $0x0  }
0x1b: {  	[tilespmem:s21], [sflag:$0x2] =	stream.linear.gather [hbm4b:s22+s21], $0x800, $0x38;
	[tilespmem:$0x11000] =	vst v63  }
0x1c: {  	_ =	swait.ge [sflag:s10], $0x800  }
0x1d: {  	[sflag:s10] =	ssyncset.done $0x0  }
0x1e: {  	[sflag:s10] =	ssyncadd.s32 $0xFFFFF800  }
0x1f: {  	v63 =	vld [tilespmem:$0x200];
	_ =	sdelay $0x4  }
0x20: {  	[tilespmem:$0x1FAE0] =	vst v63;
	v63 =	vld [tilespmem:$0xA00];
	_ =	sdelay $0x4  }
0x21: {  	[tilespmem:$0x1FAF0] =	vst v63;
	v63 =	vld [tilespmem:$0x210];
	_ =	sdelay $0x4  }
0x22: {  	[tilespmem:$0x1FB00] =	vst v63;
	v63 =	vld [tilespmem:$0xA10];
	_ =	sdelay $0x4  }
0x23: {  	[tilespmem:$0x1FB10] =	vst v63;
	v63 =	vld [tilespmem:$0x220];
	_ =	sdelay $0x4  }
0x24: {  	[tilespmem:$0x1FB20] =	vst v63;
	v63 =	vld [tilespmem:$0xA20];
	_ =	sdelay $0x4  }
0x25: {  	[tilespmem:$0x1FB30] =	vst v63;
	v63 =	vld [tilespmem:$0x230];
	_ =	sdelay $0x1  }
0x26: {  	v2 =	vld [tilespmem:$0x0]  }
0x27: {  	v0 =	vld [tilespmem:$0x800]  }
0x28: {  	v4 =	vld [tilespmem:$0x10]  }
0x29: {  	[tilespmem:$0x1FB40] =	vst v63;
	v63 =	vld [tilespmem:$0xA30]  }
0x2a: {  	v1 =	vld [tilespmem:$0x810]  }
0x2b: {  	v6 =	vld [tilespmem:$0x20]  }
0x2c: {  	v3 =	vld [tilespmem:$0x820]  }
0x2d: {  	v8 =	vld [tilespmem:$0x30]  }
0x2e: {  	[tilespmem:$0x1FB50] =	vst v63;
	v63 =	vld [tilespmem:$0x240]  }
0x2f: {  	v5 =	vld [tilespmem:$0x830]  }
0x30: {  	v10 =	vld [tilespmem:$0x40]  }
0x31: {  	v7 =	vld [tilespmem:$0x840]  }
0x32: {  	v12 =	vld [tilespmem:$0x50]  }
0x33: {  	[tilespmem:$0x1FB60] =	vst v63;
	v63 =	vld [tilespmem:$0xA40]  }
0x34: {  	v9 =	vld [tilespmem:$0x850]  }
0x35: {  	v14 =	vld [tilespmem:$0x60]  }
0x36: {  	v11 =	vld [tilespmem:$0x860]  }
0x37: {  	v16 =	vld [tilespmem:$0x70]  }
0x38: {  	[tilespmem:$0x1FB70] =	vst v63;
	v63 =	vld [tilespmem:$0x250]  }
0x39: {  	v13 =	vld [tilespmem:$0x870]  }
0x3a: {  	v18 =	vld [tilespmem:$0x80]  }
0x3b: {  	v15 =	vld [tilespmem:$0x880]  }
0x3c: {  	v20 =	vld [tilespmem:$0x90]  }
0x3d: {  	[tilespmem:$0x1FB80] =	vst v63;
	v63 =	vld [tilespmem:$0xA50]  }
0x3e: {  	v17 =	vld [tilespmem:$0x890]  }
0x3f: {  	v22 =	vld [tilespmem:$0xA0]  }
0x40: {  	v19 =	vld [tilespmem:$0x8A0]  }
0x41: {  	v24 =	vld [tilespmem:$0xB0]  }
0x42: {  	[tilespmem:$0x1FB90] =	vst v63;
	v63 =	vld [tilespmem:$0x260]  }
0x43: {  	v21 =	vld [tilespmem:$0x8B0]  }
0x44: {  	v26 =	vld [tilespmem:$0xC0]  }
0x45: {  	v23 =	vld [tilespmem:$0x8C0]  }
0x46: {  	v28 =	vld [tilespmem:$0xD0]  }
0x47: {  	[tilespmem:$0x1FBA0] =	vst v63;
	v63 =	vld [tilespmem:$0xA60]  }
0x48: {  	v25 =	vld [tilespmem:$0x8D0]  }
0x49: {  	v60 =	vld [tilespmem:$0xE0]  }
0x4a: {  	v27 =	vld [tilespmem:$0x8E0]  }
0x4b: {  	v61 =	vld [tilespmem:$0xF0]  }
0x4c: {  	[tilespmem:$0x1FBB0] =	vst v63;
	v63 =	vld [tilespmem:$0x270]  }
0x4d: {  	v29 =	vld [tilespmem:$0x8F0]  }
0x4e: {  	v46 =	vld [tilespmem:$0x100]  }
0x4f: {  	v30 =	vld [tilespmem:$0x900]  }
0x50: {  	v47 =	vld [tilespmem:$0x110]  }
0x51: {  	[tilespmem:$0x1FBC0] =	vst v63;
	v63 =	vld [tilespmem:$0xA70]  }
0x52: {  	v31 =	vld [tilespmem:$0x910]  }
0x53: {  	v38 =	vld [tilespmem:$0x120]  }
0x54: {  	v32 =	vld [tilespmem:$0x920]  }
0x55: {  	v35 =	vld [tilespmem:$0x130]  }
0x56: {  	[tilespmem:$0x1FBD0] =	vst v63;
	v63 =	vld [tilespmem:$0x280]  }
0x57: {  	v33 =	vld [tilespmem:$0x930]  }
0x58: {  	v37 =	vld [tilespmem:$0x140]  }
0x59: {  	v34 =	vld [tilespmem:$0x940]  }
0x5a: {  	v39 =	vld [tilespmem:$0x150]  }
0x5b: {  	[tilespmem:$0x1FBE0] =	vst v63;
	v63 =	vld [tilespmem:$0xA80]  }
0x5c: {  	v36 =	vld [tilespmem:$0x950]  }
0x5d: {  	v42 =	vld [tilespmem:$0x160]  }
0x5e: {  	v40 =	vld [tilespmem:$0x960]  }
0x5f: {  	v44 =	vld [tilespmem:$0x170]  }
0x60: {  	[tilespmem:$0x1FBF0] =	vst v63;
	v63 =	vld [tilespmem:$0x290]  }
0x61: {  	v41 =	vld [tilespmem:$0x970]  }
0x62: {  	v48 =	vld [tilespmem:$0x180]  }
0x63: {  	v43 =	vld [tilespmem:$0x980]  }
0x64: {  	v49 =	vld [tilespmem:$0x190]  }
0x65: {  	[tilespmem:$0x1FC00] =	vst v63;
	v63 =	vld [tilespmem:$0xA90]  }
0x66: {  	v45 =	vld [tilespmem:$0x990]  }
0x67: {  	v52 =	vld [tilespmem:$0x1A0]  }
0x68: {  	v50 =	vld [tilespmem:$0x9A0]  }
0x69: {  	v54 =	vld [tilespmem:$0x1B0]  }
0x6a: {  	[tilespmem:$0x1FC10] =	vst v63;
	v63 =	vld [tilespmem:$0x2A0]  }
0x6b: {  	v51 =	vld [tilespmem:$0x9B0]  }
0x6c: {  	v56 =	vld [tilespmem:$0x1C0]  }
0x6d: {  	v53 =	vld [tilespmem:$0x9C0]  }
0x6e: {  	v59 =	vld [tilespmem:$0x1F0]  }
0x6f: {  	[tilespmem:$0x1FC20] =	vst v63;
	v63 =	vld [tilespmem:$0xAA0]  }
0x70: {  	v58 =	vld [tilespmem:$0x1D0]  }
0x71: {  	v55 =	vld [tilespmem:$0x9D0]  }
0x72: {  	v62 =	vld [tilespmem:$0x1E0]  }
0x73: {  	v57 =	vld [tilespmem:$0x9E0];
	[tilespmem:$0x1FAD0] =	vst v59  }
0x74: {  	v59 =	vld [tilespmem:$0x9F0];
	[tilespmem:$0x1FC30] =	vst v63  }
0x75: {  	v63 =	vld [tilespmem:$0x2B0];
	_ =	sdelay $0x4  }
0x76: {  	[tilespmem:$0x1FC40] =	vst v63;
	v63 =	vld [tilespmem:$0xAB0];
	_ =	sdelay $0x4  }
0x77: {  	[tilespmem:$0x1FC50] =	vst v63;
	v63 =	vld [tilespmem:$0x2C0];
	_ =	sdelay $0x4  }
0x78: {  	[tilespmem:$0x1FC60] =	vst v63;
	v63 =	vld [tilespmem:$0xAC0];
	_ =	sdelay $0x4  }
0x79: {  	[tilespmem:$0x1FC70] =	vst v63;
	v63 =	vld [tilespmem:$0x2D0];
	_ =	sdelay $0x4  }
0x7a: {  	[tilespmem:$0x1FC80] =	vst v63;
	v63 =	vld [tilespmem:$0xAD0];
	_ =	sdelay $0x4  }
0x7b: {  	[tilespmem:$0x1FC90] =	vst v63;
	v63 =	vld [tilespmem:$0x2E0];
	_ =	sdelay $0x4  }
0x7c: {  	[tilespmem:$0x1FCA0] =	vst v63;
	v63 =	vld [tilespmem:$0xAE0];
	_ =	sdelay $0x4  }
0x7d: {  	[tilespmem:$0x1FCB0] =	vst v63;
	v63 =	vld [tilespmem:$0x2F0]  }
0x7e: {  	v0 =	vadd.s32 v2, v0  }
0x7f: {  	v2 =	vadd.s32 v54, v51;
	[tilespmem:$0x0] =	vst v0;
	v0 =	vadd.s32 v4, v1;
	v1 =	vld [tilespmem:$0x430]  }
0x80: {  	[tilespmem:$0x1B0] =	vst v2;
	v2 =	vld [tilespmem:$0xD00]  }
0x81: {  	v54 =	vld [tilespmem:$0x1FAE0]  }
0x82: {  	[tilespmem:$0x1FCC0] =	vst v63;
	v63 =	vld [tilespmem:$0xAF0]  }
0x83: {  	v4 =	vadd.s32 v58, v55;
	v55 =	vld [tilespmem:$0x1FAF0]  }
0x84: {  	v58 =	vld [tilespmem:$0x1FB20]  }
0x85: {  	[tilespmem:$0x10] =	vst v0;
	v0 =	vadd.s32 v6, v3;
	v6 =	vld [tilespmem:$0xCE0]  }
0x86: {  	[tilespmem:$0x1D0] =	vst v4;
	v4 =	vld [tilespmem:$0xD10]  }
0x87: {  	[tilespmem:$0x1FCD0] =	vst v63;
	v63 =	vld [tilespmem:$0x300]  }
0x88: {  	v3 =	vadd.s32 v56, v53;
	v56 =	vld [tilespmem:$0x1FB00]  }
0x89: {  	[tilespmem:$0x1C0] =	vst v3;
	v3 =	vld [tilespmem:$0x510]  }
0x8a: {  	[tilespmem:$0x20] =	vst v0;
	v0 =	vadd.s32 v8, v5;
	v8 =	vld [tilespmem:$0xD20]  }
0x8b: {  	v5 =	vadd.s32 v62, v57;
	v57 =	vld [tilespmem:$0x1FB10];
	[tilespmem:$0x30] =	vst v0  }
0x8c: {  	[tilespmem:$0x1FCE0] =	vst v63;
	v63 =	vld [tilespmem:$0xB00]  }
0x8d: {  	v62 =	vld [tilespmem:$0x1FB40];
	v0 =	vadd.s32 v10, v7;
	[tilespmem:$0x1E0] =	vst v5  }
0x8e: {  	v7 =	vld [tilespmem:$0x4F0];
	[tilespmem:$0x40] =	vst v0  }
0x8f: {  	v5 =	vld [tilespmem:$0x1FAD0];
	v0 =	vadd.s32 v12, v9;
	[tilespmem:$0x1FF30] =	vst v1  }
0x90: {  	v1 =	vld [tilespmem:$0xC30];
	[tilespmem:$0x50] =	vst v0  }
0x91: {  	v9 =	vadd.s32 v54, v55;
	[tilespmem:$0x1FCF0] =	vst v63;
	v63 =	vld [tilespmem:$0x310]  }
0x92: {  	v0 =	vadd.s32 v14, v11;
	[tilespmem:$0x200] =	vst v9;
	v9 =	vld [tilespmem:$0x530]  }
0x93: {  	[tilespmem:$0x60] =	vst v0;
	v0 =	vadd.s32 v16, v13;
	v16 =	vld [tilespmem:$0x1FB50]  }
0x94: {  	[tilespmem:$0x70] =	vst v0;
	v0 =	vadd.s32 v18, v15;
	v18 =	vld [tilespmem:$0xCD0]  }
0x95: {  	v15 =	vld [tilespmem:$0x4E0]  }
0x96: {  	[tilespmem:$0x1FD00] =	vst v63;
	v63 =	vld [tilespmem:$0xB10]  }
0x97: {  	v53 =	vadd.s32 v5, v59;
	v5 =	vld [tilespmem:$0x520]  }
0x98: {  	v10 =	vadd.s32 v56, v57;
	v59 =	vld [tilespmem:$0x1FB30]  }
0x99: {  	[tilespmem:$0x210] =	vst v10;
	v10 =	vld [tilespmem:$0xD30]  }
0x9a: {  	[tilespmem:$0x80] =	vst v0;
	v0 =	vadd.s32 v20, v17;
	v17 =	vld [tilespmem:$0x1FB60]  }
0x9b: {  	[tilespmem:$0x1FD10] =	vst v63;
	v63 =	vld [tilespmem:$0x320]  }
0x9c: {  	v20 =	vld [tilespmem:$0x1FB80]  }
0x9d: {  	[tilespmem:$0x90] =	vst v0;
	v0 =	vadd.s32 v22, v19;
	v19 =	vld [tilespmem:$0x1FB70]  }
0x9e: {  	v22 =	vld [tilespmem:$0x1FBA0]  }
0x9f: {  	[tilespmem:$0x1FF40] =	vst v1;
	v1 =	vld [tilespmem:$0x440]  }
0xa0: {  	[tilespmem:$0x1FD20] =	vst v63;
	v63 =	vld [tilespmem:$0xB20]  }
0xa1: {  	[tilespmem:$0xA0] =	vst v0;
	v0 =	vadd.s32 v24, v21;
	v21 =	vld [tilespmem:$0x1FB90]  }
0xa2: {  	v24 =	vld [tilespmem:$0x1FBC0]  }
0xa3: {  	[tilespmem:$0xB0] =	vst v0;
	v0 =	vadd.s32 v26, v23;
	v26 =	vld [tilespmem:$0xCC0]  }
0xa4: {  	v23 =	vld [tilespmem:$0x1FBB0]  }
0xa5: {  	v12 =	vadd.s32 v62, v16;
	[tilespmem:$0x1FD30] =	vst v63;
	v63 =	vld [tilespmem:$0x330]  }
0xa6: {  	[tilespmem:$0x230] =	vst v12;
	v12 =	vld [tilespmem:$0xD40]  }
0xa7: {  	[tilespmem:$0xC0] =	vst v0;
	v0 =	vadd.s32 v28, v25;
	v25 =	vld [tilespmem:$0x1FBD0]  }
0xa8: {  	v28 =	vld [tilespmem:$0x1FBE0]  }
0xa9: {  	v6 =	vadd.s32 v15, v6;
	v15 =	vld [tilespmem:$0xE90]  }
0xaa: {  	[tilespmem:$0x1FD40] =	vst v63;
	v63 =	vld [tilespmem:$0xB30]  }
0xab: {  	[tilespmem:$0xD0] =	vst v0;
	v0 =	vadd.s32 v60, v27;
	v60 =	vld [tilespmem:$0xC90]  }
0xac: {  	v27 =	vld [tilespmem:$0x4D0]  }
0xad: {  	[tilespmem:$0x4E0] =	vst v6;
	v6 =	vld [tilespmem:$0x6A0]  }
0xae: {  	[tilespmem:$0xE0] =	vst v0;
	v0 =	vadd.s32 v61, v29;
	v61 =	vld [tilespmem:$0x4A0]  }
0xaf: {  	v11 =	vadd.s32 v58, v59;
	[tilespmem:$0x1FD50] =	vst v63;
	v63 =	vld [tilespmem:$0x340]  }
0xb0: {  	[tilespmem:$0x220] =	vst v11;
	v11 =	vld [tilespmem:$0x540]  }
0xb1: {  	v29 =	vld [tilespmem:$0x1FBF0]  }
0xb2: {  	[tilespmem:$0x1FF50] =	vst v1;
	v1 =	vld [tilespmem:$0xC40]  }
0xb3: {  	[tilespmem:$0xF0] =	vst v0;
	v0 =	vadd.s32 v46, v30;
	v46 =	vld [tilespmem:$0xCA0]  }
0xb4: {  	v13 =	vadd.s32 v17, v19;
	[tilespmem:$0x1FD60] =	vst v63;
	v63 =	vld [tilespmem:$0xB40]  }
0xb5: {  	[tilespmem:$0x240] =	vst v13;
	v13 =	vld [tilespmem:$0x550]  }
0xb6: {  	v30 =	vld [tilespmem:$0x1FC00]  }
0xb7: {  	v14 =	vadd.s32 v20, v21;
	[tilespmem:$0x100] =	vst v0;
	v0 =	vadd.s32 v47, v31;
	v47 =	vld [tilespmem:$0x4B0]  }
0xb8: {  	[tilespmem:$0x250] =	vst v14;
	v14 =	vld [tilespmem:$0xD50]  }
0xb9: {  	[tilespmem:$0x1FD70] =	vst v63;
	v63 =	vld [tilespmem:$0x350]  }
0xba: {  	v31 =	vld [tilespmem:$0x1FC10]  }
0xbb: {  	v16 =	vadd.s32 v22, v23;
	[tilespmem:$0x110] =	vst v0;
	v0 =	vadd.s32 v38, v32;
	v38 =	vld [tilespmem:$0xCB0]  }
0xbc: {  	[tilespmem:$0x260] =	vst v16;
	v16 =	vld [tilespmem:$0x560]  }
0xbd: {  	v32 =	vld [tilespmem:$0x1FC20]  }
0xbe: {  	[tilespmem:$0x1FD80] =	vst v63;
	v63 =	vld [tilespmem:$0xB50]  }
0xbf: {  	v17 =	vadd.s32 v24, v25;
	v25 =	vld [tilespmem:$0xD90]  }
0xc0: {  	[tilespmem:$0x120] =	vst v0;
	v0 =	vadd.s32 v35, v33;
	v35 =	vld [tilespmem:$0x4C0]  }
0xc1: {  	[tilespmem:$0x270] =	vst v17;
	v17 =	vld [tilespmem:$0xD60]  }
0xc2: {  	v33 =	vld [tilespmem:$0x1FC30]  }
0xc3: {  	[tilespmem:$0x1FD90] =	vst v63;
	v63 =	vld [tilespmem:$0x360]  }
0xc4: {  	[tilespmem:$0x1FF60] =	vst v1;
	v1 =	vld [tilespmem:$0x450]  }
0xc5: {  	[tilespmem:$0x130] =	vst v0;
	v0 =	vadd.s32 v37, v34;
	v34 =	vld [tilespmem:$0x1FC40]  }
0xc6: {  	v37 =	vld [tilespmem:$0x1FC60]  }
0xc7: {  	v19 =	vadd.s32 v28, v29;
	v28 =	vld [tilespmem:$0x5A0]  }
0xc8: {  	[tilespmem:$0x1FDA0] =	vst v63;
	v63 =	vld [tilespmem:$0xB60]  }
0xc9: {  	[tilespmem:$0x1FF70] =	vst v1;
	v1 =	vld [tilespmem:$0xC50]  }
0xca: {  	v29 =	vld [tilespmem:$0xDA0]  }
0xcb: {  	[tilespmem:$0x280] =	vst v19;
	v19 =	vld [tilespmem:$0x570]  }
0xcc: {  	[tilespmem:$0x140] =	vst v0;
	v0 =	vadd.s32 v39, v36;
	v36 =	vld [tilespmem:$0x1FC50]  }
0xcd: {  	[tilespmem:$0x1FDB0] =	vst v63;
	v63 =	vld [tilespmem:$0x370]  }
0xce: {  	[tilespmem:$0x1FF80] =	vst v1;
	v1 =	vld [tilespmem:$0x460]  }
0xcf: {  	v39 =	vld [tilespmem:$0x1FC70]  }
0xd0: {  	[tilespmem:$0x150] =	vst v0;
	v0 =	vadd.s32 v42, v40;
	v20 =	vadd.s32 v30, v31;
	v30 =	vld [tilespmem:$0x5B0]  }
0xd1: {  	v31 =	vld [tilespmem:$0xDB0];
	[tilespmem:$0x160] =	vst v0  }
0xd2: {  	[tilespmem:$0x1FDC0] =	vst v63;
	v63 =	vld [tilespmem:$0xB70]  }
0xd3: {  	[tilespmem:$0x1FF90] =	vst v1;
	v1 =	vld [tilespmem:$0xC60]  }
0xd4: {  	v0 =	vadd.s32 v44, v41;
	[tilespmem:$0x290] =	vst v20;
	v20 =	vld [tilespmem:$0xD70]  }
0xd5: {  	[tilespmem:$0x170] =	vst v0;
	v0 =	vadd.s32 v48, v43;
	v21 =	vadd.s32 v32, v33;
	v32 =	vld [tilespmem:$0x5C0]  }
0xd6: {  	v33 =	vld [tilespmem:$0xDC0];
	[tilespmem:$0x180] =	vst v0  }
0xd7: {  	[tilespmem:$0x1FDD0] =	vst v63;
	v63 =	vld [tilespmem:$0x380]  }
0xd8: {  	[tilespmem:$0x1FFA0] =	vst v1;
	v1 =	vld [tilespmem:$0x470]  }
0xd9: {  	v0 =	vadd.s32 v49, v45;
	[tilespmem:$0x2A0] =	vst v21;
	v21 =	vld [tilespmem:$0x580]  }
0xda: {  	[tilespmem:$0x190] =	vst v0;
	v0 =	vld [tilespmem:$0xCF0]  }
0xdb: {  	v22 =	vadd.s32 v34, v36;
	v34 =	vld [tilespmem:$0x5D0]  }
0xdc: {  	[tilespmem:$0x1FDE0] =	vst v63;
	v63 =	vld [tilespmem:$0xB80]  }
0xdd: {  	[tilespmem:$0x1FFB0] =	vst v1;
	v1 =	vld [tilespmem:$0xC70]  }
0xde: {  	v36 =	vld [tilespmem:$0xDD0]  }
0xdf: {  	[tilespmem:$0x2B0] =	vst v22;
	v22 =	vld [tilespmem:$0xD80]  }
0xe0: {  	v40 =	vld [tilespmem:$0x1FC80]  }
0xe1: {  	[tilespmem:$0x1FDF0] =	vst v63;
	v63 =	vld [tilespmem:$0x390]  }
0xe2: {  	[tilespmem:$0x1FFC0] =	vst v1;
	v1 =	vld [tilespmem:$0x480]  }
0xe3: {  	v23 =	vadd.s32 v37, v39;
	v37 =	vld [tilespmem:$0x5E0]  }
0xe4: {  	v39 =	vld [tilespmem:$0xDE0]  }
0xe5: {  	[tilespmem:$0x2C0] =	vst v23;
	v23 =	vld [tilespmem:$0x590]  }
0xe6: {  	[tilespmem:$0x1FE00] =	vst v63;
	v63 =	vld [tilespmem:$0xB90]  }
0xe7: {  	[tilespmem:$0x1FFD0] =	vst v1;
	v1 =	vld [tilespmem:$0xC80]  }
0xe8: {  	v41 =	vld [tilespmem:$0x1FC90]  }
0xe9: {  	v42 =	vld [tilespmem:$0x1FCA0]  }
0xea: {  	v43 =	vld [tilespmem:$0x1FCB0]  }
0xeb: {  	[tilespmem:$0x1FE10] =	vst v63;
	v63 =	vld [tilespmem:$0x3A0]  }
0xec: {  	[tilespmem:$0x1FFE0] =	vst v1;
	v1 =	vld [tilespmem:$0x490]  }
0xed: {  	v44 =	vld [tilespmem:$0x1FCC0]  }
0xee: {  	v45 =	vld [tilespmem:$0x1FCD0]  }
0xef: {  	[tilespmem:$0x1F0] =	vst v53;
	v48 =	vld [tilespmem:$0x1FCE0]  }
0xf0: {  	[tilespmem:$0x1FE20] =	vst v63;
	v63 =	vld [tilespmem:$0xBA0]  }
0xf1: {  	v49 =	vld [tilespmem:$0x1FCF0];
	[tilespmem:$0x1FFF0] =	vst v1;
	v1 =	vadd.s32 v52, v50  }
0xf2: {  	v0 =	vadd.s32 v7, v0;
	[tilespmem:$0x1A0] =	vst v1;
	v1 =	vld [tilespmem:$0x500]  }
0xf3: {  	v7 =	vld [tilespmem:$0x6D0];
	[tilespmem:$0x4F0] =	vst v0;
	v24 =	vadd.s32 v40, v41  }
0xf4: {  	[tilespmem:$0x2D0] =	vst v24;
	v50 =	vld [tilespmem:$0x1FD00]  }
0xf5: {  	v24 =	vadd.s32 v42, v43;
	[tilespmem:$0x1FE30] =	vst v63;
	v63 =	vld [tilespmem:$0x3B0]  }
0xf6: {  	[tilespmem:$0x2E0] =	vst v24;
	v24 =	vadd.s32 v44, v45;
	v51 =	vld [tilespmem:$0x1FD10]  }
0xf7: {  	[tilespmem:$0x2F0] =	vst v24;
	v24 =	vadd.s32 v48, v49;
	v0 =	vadd.s32 v1, v2;
	v1 =	vld [tilespmem:$0xEA0]  }
0xf8: {  	[tilespmem:$0x300] =	vst v24;
	v2 =	vld [tilespmem:$0x6B0]  }
0xf9: {  	[tilespmem:$0x500] =	vst v0;
	v0 =	vadd.s32 v3, v4;
	v3 =	vld [tilespmem:$0xEB0]  }
0xfa: {  	[tilespmem:$0x1FE40] =	vst v63;
	v63 =	vld [tilespmem:$0xBB0]  }
0xfb: {  	v4 =	vld [tilespmem:$0x6C0];
	[tilespmem:$0x510] =	vst v0;
	v0 =	vadd.s32 v5, v8  }
0xfc: {  	v5 =	vld [tilespmem:$0xEC0];
	[tilespmem:$0x520] =	vst v0;
	v0 =	vadd.s32 v9, v10  }
0xfd: {  	v8 =	vld [tilespmem:$0xED0];
	[tilespmem:$0x530] =	vst v0;
	v0 =	vadd.s32 v11, v12  }
0xfe: {  	v52 =	vld [tilespmem:$0x1FD20];
	[tilespmem:$0x540] =	vst v0  }
0xff: {  	v24 =	vadd.s32 v50, v51;
	[tilespmem:$0x1FE50] =	vst v63;
	v63 =	vld [tilespmem:$0x3C0]  }
0x100: {  	v0 =	vadd.s32 v13, v14;
	[tilespmem:$0x310] =	vst v24;
	v53 =	vld [tilespmem:$0x1FD30]  }
0x101: {  	[tilespmem:$0x550] =	vst v0;
	v0 =	vadd.s32 v16, v17;
	v54 =	vld [tilespmem:$0x1FD40]  }
0x102: {  	[tilespmem:$0x560] =	vst v0;
	v0 =	vadd.s32 v19, v20;
	v55 =	vld [tilespmem:$0x1FD50]  }
0x103: {  	[tilespmem:$0x570] =	vst v0;
	v56 =	vld [tilespmem:$0x1FD60]  }
0x104: {  	v0 =	vadd.s32 v21, v22;
	[tilespmem:$0x1FE60] =	vst v63;
	v63 =	vld [tilespmem:$0xBC0]  }
0x105: {  	[tilespmem:$0x580] =	vst v0;
	v0 =	vadd.s32 v23, v25;
	v57 =	vld [tilespmem:$0x1FD70]  }
0x106: {  	[tilespmem:$0x590] =	vst v0;
	v0 =	vadd.s32 v28, v29;
	v58 =	vld [tilespmem:$0x1FD80]  }
0x107: {  	[tilespmem:$0x5A0] =	vst v0;
	v0 =	vadd.s32 v30, v31;
	v59 =	vld [tilespmem:$0x1FD90]  }
0x108: {  	[tilespmem:$0x5B0] =	vst v0;
	v62 =	vld [tilespmem:$0x1FDA0]  }
0x109: {  	v0 =	vadd.s32 v32, v33;
	[tilespmem:$0x1FE70] =	vst v63;
	v63 =	vld [tilespmem:$0x3D0]  }
0x10a: {  	[tilespmem:$0x5C0] =	vst v0;
	v24 =	vadd.s32 v52, v53;
	v40 =	vld [tilespmem:$0x1FDB0]  }
0x10b: {  	[tilespmem:$0x320] =	vst v24;
	v24 =	vadd.s32 v54, v55;
	v41 =	vld [tilespmem:$0x1FDC0]  }
0x10c: {  	[tilespmem:$0x330] =	vst v24;
	v24 =	vadd.s32 v56, v57;
	v42 =	vld [tilespmem:$0x1FDD0]  }
0x10d: {  	v0 =	vadd.s32 v34, v36;
	v36 =	vld [tilespmem:$0x710];
	[tilespmem:$0x340] =	vst v24  }
0x10e: {  	v24 =	vadd.s32 v58, v59;
	[tilespmem:$0x1FE80] =	vst v63;
	v63 =	vld [tilespmem:$0xBD0]  }
0x10f: {  	[tilespmem:$0x350] =	vst v24;
	v24 =	vadd.s32 v62, v40;
	v40 =	vld [tilespmem:$0x5F0]  }
0x110: {  	v43 =	vld [tilespmem:$0x1FDE0]  }
0x111: {  	[tilespmem:$0x360] =	vst v24;
	v24 =	vadd.s32 v41, v42;
	v41 =	vld [tilespmem:$0xDF0]  }
0x112: {  	v44 =	vld [tilespmem:$0x1FDF0]  }
0x113: {  	[tilespmem:$0x1FE90] =	vst v63;
	v63 =	vld [tilespmem:$0x3E0]  }
0x114: {  	[tilespmem:$0x5D0] =	vst v0;
	v0 =	vadd.s32 v37, v39;
	v39 =	vld [tilespmem:$0xF10]  }
0x115: {  	v42 =	vld [tilespmem:$0x600]  }
0x116: {  	[tilespmem:$0x5E0] =	vst v0;
	v0 =	vadd.s32 v40, v41;
	v41 =	vld [tilespmem:$0x720]  }
0x117: {  	[tilespmem:$0x370] =	vst v24;
	v24 =	vadd.s32 v43, v44;
	v43 =	vld [tilespmem:$0xE00]  }
0x118: {  	[tilespmem:$0x1FEA0] =	vst v63;
	v63 =	vld [tilespmem:$0xBE0]  }
0x119: {  	v45 =	vld [tilespmem:$0x1FE00]  }
0x11a: {  	v48 =	vld [tilespmem:$0x1FE10]  }
0x11b: {  	v44 =	vld [tilespmem:$0x610]  }
0x11c: {  	[tilespmem:$0x5F0] =	vst v0;
	v0 =	vadd.s32 v42, v43;
	v43 =	vld [tilespmem:$0xF20]  }
0x11d: {  	[tilespmem:$0x1FEB0] =	vst v63;
	v63 =	vld [tilespmem:$0x3F0]  }
0x11e: {  	v49 =	vld [tilespmem:$0x1FE20]  }
0x11f: {  	[tilespmem:$0x380] =	vst v24;
	v24 =	vadd.s32 v45, v48;
	v45 =	vld [tilespmem:$0xE10]  }
0x120: {  	v50 =	vld [tilespmem:$0x1FE30]  }
0x121: {  	v48 =	vld [tilespmem:$0x620]  }
0x122: {  	[tilespmem:$0x1FEC0] =	vst v63;
	v63 =	vld [tilespmem:$0xBF0]  }
0x123: {  	v51 =	vld [tilespmem:$0x1FE40]  }
0x124: {  	v52 =	vld [tilespmem:$0x1FE50]  }
0x125: {  	[tilespmem:$0x390] =	vst v24;
	v24 =	vadd.s32 v49, v50;
	v49 =	vld [tilespmem:$0xE20]  }
0x126: {  	v50 =	vld [tilespmem:$0x630]  }
0x127: {  	[tilespmem:$0x1FED0] =	vst v63;
	v63 =	vld [tilespmem:$0x400]  }
0x128: {  	v53 =	vld [tilespmem:$0x1FE60]  }
0x129: {  	[tilespmem:$0x3A0] =	vst v24;
	v24 =	vadd.s32 v51, v52;
	v51 =	vld [tilespmem:$0xE30]  }
0x12a: {  	v54 =	vld [tilespmem:$0x1FE70]  }
0x12b: {  	v55 =	vld [tilespmem:$0x1FE80]  }
0x12c: {  	[tilespmem:$0x1FEE0] =	vst v63;
	v63 =	vld [tilespmem:$0xC00]  }
0x12d: {  	v56 =	vld [tilespmem:$0x1FE90]  }
0x12e: {  	[tilespmem:$0x600] =	vst v0;
	v0 =	vadd.s32 v44, v45;
	v57 =	vld [tilespmem:$0x1FEA0]  }
0x12f: {  	[tilespmem:$0x610] =	vst v0;
	v0 =	vadd.s32 v48, v49;
	v58 =	vld [tilespmem:$0x1FEB0]  }
0x130: {  	v49 =	vld [tilespmem:$0xF30];
	[tilespmem:$0x620] =	vst v0  }
0x131: {  	[tilespmem:$0x1FEF0] =	vst v63;
	v63 =	vld [tilespmem:$0x410]  }
0x132: {  	[tilespmem:$0x3B0] =	vst v24;
	v0 =	vadd.s32 v50, v51;
	v51 =	vld [tilespmem:$0x740];
	v24 =	vadd.s32 v53, v54  }
0x133: {  	[tilespmem:$0x3C0] =	vst v24;
	v24 =	vadd.s32 v55, v56;
	v59 =	vld [tilespmem:$0x1FEC0]  }
0x134: {  	[tilespmem:$0x3D0] =	vst v24;
	v24 =	vadd.s32 v57, v58;
	v57 =	vld [tilespmem:$0x1FF30]  }
0x135: {  	v62 =	vld [tilespmem:$0x1FED0]  }
0x136: {  	[tilespmem:$0x1FF00] =	vst v63;
	v63 =	vld [tilespmem:$0xC10]  }
0x137: {  	v52 =	vld [tilespmem:$0x1FEE0]  }
0x138: {  	v53 =	vld [tilespmem:$0x1FEF0]  }
0x139: {  	v58 =	vld [tilespmem:$0x1FF40]  }
0x13a: {  	[tilespmem:$0x3E0] =	vst v24;
	v24 =	vadd.s32 v59, v62;
	v59 =	vld [tilespmem:$0x1FF50]  }
0x13b: {  	[tilespmem:$0x1FF10] =	vst v63;
	v63 =	vld [tilespmem:$0x420]  }
0x13c: {  	v54 =	vld [tilespmem:$0x1FF00]  }
0x13d: {  	[tilespmem:$0x3F0] =	vst v24;
	v24 =	vadd.s32 v52, v53;
	v52 =	vld [tilespmem:$0x640]  }
0x13e: {  	v53 =	vld [tilespmem:$0xE40]  }
0x13f: {  	v55 =	vld [tilespmem:$0x1FF10]  }
0x140: {  	[tilespmem:$0x1FF20] =	vst v63;
	v63 =	vld [tilespmem:$0xC20]  }
0x141: {  	v56 =	vld [tilespmem:$0x1FF20]  }
0x142: {  	v62 =	vld [tilespmem:$0x1FF60]  }
0x143: {  	[tilespmem:$0x630] =	vst v0;
	v0 =	vadd.s32 v52, v53;
	v52 =	vld [tilespmem:$0xF40]  }
0x144: {  	v53 =	vld [tilespmem:$0x750]  }
0x145: {  	[tilespmem:$0x400] =	vst v24;
	v24 =	vadd.s32 v54, v55;
	v54 =	vld [tilespmem:$0x650]  }
0x146: {  	[tilespmem:$0x410] =	vst v24;
	v24 =	vadd.s32 v56, v63;
	v63 =	vld [tilespmem:$0x1FF70]  }
0x147: {  	[tilespmem:$0x420] =	vst v24;
	v24 =	vadd.s32 v57, v58;
	v57 =	vld [tilespmem:$0x1FF80]  }
0x148: {  	v55 =	vld [tilespmem:$0xE50]  }
0x149: {  	v58 =	vld [tilespmem:$0x1FF90]  }
0x14a: {  	[tilespmem:$0x430] =	vst v24;
	v24 =	vadd.s32 v59, v62;
	v59 =	vld [tilespmem:$0x1FFA0]  }
0x14b: {  	v62 =	vld [tilespmem:$0x1FFB0]  }
0x14c: {  	[tilespmem:$0x440] =	vst v24;
	v24 =	vadd.s32 v63, v57;
	v63 =	vld [tilespmem:$0x1FFC0]  }
0x14d: {  	v56 =	vld [tilespmem:$0x660]  }
0x14e: {  	[tilespmem:$0x640] =	vst v0;
	v0 =	vadd.s32 v54, v55;
	v54 =	vld [tilespmem:$0xF50]  }
0x14f: {  	v55 =	vld [tilespmem:$0x760]  }
0x150: {  	v57 =	vld [tilespmem:$0xE60];
	[tilespmem:$0x450] =	vst v24;
	v24 =	vadd.s32 v58, v59  }
0x151: {  	[tilespmem:$0x460] =	vst v24;
	v24 =	vadd.s32 v62, v63;
	v62 =	vld [tilespmem:$0x1FFD0]  }
0x152: {  	v63 =	vld [tilespmem:$0x1FFE0]  }
0x153: {  	v59 =	vld [tilespmem:$0x1FFF0]  }
0x154: {  	v58 =	vld [tilespmem:$0x670]  }
0x155: {  	[tilespmem:$0x650] =	vst v0;
	v0 =	vadd.s32 v56, v57;
	v56 =	vld [tilespmem:$0xF60]  }
0x156: {  	v57 =	vld [tilespmem:$0x770]  }
0x157: {  	[tilespmem:$0x470] =	vst v24;
	v24 =	vadd.s32 v62, v63;
	v62 =	vadd.s32 v61, v46;
	v46 =	vld [tilespmem:$0xE70]  }
0x158: {  	v18 =	vadd.s32 v27, v18;
	v63 =	vadd.s32 v47, v38;
	v38 =	vld [tilespmem:$0x680]  }
0x159: {  	[tilespmem:$0x4D0] =	vst v18;
	v47 =	vadd.s32 v35, v26;
	v26 =	vld [tilespmem:$0xE80]  }
0x15a: {  	[tilespmem:$0x660] =	vst v0;
	v61 =	vld [tilespmem:$0x6F0]  }
0x15b: {  	v35 =	vld [tilespmem:$0xF00];
	[tilespmem:$0x480] =	vst v24;
	v24 =	vadd.s32 v59, v60  }
0x15c: {  	[tilespmem:$0x490] =	vst v24;
	v24 =	vld [tilespmem:$0x690]  }
0x15d: {  	[tilespmem:$0x4A0] =	vst v62;
	v59 =	vld [tilespmem:$0x6E0]  }
0x15e: {  	[tilespmem:$0x4B0] =	vst v63;
	v60 =	vld [tilespmem:$0xEE0]  }
0x15f: {  	[tilespmem:$0x4C0] =	vst v47;
	v62 =	vld [tilespmem:$0xEF0];
	v0 =	vadd.s32 v58, v46  }
0x160: {  	v63 =	vld [tilespmem:$0x700];
	[tilespmem:$0x670] =	vst v0;
	v0 =	vadd.s32 v38, v26  }
0x161: {  	v47 =	vld [tilespmem:$0x730];
	[tilespmem:$0x680] =	vst v0;
	v0 =	vadd.s32 v24, v15  }
0x162: {  	v58 =	vld [tilespmem:$0x7B0];
	[tilespmem:$0x690] =	vst v0;
	v0 =	vadd.s32 v6, v1  }
0x163: {  	v1 =	vld [tilespmem:$0xF70];
	[tilespmem:$0x6A0] =	vst v0;
	v0 =	vadd.s32 v2, v3  }
0x164: {  	v6 =	vld [tilespmem:$0x7A0];
	[tilespmem:$0x6B0] =	vst v0;
	v0 =	vadd.s32 v4, v5  }
0x165: {  	v2 =	vld [tilespmem:$0x780];
	[tilespmem:$0x6C0] =	vst v0;
	v0 =	vadd.s32 v7, v8  }
0x166: {  	v3 =	vld [tilespmem:$0xF80];
	[tilespmem:$0x6D0] =	vst v0;
	v0 =	vadd.s32 v59, v60  }
0x167: {  	v4 =	vld [tilespmem:$0x790];
	[tilespmem:$0x6E0] =	vst v0;
	v0 =	vadd.s32 v61, v62  }
0x168: {  	v5 =	vld [tilespmem:$0xF90];
	[tilespmem:$0x6F0] =	vst v0;
	v0 =	vadd.s32 v63, v35  }
0x169: {  	v7 =	vld [tilespmem:$0xFA0];
	[tilespmem:$0x700] =	vst v0;
	v0 =	vadd.s32 v36, v39  }
0x16a: {  	v59 =	vld [tilespmem:$0xFB0];
	[tilespmem:$0x710] =	vst v0;
	v0 =	vadd.s32 v41, v43  }
0x16b: {  	v60 =	vld [tilespmem:$0x7C0];
	[tilespmem:$0x720] =	vst v0;
	v0 =	vadd.s32 v47, v49  }
0x16c: {  	v61 =	vld [tilespmem:$0xFC0];
	[tilespmem:$0x730] =	vst v0;
	v0 =	vadd.s32 v51, v52  }
0x16d: {  	v62 =	vld [tilespmem:$0x7D0];
	[tilespmem:$0x740] =	vst v0;
	v0 =	vadd.s32 v53, v54  }
0x16e: {  	v63 =	vld [tilespmem:$0xFD0];
	[tilespmem:$0x750] =	vst v0;
	v0 =	vadd.s32 v55, v56  }
0x16f: {  	[tilespmem:$0x760] =	vst v0;
	v0 =	vadd.s32 v57, v1;
	v1 =	vld [tilespmem:$0x7E0]  }
0x170: {  	[tilespmem:$0x770] =	vst v0;
	v0 =	vadd.s32 v2, v3;
	v2 =	vld [tilespmem:$0xFE0]  }
0x171: {  	v3 =	vld [tilespmem:$0x7F0];
	[tilespmem:$0x780] =	vst v0;
	v0 =	vadd.s32 v4, v5  }
0x172: {  	v4 =	vld [tilespmem:$0xFF0];
	[tilespmem:$0x790] =	vst v0;
	v0 =	vadd.s32 v6, v7  }
0x173: {  	[tilespmem:$0x7A0] =	vst v0;
	v0 =	vadd.s32 v58, v59  }
0x174: {  	[tilespmem:$0x7B0] =	vst v0;
	v0 =	vadd.s32 v60, v61  }
0x175: {  	[tilespmem:$0x7C0] =	vst v0;
	v0 =	vadd.s32 v62, v63  }
0x176: {  	[tilespmem:$0x7D0] =	vst v0;
	v0 =	vadd.s32 v1, v2  }
0x177: {  	[tilespmem:$0x7E0] =	vst v0;
	v0 =	vadd.s32 v3, v4  }
0x178: {  	s23 =	simm.s32 $0x1000;
	[tilespmem:$0x7F0] =	vst v0  }
0x179: {  	[tilespmem:s23], [sflag:$0x1] =	stream.indirect.gather [hbm4b:s4+s11], $0x10, s21, s11, $0xb8;
	[tilespmem:$0x11000] =	vst v63  }
0x17a: {  	s23 =	simm.s32 $0x1800  }
0x17b: {  	[tilespmem:s23], [sflag:$0x1] =	stream.indirect.gather [hbm4b:s4+s11], $0x10, s11, s11, $0xb8;
	[tilespmem:$0x11000] =	vst v63  }
0x17c: {  	s22 =	simm.s32 $0x100;
	s23 =	simm.s32 $0x2000  }
0x17d: {  	[tilespmem:s23], [sflag:$0x1] =	stream.indirect.gather [hbm4b:s4+s11], $0x10, s22, s11, $0xb8;
	[tilespmem:$0x11000] =	vst v63  }
0x17e: {  	s22 =	simm.s32 $0x180;
	s23 =	simm.s32 $0x2800  }
0x17f: {  	[tilespmem:s23], [sflag:$0x1] =	stream.indirect.gather [hbm4b:s4+s11], $0x10, s22, s11, $0xb8;
	[tilespmem:$0x11000] =	vst v63  }
0x180: {  	s22 =	simm.s32 $0x200;
	s23 =	simm.s32 $0x3000  }
0x181: {  	[tilespmem:s23], [sflag:$0x1] =	stream.indirect.gather [hbm4b:s4+s11], $0x10, s22, s11, $0xb8;
	[tilespmem:$0x11000] =	vst v63  }
0x182: {  	s22 =	simm.s32 $0x280;
	s23 =	simm.s32 $0x3800  }
0x183: {  	[tilespmem:s23], [sflag:$0x1] =	stream.indirect.gather [hbm4b:s4+s11], $0x10, s22, s11, $0xb8;
	[tilespmem:$0x11000] =	vst v63  }
0x184: {  	s22 =	simm.s32 $0x300;
	s23 =	simm.s32 $0x4000  }
0x185: {  	[tilespmem:s23], [sflag:$0x1] =	stream.indirect.gather [hbm4b:s4+s11], $0x10, s22, s11, $0xb8;
	[tilespmem:$0x11000] =	vst v63  }
0x186: {  	_ = 	snop  }
0x187: {  	[tilespmem:s25], [sflag:$0x1] =	stream.indirect.gather [hbm4b:s4+s11], $0x10, s24, s11, $0xb8;
	[tilespmem:$0x11000] =	vst v63  }
0x188: {  	_ = 	snop  }
0x189: {  	[tilespmem:s28], [sflag:$0x1] =	stream.indirect.gather [hbm4b:s4+s11], $0x10, s26, s11, $0xb8;
	[tilespmem:$0x11000] =	vst v63  }
0x18a: {  	_ = 	snop  }
0x18b: {  	[tilespmem:s30], [sflag:$0x1] =	stream.indirect.gather [hbm4b:s4+s11], $0x10, s29, s11, $0xb8;
	[tilespmem:$0x11000] =	vst v63  }
0x18c: {  	_ = 	snop  }
0x18d: {  	[tilespmem:s0], [sflag:$0x1] =	stream.indirect.gather [hbm4b:s4+s11], $0x10, s31, s11, $0xb8;
	[tilespmem:$0x11000] =	vst v63  }
0x18e: {  	_ = 	snop  }
0x18f: {  	[tilespmem:s9], [sflag:$0x1] =	stream.indirect.gather [hbm4b:s4+s11], $0x10, s2, s11, $0xb8;
	[tilespmem:$0x11000] =	vst v63  }
0x190: {  	_ = 	snop  }
0x191: {  	[tilespmem:s8], [sflag:$0x1] =	stream.indirect.gather [hbm4b:s4+s11], $0x10, s6, s11, $0xb8;
	[tilespmem:$0x11000] =	vst v63  }
0x192: {  	_ = 	snop  }
0x193: {  	[tilespmem:s13], [sflag:$0x1] =	stream.indirect.gather [hbm4b:s4+s11], $0x10, s12, s11, $0xb8;
	[tilespmem:$0x11000] =	vst v63  }
0x194: {  	_ = 	snop  }
0x195: {  	[tilespmem:s14], [sflag:$0x1] =	stream.indirect.gather [hbm4b:s4+s11], $0x10, s1, s11, $0xb8;
	[tilespmem:$0x11000] =	vst v63  }
0x196: {  	_ = 	snop  }
0x197: {  	[tilespmem:s16], [sflag:$0x1] =	stream.indirect.gather [hbm4b:s4+s11], $0x10, s15, s11, $0xb8;
	[tilespmem:$0x11000] =	vst v63  }
0x198: {  	_ =	swait.ge [sflag:s17], $0x800  }
0x199: {  	[sflag:s17] =	ssyncset.done $0x0  }
0x19a: {  	[sflag:s17] =	ssyncadd.s32 $0xFFFFF800  }
0x19b: {  	_ =	swait.ge [sflag:s17], $0x800  }
0x19c: {  	[sflag:s17] =	ssyncset.done $0x0  }
0x19d: {  	[sflag:s17] =	ssyncadd.s32 $0xFFFFF800  }
0x19e: {  	_ =	swait.ge [sflag:s17], $0x800  }
0x19f: {  	[sflag:s17] =	ssyncset.done $0x0  }
0x1a0: {  	[sflag:s17] =	ssyncadd.s32 $0xFFFFF800  }
0x1a1: {  	_ =	swait.ge [sflag:s17], $0x800  }
0x1a2: {  	[sflag:s17] =	ssyncset.done $0x0  }
0x1a3: {  	[sflag:s17] =	ssyncadd.s32 $0xFFFFF800  }
0x1a4: {  	_ =	swait.ge [sflag:s17], $0x800  }
0x1a5: {  	[sflag:s17] =	ssyncset.done $0x0  }
0x1a6: {  	[sflag:s17] =	ssyncadd.s32 $0xFFFFF800  }
0x1a7: {  	_ =	swait.ge [sflag:s17], $0x800  }
0x1a8: {  	[sflag:s17] =	ssyncset.done $0x0  }
0x1a9: {  	[sflag:s17] =	ssyncadd.s32 $0xFFFFF800  }
0x1aa: {  	_ =	swait.ge [sflag:s17], $0x800  }
0x1ab: {  	[sflag:s17] =	ssyncset.done $0x0  }
0x1ac: {  	[sflag:s17] =	ssyncadd.s32 $0xFFFFF800  }
0x1ad: {  	_ =	swait.ge [sflag:s17], $0x800  }
0x1ae: {  	[sflag:s17] =	ssyncset.done $0x0  }
0x1af: {  	[sflag:s17] =	ssyncadd.s32 $0xFFFFF800  }
0x1b0: {  	_ =	swait.ge [sflag:s17], $0x800  }
0x1b1: {  	[sflag:s17] =	ssyncset.done $0x0  }
0x1b2: {  	[sflag:s17] =	ssyncadd.s32 $0xFFFFF800  }
0x1b3: {  	_ =	swait.ge [sflag:s17], $0x800  }
0x1b4: {  	[sflag:s17] =	ssyncset.done $0x0  }
0x1b5: {  	[sflag:s17] =	ssyncadd.s32 $0xFFFFF800  }
0x1b6: {  	_ =	swait.ge [sflag:s17], $0x800  }
0x1b7: {  	[sflag:s17] =	ssyncset.done $0x0  }
0x1b8: {  	[sflag:s17] =	ssyncadd.s32 $0xFFFFF800  }
0x1b9: {  	_ =	swait.ge [sflag:s17], $0x800  }
0x1ba: {  	[sflag:s17] =	ssyncset.done $0x0  }
0x1bb: {  	[sflag:s17] =	ssyncadd.s32 $0xFFFFF800  }
0x1bc: {  	_ =	swait.ge [sflag:s17], $0x800  }
0x1bd: {  	[sflag:s17] =	ssyncset.done $0x0  }
0x1be: {  	[sflag:s17] =	ssyncadd.s32 $0xFFFFF800  }
0x1bf: {  	_ =	swait.ge [sflag:s17], $0x800  }
0x1c0: {  	[sflag:s17] =	ssyncset.done $0x0  }
0x1c1: {  	[sflag:s17] =	ssyncadd.s32 $0xFFFFF800  }
0x1c2: {  	_ =	swait.ge [sflag:s17], $0x800  }
0x1c3: {  	[sflag:s17] =	ssyncset.done $0x0  }
0x1c4: {  	[sflag:s17] =	ssyncadd.s32 $0xFFFFF800  }
0x1c5: {  	_ =	swait.ge [sflag:s17], $0x800  }
0x1c6: {  	[sflag:s17] =	ssyncset.done $0x0  }
0x1c7: {  	s21 =	simm.s32 $0x0;
	[sflag:s17] =	ssyncadd.s32 $0xFFFFF800  }
0x1c8: {  	v3 =	vld [tilespmem:s21+$0x1070]  }
0x1c9: {  	v4 =	vld [tilespmem:s21+$0x1000]  }
0x1ca: {  	v5 =	vld [tilespmem:s21+$0x1010]  }
0x1cb: {  	v2 =	vld [tilespmem:s21+$0x1020]  }
0x1cc: {  	v0 =	vld [tilespmem:s21+$0x1030]  }
0x1cd: {  	v1 =	vld [tilespmem:s21+$0x1040];
	[tilespmem:s21+$0x9070] =	vst v3  }
0x1ce: {  	[tilespmem:s21+$0x9000] =	vst v4;
	v3 =	vld [tilespmem:s21+$0x1050]  }
0x1cf: {  	s22 =	simm.s32 $0x80;
	s23 =	simm.s32 $0x400;
	[tilespmem:s21+$0x9010] =	vst v5;
	v4 =	vld [tilespmem:s21+$0x1060]  }
.LBB2_3:
0x1d0: {  	p0 =	sne.s32 s23, $0x1FE00;
	v5 =	vld [tilespmem:s22+$0x1070];
	[tilespmem:s21+$0x9020] =	vst v2  }
0x1d1: {  	v6 =	vld [tilespmem:s22+$0x1000];
	[tilespmem:s21+$0x9030] =	vst v0  }
0x1d2: {  	v7 =	vld [tilespmem:s22+$0x1010];
	[tilespmem:s21+$0x9040] =	vst v1  }
.Ltmp0:
0x1d3: {  	v2 =	vld [tilespmem:s22+$0x1020];
	[tilespmem:s21+$0x9050] =	vst v3;
	(pc) =	sbr.rel @p0 .LBB2_3-.Ltmp0, $4  }
0x1d4: {  	v0 =	vld [tilespmem:s22+$0x1030];
	[tilespmem:s21+$0x9060] =	vst v4;
	s21 =	smov.u32 s22  }
0x1d5: {  	v1 =	vld [tilespmem:s21+$0x1040];
	[tilespmem:s21+$0x9070] =	vst v5  }
0x1d6: {  	[tilespmem:s21+$0x9000] =	vst v6;
	v3 =	vld [tilespmem:s21+$0x1050]  }
0x1d7: {  	s22 =	sshra.s32 s23, $0x2;
	s23 =	sadd.s32 $0x200, s23;
	[tilespmem:s21+$0x9010] =	vst v7;
	v4 =	vld [tilespmem:s21+$0x1060]  }
0x1d8: {  	v5 =	vld [tilespmem:s22+$0x1070];
	[tilespmem:s21+$0x9020] =	vst v2  }
0x1d9: {  	v2 =	vld [tilespmem:s22+$0x1000];
	[tilespmem:s21+$0x9030] =	vst v0  }
0x1da: {  	v0 =	vld [tilespmem:s22+$0x1010];
	[tilespmem:s21+$0x9040] =	vst v1  }
0x1db: {  	v1 =	vld [tilespmem:s22+$0x1020];
	[tilespmem:s21+$0x9050] =	vst v3  }
0x1dc: {  	v3 =	vld [tilespmem:s22+$0x1030];
	[tilespmem:s21+$0x9060] =	vst v4  }
0x1dd: {  	v4 =	vld [tilespmem:s22+$0x1040];
	[tilespmem:s22+$0x9070] =	vst v5  }
0x1de: {  	v62 =	vld [tilespmem:s22+$0x1050];
	[tilespmem:s22+$0x9000] =	vst v2  }
0x1df: {  	v63 =	vld [tilespmem:s22+$0x1060];
	[tilespmem:s22+$0x9010] =	vst v0  }
0x1e0: {  	[tilespmem:s22+$0x9020] =	vst v1  }
0x1e1: {  	[tilespmem:s22+$0x9030] =	vst v3  }
0x1e2: {  	s19 =	sadd.s32 $0x1, s19;
	[tilespmem:s22+$0x9040] =	vst v4  }
0x1e3: {  	s20 =	sshll.u32 s20, $0x1;
	p0 =	sne.s32 s19, $0x8;
	[tilespmem:s22+$0x9050] =	vst v62  }
.Ltmp1:
0x1e4: {  	s23 =	simm.s32 $0x0;
	s20 =	sadd.s32 s5, s20;
	[tilespmem:s22+$0x9060] =	vst v63;
	(pc) =	sbr.rel @p0 .LBB2_2-.Ltmp1, $4  }
0x1e5: {  	[hbm4b:s20+s23] =	stream.linear.scatter [tilespmem:s18], [sflag:$0x2], $0x8000, $0x38;
	[tilespmem:$0x11000] =	vst v63  }
0x1e6: {  	_ =	swait.ge [sflag:s10], $0x8000  }
0x1e7: {  	[sflag:s10] =	ssyncset.done $0x0  }
0x1e8: {  	[sflag:s10] =	ssyncadd.s32 $0xFFFF8000  }
0x1e9: {  	s20 =	rddreg [dreg:$0x5]  }
0x1ea: {  	s19 =	rddreg [dreg:$0x4];
	s20 =	sadd.s32 $0x1, s20  }
0x1eb: {  	p0 =	sne.s32 s20, s19  }
.Ltmp2:
0x1ec: {  	_ = 	snop;
	(pc) =	sbr.rel @p0 .LBB2_1-.Ltmp2, $1  }
0x1ed: {  	_ =	sdelay $0x3  }
0x1ee: {  	_ =	sfence.sel $0x180000  }
0x1ef: {  	[bflag:$0x0] =	sbarrier.arrive $0xFFFF  }
0x1f0: {  	_ =	strace $0x90000047  }
0x1f1: {  	s0 =	stileid.u32;
	[bflag:$0x2] =	sbarrier.arrive $0xFFFF  }
0x1f2: {  	p0 =	sne.s32 s0, $0x0;
	s0 =	rddreg [dreg:$0x2]  }
0x1f3: {  	s0 =	sadd.s32 @!p0 $0x100000, s0  }
0x1f4: {  	[sflag:s0] =	ssyncadd.tile.s32 @!p0 $0x1;
	_ =	shalt  }
.Lfunc_end2:
_tile_overlayer_lowered:
.L_overlay_start_2:
0x1f5: {  	(tag) =	ssettag $0x2  }
0x1f6: {  	s0 =	rddreg [dreg:$0x0];
	s2 =	stileid.u32  }
0x1f7: {  	s1 =	rddreg [dreg:$0x1];
	p0 =	sne.s32 s2, $0x0  }
0x1f8: {  	s3 =	rddreg [dreg:$0x2];
	[bflag:$0x3] =	sbarrier.arrive $0xFFFF;
	s2 =	simm.s32 @!p0 $0x1C02  }
0x1f9: {  	[timem:s3], [sflag:s2] =	dma.local @!p0 [hbm:s0], s1  }
0x1fa: {  	s0 =	simm.s32 @!p0 $0x2  }
0x1fb: {  	_ =	swait.ge @!p0 [sflag:s0], s1  }
0x1fc: {  	s1 =	ssub.s32 @!p0 $0x0, s1;
	[sflag:s0] =	ssyncset.done @!p0 $0x0  }
0x1fd: {  	[sflag:s0] =	ssyncadd.s32 @!p0 s1  }
0x1fe: {  	[bflag:$0x3] =	sbarrier.arrive $0xFFFF  }
0x1ff: {  	_ =	shalt  }

</sc_bundles>
